<compile_context>
chip_gen: v7x
topology: tpu7x:2x2x1
jax: 0.10.2.dev20260603
libtpu: 0.0.44.dev20260713+nightly
codegen_flags: <defaults>
</compile_context>

<pallas_src>
import functools
import jax
import jax.numpy as jnp
from jax import lax
from jax.experimental import pallas as pl
from jax.experimental.pallas import tpu as pltpu
from jax.experimental.pallas import tpu_sc as plsc

_BT = 96
_BB = 8
_C = 1024
_NW = 32


def _tc_body(x_ref, o_ref):
    x = x_ref[...]
    C = x.shape[2]
    iota_s = jax.lax.broadcasted_iota(jnp.int32, (8, C), 0)
    out = jnp.zeros((8, C), jnp.int32)
    for b in range(_BB):
        xb = x[b]
        g = [xb[8 * k:8 * (k + 1), :] for k in range(4)]
        v = jnp.minimum(jnp.minimum(g[0], g[1]), jnp.minimum(g[2], g[3]))
        for sh in (4, 2, 1):
            v = jnp.minimum(v, pltpu.roll(v, sh, axis=0))
        idx = jnp.full((8, C), 64, jnp.int32)
        for k in range(4):
            idx = jnp.minimum(idx, jnp.where(g[k] == v, iota_s + 8 * k, 64))
        for sh in (4, 2, 1):
            idx = jnp.minimum(idx, pltpu.roll(idx, sh, axis=0))
        out = jnp.where(iota_s == b, idx, out)
    o_ref[...] = out


def _sc_body(x_hbm, o_hbm, xv0, xv1, iv, sem0, sem1):
    B, R, C = x_hbm.shape
    nchunk = C // _C
    T = (B - _BT) * nchunk // _NW
    wid = lax.axis_index("s") * 2 + lax.axis_index("c")
    q0 = wid * T

    def src(t):
        q = q0 + t
        b = _BT + q // nchunk
        c0 = (q % nchunk) * _C
        return x_hbm.at[b, :, pl.ds(c0, _C)]

    def start(t, xv, sem):
        pltpu.make_async_copy(src(t), xv, sem).start()

    def compute(t, xv, sem):
        pltpu.make_async_copy(src(t), xv, sem).wait()

        def group(gi, _):
            base = gi * 16
            best = xv[0, pl.ds(base, 16)]
            bidx = jnp.zeros((16,), jnp.int32)
            for r in range(1, R):
                v = xv[r, pl.ds(base, 16)]
                m = v < best
                best = jnp.where(m, v, best)
                bidx = jnp.where(m, jnp.full((16,), r, jnp.int32), bidx)
            iv[pl.ds(base, 16)] = bidx
            return 0

        lax.fori_loop(0, _C // 16, group, 0, unroll=2)
        q = q0 + t
        b = _BT + q // nchunk
        c0 = (q % nchunk) * _C
        pltpu.sync_copy(iv, o_hbm.at[b - _BT, pl.ds(c0, _C)])

    start(0, xv0, sem0)

    def body(i, _):
        t0 = 2 * i
        start(t0 + 1, xv1, sem1)
        compute(t0, xv0, sem0)

        @pl.when(i < T // 2 - 1)
        def _():
            start(t0 + 2, xv0, sem0)

        compute(t0 + 1, xv1, sem1)
        return 0

    lax.fori_loop(0, T // 2, body, 0)


def kernel(x):
    B, R, C = x.shape
    sc = functools.partial(
        pl.kernel,
        out_type=jax.ShapeDtypeStruct((B - _BT, C), jnp.int32),
        mesh=plsc.VectorSubcoreMesh(core_axis_name="c", subcore_axis_name="s"),
        scratch_types=[
            pltpu.VMEM((R, _C), jnp.float32),
            pltpu.VMEM((R, _C), jnp.float32),
            pltpu.VMEM((_C,), jnp.int32),
            pltpu.SemaphoreType.DMA,
            pltpu.SemaphoreType.DMA,
        ],
    )(_sc_body)
    out_sc = sc(x)
    out_tc = pl.pallas_call(
        _tc_body,
        grid=(_BT // _BB,),
        in_specs=[pl.BlockSpec((_BB, R, C), lambda i: (i, 0, 0))],
        out_specs=pl.BlockSpec((_BB, C), lambda i: (i, 0)),
        out_shape=jax.ShapeDtypeStruct((_BT, C), jnp.int32),
    )(x)
    return jnp.concatenate([out_tc, out_sc], axis=0)

# --- scband reference (transcript-rebuilt; emitter-appended) ---
"""Pipeline reference for scband-model-new-85736137163542 (READ-ONLY COPY).

The authoritative reference and input builder live on the scoring server;
editing this copy changes nothing except your own understanding.
"""

import jax, jax.numpy as jnp
import numpy as np


def setup_inputs(seed: int = 0) -> dict:
    key = jax.random.key(seed)
    x = jax.random.normal(key, (128, 32, 8192), dtype=jnp.float32)
    return {"x": x}


def reference(x):
    # Faithful semantics of the module: argmin along dim=1 of a 3D tensor.
    # (The Triton kernel implements an argmin reduction; the canonical torch
    #  Model this was derived from computes torch.argmin(x, dim=self.dim).)
    return jnp.argmin(x, axis=1)

if __name__ == "__main__":
    import jax
    _d = setup_inputs()
    print(jax.jit(kernel)(*tuple(_d.values())))

</pallas_src>

<mosaic_0001>
#map = affine_map<(d0, d1) -> (0, 0, 0)>
#map1 = affine_map<(d0, d1) -> (0, 0)>
module attributes {stable_mosaic.version = 14 : i64} {
  func.func @_sc_body(%arg0: i32, %arg1: i32, %arg2: memref<128x32x8192xf32, #tpu.memory_space<hbm>>, %arg3: memref<32x8192xi32, #tpu.memory_space<hbm>>, %arg4: memref<32x1024xf32, #tpu.memory_space<vmem>>, %arg5: memref<32x1024xf32, #tpu.memory_space<vmem>>, %arg6: memref<1024xi32, #tpu.memory_space<vmem>>, %arg7: memref<!tpu.dma_semaphore, #tpu.memory_space<semaphore_mem>>, %arg8: memref<!tpu.dma_semaphore, #tpu.memory_space<semaphore_mem>>) attributes {dimension_semantics = [#tpu.dimension_semantics<core_parallel>, #tpu.dimension_semantics<subcore_parallel>], iteration_bounds = array<i64: 2, 16>, scalar_prefetch = 0 : i64, scratch_operands = 5 : i64, tpu.core_type = #tpu.core_type<sc_vector_subcore>, window_params = [{transform_indices = #map}, {transform_indices = #map1}]} {
    %mul3A = arith.constant 2 : i32
    %mul3A_0 = arith.muli %arg1, %mul3A : i32
    %add3A = arith.addi %mul3A_0, %arg0 : i32
    %mul3A_1 = arith.constant 8 : i32
    %mul3A_2 = arith.muli %add3A, %mul3A_1 : i32
    %add3A_3 = arith.constant 0 : i32
    %add3A_4 = arith.addi %mul3A_2, %add3A_3 : i32
    %jit3A = arith.constant 8 : i32
    %div3A = arith.divsi %add3A_4, %jit3A : i32
    %sign3A = arith.constant 0 : i32
    %sign3A_5 = arith.cmpi sgt, %add3A_4, %sign3A : i32
    %sign3A_6 = arith.extui %sign3A_5 : i1 to i32
    %sign3A_7 = arith.constant 0 : i32
    %sign3A_8 = arith.cmpi slt, %add3A_4, %sign3A_7 : i32
    %sign3A_9 = arith.extui %sign3A_8 : i1 to i32
    %sign3A_10 = arith.subi %sign3A_6, %sign3A_9 : i32
    %sign3A_11 = arith.constant 0 : i32
    %sign3A_12 = arith.cmpi sgt, %jit3A, %sign3A_11 : i32
    %sign3A_13 = arith.extui %sign3A_12 : i1 to i32
    %sign3A_14 = arith.constant 0 : i32
    %sign3A_15 = arith.cmpi slt, %jit3A, %sign3A_14 : i32
    %sign3A_16 = arith.extui %sign3A_15 : i1 to i32
    %sign3A_17 = arith.subi %sign3A_13, %sign3A_16 : i32
    %ne3A = arith.cmpi ne, %sign3A_10, %sign3A_17 : i32
    %rem3A = arith.remsi %add3A_4, %jit3A : i32
    %ne3A_18 = arith.constant 0 : i32
    %ne3A_19 = arith.cmpi ne, %rem3A, %ne3A_18 : i32
    %and3A = arith.andi %ne3A, %ne3A_19 : i1
    %sub3A = arith.constant 1 : i32
    %sub3A_20 = arith.subi %div3A, %sub3A : i32
    %select_n3A = arith.select %and3A, %sub3A_20, %div3A : i32
    %add3A_21 = arith.constant 96 : i32
    %add3A_22 = arith.addi %add3A_21, %select_n3A : i32
    %jit3A_23 = arith.constant 8 : i32
    %eq3A = arith.constant 0 : i32
    %eq3A_24 = arith.cmpi eq, %jit3A_23, %eq3A : i32
    %jit3A_25 = arith.constant 1 : i32
    %select_n3A_26 = arith.select %eq3A_24, %jit3A_25, %jit3A_23 : i32
    %rem3A_27 = arith.remsi %add3A_4, %select_n3A_26 : i32
    %ne3A_28 = arith.constant 0 : i32
    %ne3A_29 = arith.cmpi ne, %rem3A_27, %ne3A_28 : i32
    %lt3A = arith.constant 0 : i32
    %lt3A_30 = arith.cmpi slt, %rem3A_27, %lt3A : i32
    %lt3A_31 = arith.constant 0 : i32
    %lt3A_32 = arith.cmpi slt, %select_n3A_26, %lt3A_31 : i32
    %ne3A_33 = arith.xori %lt3A_30, %lt3A_32 : i1
    %and3A_34 = arith.andi %ne3A_33, %ne3A_29 : i1
    %add3A_35 = arith.addi %rem3A_27, %select_n3A_26 : i32
    %select_n3A_36 = arith.select %and3A_34, %add3A_35, %rem3A_27 : i32
    %mul3A_37 = arith.constant 1024 : i32
    %mul3A_38 = arith.muli %select_n3A_36, %mul3A_37 : i32
    %dma_start3A = arith.constant 0 : i32
    %dma_start3A_39 = tpu.memref_slice %arg2[%add3A_22, %dma_start3A, %mul3A_38] : memref<128x32x8192xf32, #tpu.memory_space<hbm>> -> memref<1x32x1024xf32, #tpu.memory_space<hbm>>
    %dma_start3A_40 = tpu.memref_squeeze %dma_start3A_39 : memref<1x32x1024xf32, #tpu.memory_space<hbm>> -> memref<32x1024xf32, #tpu.memory_space<hbm>>
    %dma_start3A_41 = arith.constant 0 : i32
    %dma_start3A_42 = tpu.memref_slice %arg2[%add3A_22, %dma_start3A_41, %mul3A_38] : memref<128x32x8192xf32, #tpu.memory_space<hbm>> -> memref<1x32x1024xf32, #tpu.memory_space<hbm>>
    %dma_start3A_43 = tpu.memref_squeeze %dma_start3A_42 : memref<1x32x1024xf32, #tpu.memory_space<hbm>> -> memref<32x1024xf32, #tpu.memory_space<hbm>>
    tpu.enqueue_dma source(%dma_start3A_43 : memref<32x1024xf32, #tpu.memory_space<hbm>>) target(%arg4 : memref<32x1024xf32, #tpu.memory_space<vmem>>) target_semaphore(%arg7 : memref<!tpu.dma_semaphore, #tpu.memory_space<semaphore_mem>>)
    %scan3A = arith.constant 0 : i32
    %scan3A_44 = arith.constant 0 : i32
    %scan3A_45 = arith.constant 4 : i32
    %scan3A_46 = arith.addi %scan3A_44, %scan3A_45 : i32
    %scan3A_47 = arith.constant 1 : i32
    %scan3A_48 = scf.for %scan3A_50 = %scan3A_44 to %scan3A_46 step %scan3A_47 iter_args(%scan3A_51 = %scan3A) -> (i32)  : i32 {
      %mul3A_52 = arith.constant 2 : i32
      %mul3A_53 = arith.muli %mul3A_52, %scan3A_50 : i32
      %add3A_54 = arith.constant 1 : i32
      %add3A_55 = arith.addi %mul3A_53, %add3A_54 : i32
      %add3A_56 = arith.addi %mul3A_2, %add3A_55 : i32
      %jit3A_57 = arith.constant 8 : i32
      %div3A_58 = arith.divsi %add3A_56, %jit3A_57 : i32
      %sign3A_59 = arith.constant 0 : i32
      %sign3A_60 = arith.cmpi sgt, %add3A_56, %sign3A_59 : i32
      %sign3A_61 = arith.extui %sign3A_60 : i1 to i32
      %sign3A_62 = arith.constant 0 : i32
      %sign3A_63 = arith.cmpi slt, %add3A_56, %sign3A_62 : i32
      %sign3A_64 = arith.extui %sign3A_63 : i1 to i32
      %sign3A_65 = arith.subi %sign3A_61, %sign3A_64 : i32
      %sign3A_66 = arith.constant 0 : i32
      %sign3A_67 = arith.cmpi sgt, %jit3A_57, %sign3A_66 : i32
      %sign3A_68 = arith.extui %sign3A_67 : i1 to i32
      %sign3A_69 = arith.constant 0 : i32
      %sign3A_70 = arith.cmpi slt, %jit3A_57, %sign3A_69 : i32
      %sign3A_71 = arith.extui %sign3A_70 : i1 to i32
      %sign3A_72 = arith.subi %sign3A_68, %sign3A_71 : i32
      %ne3A_73 = arith.cmpi ne, %sign3A_65, %sign3A_72 : i32
      %rem3A_74 = arith.remsi %add3A_56, %jit3A_57 : i32
      %ne3A_75 = arith.constant 0 : i32
      %ne3A_76 = arith.cmpi ne, %rem3A_74, %ne3A_75 : i32
      %and3A_77 = arith.andi %ne3A_73, %ne3A_76 : i1
      %sub3A_78 = arith.constant 1 : i32
      %sub3A_79 = arith.subi %div3A_58, %sub3A_78 : i32
      %select_n3A_80 = arith.select %and3A_77, %sub3A_79, %div3A_58 : i32
      %add3A_81 = arith.constant 96 : i32
      %add3A_82 = arith.addi %add3A_81, %select_n3A_80 : i32
      %jit3A_83 = arith.constant 8 : i32
      %eq3A_84 = arith.constant 0 : i32
      %eq3A_85 = arith.cmpi eq, %jit3A_83, %eq3A_84 : i32
      %jit3A_86 = arith.constant 1 : i32
      %select_n3A_87 = arith.select %eq3A_85, %jit3A_86, %jit3A_83 : i32
      %rem3A_88 = arith.remsi %add3A_56, %select_n3A_87 : i32
      %ne3A_89 = arith.constant 0 : i32
      %ne3A_90 = arith.cmpi ne, %rem3A_88, %ne3A_89 : i32
      %lt3A_91 = arith.constant 0 : i32
      %lt3A_92 = arith.cmpi slt, %rem3A_88, %lt3A_91 : i32
      %lt3A_93 = arith.constant 0 : i32
      %lt3A_94 = arith.cmpi slt, %select_n3A_87, %lt3A_93 : i32
      %ne3A_95 = arith.xori %lt3A_92, %lt3A_94 : i1
      %and3A_96 = arith.andi %ne3A_95, %ne3A_90 : i1
      %add3A_97 = arith.addi %rem3A_88, %select_n3A_87 : i32
      %select_n3A_98 = arith.select %and3A_96, %add3A_97, %rem3A_88 : i32
      %mul3A_99 = arith.constant 1024 : i32
      %mul3A_100 = arith.muli %select_n3A_98, %mul3A_99 : i32
      %dma_start3A_101 = arith.constant 0 : i32
      %dma_start3A_102 = tpu.memref_slice %arg2[%add3A_82, %dma_start3A_101, %mul3A_100] : memref<128x32x8192xf32, #tpu.memory_space<hbm>> -> memref<1x32x1024xf32, #tpu.memory_space<hbm>>
      %dma_start3A_103 = tpu.memref_squeeze %dma_start3A_102 : memref<1x32x1024xf32, #tpu.memory_space<hbm>> -> memref<32x1024xf32, #tpu.memory_space<hbm>>
      %dma_start3A_104 = arith.constant 0 : i32
      %dma_start3A_105 = tpu.memref_slice %arg2[%add3A_82, %dma_start3A_104, %mul3A_100] : memref<128x32x8192xf32, #tpu.memory_space<hbm>> -> memref<1x32x1024xf32, #tpu.memory_space<hbm>>
      %dma_start3A_106 = tpu.memref_squeeze %dma_start3A_105 : memref<1x32x1024xf32, #tpu.memory_space<hbm>> -> memref<32x1024xf32, #tpu.memory_space<hbm>>
      tpu.enqueue_dma source(%dma_start3A_106 : memref<32x1024xf32, #tpu.memory_space<hbm>>) target(%arg5 : memref<32x1024xf32, #tpu.memory_space<vmem>>) target_semaphore(%arg8 : memref<!tpu.dma_semaphore, #tpu.memory_space<semaphore_mem>>)
      %add3A_107 = arith.addi %mul3A_2, %mul3A_53 : i32
      %jit3A_108 = arith.constant 8 : i32
      %div3A_109 = arith.divsi %add3A_107, %jit3A_108 : i32
      %sign3A_110 = arith.constant 0 : i32
      %sign3A_111 = arith.cmpi sgt, %add3A_107, %sign3A_110 : i32
      %sign3A_112 = arith.extui %sign3A_111 : i1 to i32
      %sign3A_113 = arith.constant 0 : i32
      %sign3A_114 = arith.cmpi slt, %add3A_107, %sign3A_113 : i32
      %sign3A_115 = arith.extui %sign3A_114 : i1 to i32
      %sign3A_116 = arith.subi %sign3A_112, %sign3A_115 : i32
      %sign3A_117 = arith.constant 0 : i32
      %sign3A_118 = arith.cmpi sgt, %jit3A_108, %sign3A_117 : i32
      %sign3A_119 = arith.extui %sign3A_118 : i1 to i32
      %sign3A_120 = arith.constant 0 : i32
      %sign3A_121 = arith.cmpi slt, %jit3A_108, %sign3A_120 : i32
      %sign3A_122 = arith.extui %sign3A_121 : i1 to i32
      %sign3A_123 = arith.subi %sign3A_119, %sign3A_122 : i32
      %ne3A_124 = arith.cmpi ne, %sign3A_116, %sign3A_123 : i32
      %rem3A_125 = arith.remsi %add3A_107, %jit3A_108 : i32
      %ne3A_126 = arith.constant 0 : i32
      %ne3A_127 = arith.cmpi ne, %rem3A_125, %ne3A_126 : i32
      %and3A_128 = arith.andi %ne3A_124, %ne3A_127 : i1
      %sub3A_129 = arith.constant 1 : i32
      %sub3A_130 = arith.subi %div3A_109, %sub3A_129 : i32
      %select_n3A_131 = arith.select %and3A_128, %sub3A_130, %div3A_109 : i32
      %add3A_132 = arith.constant 96 : i32
      %add3A_133 = arith.addi %add3A_132, %select_n3A_131 : i32
      %jit3A_134 = arith.constant 8 : i32
      %eq3A_135 = arith.constant 0 : i32
      %eq3A_136 = arith.cmpi eq, %jit3A_134, %eq3A_135 : i32
      %jit3A_137 = arith.constant 1 : i32
      %select_n3A_138 = arith.select %eq3A_136, %jit3A_137, %jit3A_134 : i32
      %rem3A_139 = arith.remsi %add3A_107, %select_n3A_138 : i32
      %ne3A_140 = arith.constant 0 : i32
      %ne3A_141 = arith.cmpi ne, %rem3A_139, %ne3A_140 : i32
      %lt3A_142 = arith.constant 0 : i32
      %lt3A_143 = arith.cmpi slt, %rem3A_139, %lt3A_142 : i32
      %lt3A_144 = arith.constant 0 : i32
      %lt3A_145 = arith.cmpi slt, %select_n3A_138, %lt3A_144 : i32
      %ne3A_146 = arith.xori %lt3A_143, %lt3A_145 : i1
      %and3A_147 = arith.andi %ne3A_146, %ne3A_141 : i1
      %add3A_148 = arith.addi %rem3A_139, %select_n3A_138 : i32
      %select_n3A_149 = arith.select %and3A_147, %add3A_148, %rem3A_139 : i32
      %mul3A_150 = arith.constant 1024 : i32
      %mul3A_151 = arith.muli %select_n3A_149, %mul3A_150 : i32
      %dma_wait3A = arith.constant 0 : i32
      %dma_wait3A_152 = tpu.memref_slice %arg2[%add3A_133, %dma_wait3A, %mul3A_151] : memref<128x32x8192xf32, #tpu.memory_space<hbm>> -> memref<1x32x1024xf32, #tpu.memory_space<hbm>>
      %dma_wait3A_153 = tpu.memref_squeeze %dma_wait3A_152 : memref<1x32x1024xf32, #tpu.memory_space<hbm>> -> memref<32x1024xf32, #tpu.memory_space<hbm>>
      %dma_wait3A_154 = arith.constant 0 : i32
      %dma_wait3A_155 = tpu.memref_slice %arg2[%add3A_133, %dma_wait3A_154, %mul3A_151] : memref<128x32x8192xf32, #tpu.memory_space<hbm>> -> memref<1x32x1024xf32, #tpu.memory_space<hbm>>
      %dma_wait3A_156 = tpu.memref_squeeze %dma_wait3A_155 : memref<1x32x1024xf32, #tpu.memory_space<hbm>> -> memref<32x1024xf32, #tpu.memory_space<hbm>>
      tpu.wait_dma2 semaphore(%arg7 : memref<!tpu.dma_semaphore, #tpu.memory_space<semaphore_mem>>) src(%dma_wait3A_156 : memref<32x1024xf32, #tpu.memory_space<hbm>>) dst(%arg4 : memref<32x1024xf32, #tpu.memory_space<vmem>>)
      %scan3A_157 = arith.constant 0 : i32
      %scan3A_158 = arith.constant 0 : i32
      %scan3A_159 = arith.constant 64 : i32
      %scan3A_160 = arith.addi %scan3A_158, %scan3A_159 : i32
      %scan3A_161 = arith.constant 2 : i32
      %scan3A_162 = scf.for %scan3A_322 = %scan3A_158 to %scan3A_160 step %scan3A_161 iter_args(%scan3A_323 = %scan3A_157) -> (i32)  : i32 {
        %mul3A_324 = arith.constant 16 : i32
        %mul3A_325 = arith.muli %scan3A_322, %mul3A_324 : i32
        %get3A = arith.constant 0 : i32
        %get3A_326 = arith.index_cast %get3A : i32 to index
        %get3A_327 = arith.index_cast %mul3A_325 : i32 to index
        %get3A_328 = tpu.vector_load %arg4[%get3A_326, %get3A_327] {strides = array<i32>} : memref<32x1024xf32, #tpu.memory_space<vmem>>, vector<1x16xf32>,
        %get3A_329 = vector.shape_cast %get3A_328 : vector<1x16xf32> to vector<16xf32>
        %broadcast_in_dim3A = arith.constant 0 : i32
        %broadcast_in_dim3A_330 = vector.broadcast %broadcast_in_dim3A : i32 to vector<16xi32>
        %get3A_331 = arith.constant 1 : i32
        %get3A_332 = arith.index_cast %get3A_331 : i32 to index
        %get3A_333 = arith.index_cast %mul3A_325 : i32 to index
        %get3A_334 = tpu.vector_load %arg4[%get3A_332, %get3A_333] {strides = array<i32>} : memref<32x1024xf32, #tpu.memory_space<vmem>>, vector<1x16xf32>,
        %get3A_335 = vector.shape_cast %get3A_334 : vector<1x16xf32> to vector<16xf32>
        %lt3A_336 = arith.cmpf olt, %get3A_335, %get3A_329 : vector<16xf32>
        %select_n3A_337 = arith.select %lt3A_336, %get3A_335, %get3A_329 : vector<16xi1>, vector<16xf32>
        %broadcast_in_dim3A_338 = arith.constant 1 : i32
        %broadcast_in_dim3A_339 = vector.broadcast %broadcast_in_dim3A_338 : i32 to vector<16xi32>
        %select_n3A_340 = arith.select %lt3A_336, %broadcast_in_dim3A_339, %broadcast_in_dim3A_330 : vector<16xi1>, vector<16xi32>
        %get3A_341 = arith.constant 2 : i32
        %get3A_342 = arith.index_cast %get3A_341 : i32 to index
        %get3A_343 = arith.index_cast %mul3A_325 : i32 to index
        %get3A_344 = tpu.vector_load %arg4[%get3A_342, %get3A_343] {strides = array<i32>} : memref<32x1024xf32, #tpu.memory_space<vmem>>, vector<1x16xf32>,
        %get3A_345 = vector.shape_cast %get3A_344 : vector<1x16xf32> to vector<16xf32>
        %lt3A_346 = arith.cmpf olt, %get3A_345, %select_n3A_337 : vector<16xf32>
        %select_n3A_347 = arith.select %lt3A_346, %get3A_345, %select_n3A_337 : vector<16xi1>, vector<16xf32>
        %broadcast_in_dim3A_348 = arith.constant 2 : i32
        %broadcast_in_dim3A_349 = vector.broadcast %broadcast_in_dim3A_348 : i32 to vector<16xi32>
        %select_n3A_350 = arith.select %lt3A_346, %broadcast_in_dim3A_349, %select_n3A_340 : vector<16xi1>, vector<16xi32>
        %get3A_351 = arith.constant 3 : i32
        %get3A_352 = arith.index_cast %get3A_351 : i32 to index
        %get3A_353 = arith.index_cast %mul3A_325 : i32 to index
        %get3A_354 = tpu.vector_load %arg4[%get3A_352, %get3A_353] {strides = array<i32>} : memref<32x1024xf32, #tpu.memory_space<vmem>>, vector<1x16xf32>,
        %get3A_355 = vector.shape_cast %get3A_354 : vector<1x16xf32> to vector<16xf32>
        %lt3A_356 = arith.cmpf olt, %get3A_355, %select_n3A_347 : vector<16xf32>
        %select_n3A_357 = arith.select %lt3A_356, %get3A_355, %select_n3A_347 : vector<16xi1>, vector<16xf32>
        %broadcast_in_dim3A_358 = arith.constant 3 : i32
        %broadcast_in_dim3A_359 = vector.broadcast %broadcast_in_dim3A_358 : i32 to vector<16xi32>
        %select_n3A_360 = arith.select %lt3A_356, %broadcast_in_dim3A_359, %select_n3A_350 : vector<16xi1>, vector<16xi32>
        %get3A_361 = arith.constant 4 : i32
        %get3A_362 = arith.index_cast %get3A_361 : i32 to index
        %get3A_363 = arith.index_cast %mul3A_325 : i32 to index
        %get3A_364 = tpu.vector_load %arg4[%get3A_362, %get3A_363] {strides = array<i32>} : memref<32x1024xf32, #tpu.memory_space<vmem>>, vector<1x16xf32>,
        %get3A_365 = vector.shape_cast %get3A_364 : vector<1x16xf32> to vector<16xf32>
        %lt3A_366 = arith.cmpf olt, %get3A_365, %select_n3A_357 : vector<16xf32>
        %select_n3A_367 = arith.select %lt3A_366, %get3A_365, %select_n3A_357 : vector<16xi1>, vector<16xf32>
        %broadcast_in_dim3A_368 = arith.constant 4 : i32
        %broadcast_in_dim3A_369 = vector.broadcast %broadcast_in_dim3A_368 : i32 to vector<16xi32>
        %select_n3A_370 = arith.select %lt3A_366, %broadcast_in_dim3A_369, %select_n3A_360 : vector<16xi1>, vector<16xi32>
        %get3A_371 = arith.constant 5 : i32
        %get3A_372 = arith.index_cast %get3A_371 : i32 to index
        %get3A_373 = arith.index_cast %mul3A_325 : i32 to index
        %get3A_374 = tpu.vector_load %arg4[%get3A_372, %get3A_373] {strides = array<i32>} : memref<32x1024xf32, #tpu.memory_space<vmem>>, vector<1x16xf32>,
        %get3A_375 = vector.shape_cast %get3A_374 : vector<1x16xf32> to vector<16xf32>
        %lt3A_376 = arith.cmpf olt, %get3A_375, %select_n3A_367 : vector<16xf32>
        %select_n3A_377 = arith.select %lt3A_376, %get3A_375, %select_n3A_367 : vector<16xi1>, vector<16xf32>
        %broadcast_in_dim3A_378 = arith.constant 5 : i32
        %broadcast_in_dim3A_379 = vector.broadcast %broadcast_in_dim3A_378 : i32 to vector<16xi32>
        %select_n3A_380 = arith.select %lt3A_376, %broadcast_in_dim3A_379, %select_n3A_370 : vector<16xi1>, vector<16xi32>
        %get3A_381 = arith.constant 6 : i32
        %get3A_382 = arith.index_cast %get3A_381 : i32 to index
        %get3A_383 = arith.index_cast %mul3A_325 : i32 to index
        %get3A_384 = tpu.vector_load %arg4[%get3A_382, %get3A_383] {strides = array<i32>} : memref<32x1024xf32, #tpu.memory_space<vmem>>, vector<1x16xf32>,
        %get3A_385 = vector.shape_cast %get3A_384 : vector<1x16xf32> to vector<16xf32>
        %lt3A_386 = arith.cmpf olt, %get3A_385, %select_n3A_377 : vector<16xf32>
        %select_n3A_387 = arith.select %lt3A_386, %get3A_385, %select_n3A_377 : vector<16xi1>, vector<16xf32>
        %broadcast_in_dim3A_388 = arith.constant 6 : i32
        %broadcast_in_dim3A_389 = vector.broadcast %broadcast_in_dim3A_388 : i32 to vector<16xi32>
        %select_n3A_390 = arith.select %lt3A_386, %broadcast_in_dim3A_389, %select_n3A_380 : vector<16xi1>, vector<16xi32>
        %get3A_391 = arith.constant 7 : i32
        %get3A_392 = arith.index_cast %get3A_391 : i32 to index
        %get3A_393 = arith.index_cast %mul3A_325 : i32 to index
        %get3A_394 = tpu.vector_load %arg4[%get3A_392, %get3A_393] {strides = array<i32>} : memref<32x1024xf32, #tpu.memory_space<vmem>>, vector<1x16xf32>,
        %get3A_395 = vector.shape_cast %get3A_394 : vector<1x16xf32> to vector<16xf32>
        %lt3A_396 = arith.cmpf olt, %get3A_395, %select_n3A_387 : vector<16xf32>
        %select_n3A_397 = arith.select %lt3A_396, %get3A_395, %select_n3A_387 : vector<16xi1>, vector<16xf32>
        %broadcast_in_dim3A_398 = arith.constant 7 : i32
        %broadcast_in_dim3A_399 = vector.broadcast %broadcast_in_dim3A_398 : i32 to vector<16xi32>
        %select_n3A_400 = arith.select %lt3A_396, %broadcast_in_dim3A_399, %select_n3A_390 : vector<16xi1>, vector<16xi32>
        %get3A_401 = arith.constant 8 : i32
        %get3A_402 = arith.index_cast %get3A_401 : i32 to index
        %get3A_403 = arith.index_cast %mul3A_325 : i32 to index
        %get3A_404 = tpu.vector_load %arg4[%get3A_402, %get3A_403] {strides = array<i32>} : memref<32x1024xf32, #tpu.memory_space<vmem>>, vector<1x16xf32>,
        %get3A_405 = vector.shape_cast %get3A_404 : vector<1x16xf32> to vector<16xf32>
        %lt3A_406 = arith.cmpf olt, %get3A_405, %select_n3A_397 : vector<16xf32>
        %select_n3A_407 = arith.select %lt3A_406, %get3A_405, %select_n3A_397 : vector<16xi1>, vector<16xf32>
        %broadcast_in_dim3A_408 = arith.constant 8 : i32
        %broadcast_in_dim3A_409 = vector.broadcast %broadcast_in_dim3A_408 : i32 to vector<16xi32>
        %select_n3A_410 = arith.select %lt3A_406, %broadcast_in_dim3A_409, %select_n3A_400 : vector<16xi1>, vector<16xi32>
        %get3A_411 = arith.constant 9 : i32
        %get3A_412 = arith.index_cast %get3A_411 : i32 to index
        %get3A_413 = arith.index_cast %mul3A_325 : i32 to index
        %get3A_414 = tpu.vector_load %arg4[%get3A_412, %get3A_413] {strides = array<i32>} : memref<32x1024xf32, #tpu.memory_space<vmem>>, vector<1x16xf32>,
        %get3A_415 = vector.shape_cast %get3A_414 : vector<1x16xf32> to vector<16xf32>
        %lt3A_416 = arith.cmpf olt, %get3A_415, %select_n3A_407 : vector<16xf32>
        %select_n3A_417 = arith.select %lt3A_416, %get3A_415, %select_n3A_407 : vector<16xi1>, vector<16xf32>
        %broadcast_in_dim3A_418 = arith.constant 9 : i32
        %broadcast_in_dim3A_419 = vector.broadcast %broadcast_in_dim3A_418 : i32 to vector<16xi32>
        %select_n3A_420 = arith.select %lt3A_416, %broadcast_in_dim3A_419, %select_n3A_410 : vector<16xi1>, vector<16xi32>
        %get3A_421 = arith.constant 10 : i32
        %get3A_422 = arith.index_cast %get3A_421 : i32 to index
        %get3A_423 = arith.index_cast %mul3A_325 : i32 to index
        %get3A_424 = tpu.vector_load %arg4[%get3A_422, %get3A_423] {strides = array<i32>} : memref<32x1024xf32, #tpu.memory_space<vmem>>, vector<1x16xf32>,
        %get3A_425 = vector.shape_cast %get3A_424 : vector<1x16xf32> to vector<16xf32>
        %lt3A_426 = arith.cmpf olt, %get3A_425, %select_n3A_417 : vector<16xf32>
        %select_n3A_427 = arith.select %lt3A_426, %get3A_425, %select_n3A_417 : vector<16xi1>, vector<16xf32>
        %broadcast_in_dim3A_428 = arith.constant 10 : i32
        %broadcast_in_dim3A_429 = vector.broadcast %broadcast_in_dim3A_428 : i32 to vector<16xi32>
        %select_n3A_430 = arith.select %lt3A_426, %broadcast_in_dim3A_429, %select_n3A_420 : vector<16xi1>, vector<16xi32>
        %get3A_431 = arith.constant 11 : i32
        %get3A_432 = arith.index_cast %get3A_431 : i32 to index
        %get3A_433 = arith.index_cast %mul3A_325 : i32 to index
        %get3A_434 = tpu.vector_load %arg4[%get3A_432, %get3A_433] {strides = array<i32>} : memref<32x1024xf32, #tpu.memory_space<vmem>>, vector<1x16xf32>,
        %get3A_435 = vector.shape_cast %get3A_434 : vector<1x16xf32> to vector<16xf32>
        %lt3A_436 = arith.cmpf olt, %get3A_435, %select_n3A_427 : vector<16xf32>
        %select_n3A_437 = arith.select %lt3A_436, %get3A_435, %select_n3A_427 : vector<16xi1>, vector<16xf32>
        %broadcast_in_dim3A_438 = arith.constant 11 : i32
        %broadcast_in_dim3A_439 = vector.broadcast %broadcast_in_dim3A_438 : i32 to vector<16xi32>
        %select_n3A_440 = arith.select %lt3A_436, %broadcast_in_dim3A_439, %select_n3A_430 : vector<16xi1>, vector<16xi32>
        %get3A_441 = arith.constant 12 : i32
        %get3A_442 = arith.index_cast %get3A_441 : i32 to index
        %get3A_443 = arith.index_cast %mul3A_325 : i32 to index
        %get3A_444 = tpu.vector_load %arg4[%get3A_442, %get3A_443] {strides = array<i32>} : memref<32x1024xf32, #tpu.memory_space<vmem>>, vector<1x16xf32>,
        %get3A_445 = vector.shape_cast %get3A_444 : vector<1x16xf32> to vector<16xf32>
        %lt3A_446 = arith.cmpf olt, %get3A_445, %select_n3A_437 : vector<16xf32>
        %select_n3A_447 = arith.select %lt3A_446, %get3A_445, %select_n3A_437 : vector<16xi1>, vector<16xf32>
        %broadcast_in_dim3A_448 = arith.constant 12 : i32
        %broadcast_in_dim3A_449 = vector.broadcast %broadcast_in_dim3A_448 : i32 to vector<16xi32>
        %select_n3A_450 = arith.select %lt3A_446, %broadcast_in_dim3A_449, %select_n3A_440 : vector<16xi1>, vector<16xi32>
        %get3A_451 = arith.constant 13 : i32
        %get3A_452 = arith.index_cast %get3A_451 : i32 to index
        %get3A_453 = arith.index_cast %mul3A_325 : i32 to index
        %get3A_454 = tpu.vector_load %arg4[%get3A_452, %get3A_453] {strides = array<i32>} : memref<32x1024xf32, #tpu.memory_space<vmem>>, vector<1x16xf32>,
        %get3A_455 = vector.shape_cast %get3A_454 : vector<1x16xf32> to vector<16xf32>
        %lt3A_456 = arith.cmpf olt, %get3A_455, %select_n3A_447 : vector<16xf32>
        %select_n3A_457 = arith.select %lt3A_456, %get3A_455, %select_n3A_447 : vector<16xi1>, vector<16xf32>
        %broadcast_in_dim3A_458 = arith.constant 13 : i32
        %broadcast_in_dim3A_459 = vector.broadcast %broadcast_in_dim3A_458 : i32 to vector<16xi32>
        %select_n3A_460 = arith.select %lt3A_456, %broadcast_in_dim3A_459, %select_n3A_450 : vector<16xi1>, vector<16xi32>
        %get3A_461 = arith.constant 14 : i32
        %get3A_462 = arith.index_cast %get3A_461 : i32 to index
        %get3A_463 = arith.index_cast %mul3A_325 : i32 to index
        %get3A_464 = tpu.vector_load %arg4[%get3A_462, %get3A_463] {strides = array<i32>} : memref<32x1024xf32, #tpu.memory_space<vmem>>, vector<1x16xf32>,
        %get3A_465 = vector.shape_cast %get3A_464 : vector<1x16xf32> to vector<16xf32>
        %lt3A_466 = arith.cmpf olt, %get3A_465, %select_n3A_457 : vector<16xf32>
        %select_n3A_467 = arith.select %lt3A_466, %get3A_465, %select_n3A_457 : vector<16xi1>, vector<16xf32>
        %broadcast_in_dim3A_468 = arith.constant 14 : i32
        %broadcast_in_dim3A_469 = vector.broadcast %broadcast_in_dim3A_468 : i32 to vector<16xi32>
        %select_n3A_470 = arith.select %lt3A_466, %broadcast_in_dim3A_469, %select_n3A_460 : vector<16xi1>, vector<16xi32>
        %get3A_471 = arith.constant 15 : i32
        %get3A_472 = arith.index_cast %get3A_471 : i32 to index
        %get3A_473 = arith.index_cast %mul3A_325 : i32 to index
        %get3A_474 = tpu.vector_load %arg4[%get3A_472, %get3A_473] {strides = array<i32>} : memref<32x1024xf32, #tpu.memory_space<vmem>>, vector<1x16xf32>,
        %get3A_475 = vector.shape_cast %get3A_474 : vector<1x16xf32> to vector<16xf32>
        %lt3A_476 = arith.cmpf olt, %get3A_475, %select_n3A_467 : vector<16xf32>
        %select_n3A_477 = arith.select %lt3A_476, %get3A_475, %select_n3A_467 : vector<16xi1>, vector<16xf32>
        %broadcast_in_dim3A_478 = arith.constant 15 : i32
        %broadcast_in_dim3A_479 = vector.broadcast %broadcast_in_dim3A_478 : i32 to vector<16xi32>
        %select_n3A_480 = arith.select %lt3A_476, %broadcast_in_dim3A_479, %select_n3A_470 : vector<16xi1>, vector<16xi32>
        %get3A_481 = arith.constant 16 : i32
        %get3A_482 = arith.index_cast %get3A_481 : i32 to index
        %get3A_483 = arith.index_cast %mul3A_325 : i32 to index
        %get3A_484 = tpu.vector_load %arg4[%get3A_482, %get3A_483] {strides = array<i32>} : memref<32x1024xf32, #tpu.memory_space<vmem>>, vector<1x16xf32>,
        %get3A_485 = vector.shape_cast %get3A_484 : vector<1x16xf32> to vector<16xf32>
        %lt3A_486 = arith.cmpf olt, %get3A_485, %select_n3A_477 : vector<16xf32>
        %select_n3A_487 = arith.select %lt3A_486, %get3A_485, %select_n3A_477 : vector<16xi1>, vector<16xf32>
        %broadcast_in_dim3A_488 = arith.constant 16 : i32
        %broadcast_in_dim3A_489 = vector.broadcast %broadcast_in_dim3A_488 : i32 to vector<16xi32>
        %select_n3A_490 = arith.select %lt3A_486, %broadcast_in_dim3A_489, %select_n3A_480 : vector<16xi1>, vector<16xi32>
        %get3A_491 = arith.constant 17 : i32
        %get3A_492 = arith.index_cast %get3A_491 : i32 to index
        %get3A_493 = arith.index_cast %mul3A_325 : i32 to index
        %get3A_494 = tpu.vector_load %arg4[%get3A_492, %get3A_493] {strides = array<i32>} : memref<32x1024xf32, #tpu.memory_space<vmem>>, vector<1x16xf32>,
        %get3A_495 = vector.shape_cast %get3A_494 : vector<1x16xf32> to vector<16xf32>
        %lt3A_496 = arith.cmpf olt, %get3A_495, %select_n3A_487 : vector<16xf32>
        %select_n3A_497 = arith.select %lt3A_496, %get3A_495, %select_n3A_487 : vector<16xi1>, vector<16xf32>
        %broadcast_in_dim3A_498 = arith.constant 17 : i32
        %broadcast_in_dim3A_499 = vector.broadcast %broadcast_in_dim3A_498 : i32 to vector<16xi32>
        %select_n3A_500 = arith.select %lt3A_496, %broadcast_in_dim3A_499, %select_n3A_490 : vector<16xi1>, vector<16xi32>
        %get3A_501 = arith.constant 18 : i32
        %get3A_502 = arith.index_cast %get3A_501 : i32 to index
        %get3A_503 = arith.index_cast %mul3A_325 : i32 to index
        %get3A_504 = tpu.vector_load %arg4[%get3A_502, %get3A_503] {strides = array<i32>} : memref<32x1024xf32, #tpu.memory_space<vmem>>, vector<1x16xf32>,
        %get3A_505 = vector.shape_cast %get3A_504 : vector<1x16xf32> to vector<16xf32>
        %lt3A_506 = arith.cmpf olt, %get3A_505, %select_n3A_497 : vector<16xf32>
        %select_n3A_507 = arith.select %lt3A_506, %get3A_505, %select_n3A_497 : vector<16xi1>, vector<16xf32>
        %broadcast_in_dim3A_508 = arith.constant 18 : i32
        %broadcast_in_dim3A_509 = vector.broadcast %broadcast_in_dim3A_508 : i32 to vector<16xi32>
        %select_n3A_510 = arith.select %lt3A_506, %broadcast_in_dim3A_509, %select_n3A_500 : vector<16xi1>, vector<16xi32>
        %get3A_511 = arith.constant 19 : i32
        %get3A_512 = arith.index_cast %get3A_511 : i32 to index
        %get3A_513 = arith.index_cast %mul3A_325 : i32 to index
        %get3A_514 = tpu.vector_load %arg4[%get3A_512, %get3A_513] {strides = array<i32>} : memref<32x1024xf32, #tpu.memory_space<vmem>>, vector<1x16xf32>,
        %get3A_515 = vector.shape_cast %get3A_514 : vector<1x16xf32> to vector<16xf32>
        %lt3A_516 = arith.cmpf olt, %get3A_515, %select_n3A_507 : vector<16xf32>
        %select_n3A_517 = arith.select %lt3A_516, %get3A_515, %select_n3A_507 : vector<16xi1>, vector<16xf32>
        %broadcast_in_dim3A_518 = arith.constant 19 : i32
        %broadcast_in_dim3A_519 = vector.broadcast %broadcast_in_dim3A_518 : i32 to vector<16xi32>
        %select_n3A_520 = arith.select %lt3A_516, %broadcast_in_dim3A_519, %select_n3A_510 : vector<16xi1>, vector<16xi32>
        %get3A_521 = arith.constant 20 : i32
        %get3A_522 = arith.index_cast %get3A_521 : i32 to index
        %get3A_523 = arith.index_cast %mul3A_325 : i32 to index
        %get3A_524 = tpu.vector_load %arg4[%get3A_522, %get3A_523] {strides = array<i32>} : memref<32x1024xf32, #tpu.memory_space<vmem>>, vector<1x16xf32>,
        %get3A_525 = vector.shape_cast %get3A_524 : vector<1x16xf32> to vector<16xf32>
        %lt3A_526 = arith.cmpf olt, %get3A_525, %select_n3A_517 : vector<16xf32>
        %select_n3A_527 = arith.select %lt3A_526, %get3A_525, %select_n3A_517 : vector<16xi1>, vector<16xf32>
        %broadcast_in_dim3A_528 = arith.constant 20 : i32
        %broadcast_in_dim3A_529 = vector.broadcast %broadcast_in_dim3A_528 : i32 to vector<16xi32>
        %select_n3A_530 = arith.select %lt3A_526, %broadcast_in_dim3A_529, %select_n3A_520 : vector<16xi1>, vector<16xi32>
        %get3A_531 = arith.constant 21 : i32
        %get3A_532 = arith.index_cast %get3A_531 : i32 to index
        %get3A_533 = arith.index_cast %mul3A_325 : i32 to index
        %get3A_534 = tpu.vector_load %arg4[%get3A_532, %get3A_533] {strides = array<i32>} : memref<32x1024xf32, #tpu.memory_space<vmem>>, vector<1x16xf32>,
        %get3A_535 = vector.shape_cast %get3A_534 : vector<1x16xf32> to vector<16xf32>
        %lt3A_536 = arith.cmpf olt, %get3A_535, %select_n3A_527 : vector<16xf32>
        %select_n3A_537 = arith.select %lt3A_536, %get3A_535, %select_n3A_527 : vector<16xi1>, vector<16xf32>
        %broadcast_in_dim3A_538 = arith.constant 21 : i32
        %broadcast_in_dim3A_539 = vector.broadcast %broadcast_in_dim3A_538 : i32 to vector<16xi32>
        %select_n3A_540 = arith.select %lt3A_536, %broadcast_in_dim3A_539, %select_n3A_530 : vector<16xi1>, vector<16xi32>
        %get3A_541 = arith.constant 22 : i32
        %get3A_542 = arith.index_cast %get3A_541 : i32 to index
        %get3A_543 = arith.index_cast %mul3A_325 : i32 to index
        %get3A_544 = tpu.vector_load %arg4[%get3A_542, %get3A_543] {strides = array<i32>} : memref<32x1024xf32, #tpu.memory_space<vmem>>, vector<1x16xf32>,
        %get3A_545 = vector.shape_cast %get3A_544 : vector<1x16xf32> to vector<16xf32>
        %lt3A_546 = arith.cmpf olt, %get3A_545, %select_n3A_537 : vector<16xf32>
        %select_n3A_547 = arith.select %lt3A_546, %get3A_545, %select_n3A_537 : vector<16xi1>, vector<16xf32>
        %broadcast_in_dim3A_548 = arith.constant 22 : i32
        %broadcast_in_dim3A_549 = vector.broadcast %broadcast_in_dim3A_548 : i32 to vector<16xi32>
        %select_n3A_550 = arith.select %lt3A_546, %broadcast_in_dim3A_549, %select_n3A_540 : vector<16xi1>, vector<16xi32>
        %get3A_551 = arith.constant 23 : i32
        %get3A_552 = arith.index_cast %get3A_551 : i32 to index
        %get3A_553 = arith.index_cast %mul3A_325 : i32 to index
        %get3A_554 = tpu.vector_load %arg4[%get3A_552, %get3A_553] {strides = array<i32>} : memref<32x1024xf32, #tpu.memory_space<vmem>>, vector<1x16xf32>,
        %get3A_555 = vector.shape_cast %get3A_554 : vector<1x16xf32> to vector<16xf32>
        %lt3A_556 = arith.cmpf olt, %get3A_555, %select_n3A_547 : vector<16xf32>
        %select_n3A_557 = arith.select %lt3A_556, %get3A_555, %select_n3A_547 : vector<16xi1>, vector<16xf32>
        %broadcast_in_dim3A_558 = arith.constant 23 : i32
        %broadcast_in_dim3A_559 = vector.broadcast %broadcast_in_dim3A_558 : i32 to vector<16xi32>
        %select_n3A_560 = arith.select %lt3A_556, %broadcast_in_dim3A_559, %select_n3A_550 : vector<16xi1>, vector<16xi32>
        %get3A_561 = arith.constant 24 : i32
        %get3A_562 = arith.index_cast %get3A_561 : i32 to index
        %get3A_563 = arith.index_cast %mul3A_325 : i32 to index
        %get3A_564 = tpu.vector_load %arg4[%get3A_562, %get3A_563] {strides = array<i32>} : memref<32x1024xf32, #tpu.memory_space<vmem>>, vector<1x16xf32>,
        %get3A_565 = vector.shape_cast %get3A_564 : vector<1x16xf32> to vector<16xf32>
        %lt3A_566 = arith.cmpf olt, %get3A_565, %select_n3A_557 : vector<16xf32>
        %select_n3A_567 = arith.select %lt3A_566, %get3A_565, %select_n3A_557 : vector<16xi1>, vector<16xf32>
        %broadcast_in_dim3A_568 = arith.constant 24 : i32
        %broadcast_in_dim3A_569 = vector.broadcast %broadcast_in_dim3A_568 : i32 to vector<16xi32>
        %select_n3A_570 = arith.select %lt3A_566, %broadcast_in_dim3A_569, %select_n3A_560 : vector<16xi1>, vector<16xi32>
        %get3A_571 = arith.constant 25 : i32
        %get3A_572 = arith.index_cast %get3A_571 : i32 to index
        %get3A_573 = arith.index_cast %mul3A_325 : i32 to index
        %get3A_574 = tpu.vector_load %arg4[%get3A_572, %get3A_573] {strides = array<i32>} : memref<32x1024xf32, #tpu.memory_space<vmem>>, vector<1x16xf32>,
        %get3A_575 = vector.shape_cast %get3A_574 : vector<1x16xf32> to vector<16xf32>
        %lt3A_576 = arith.cmpf olt, %get3A_575, %select_n3A_567 : vector<16xf32>
        %select_n3A_577 = arith.select %lt3A_576, %get3A_575, %select_n3A_567 : vector<16xi1>, vector<16xf32>
        %broadcast_in_dim3A_578 = arith.constant 25 : i32
        %broadcast_in_dim3A_579 = vector.broadcast %broadcast_in_dim3A_578 : i32 to vector<16xi32>
        %select_n3A_580 = arith.select %lt3A_576, %broadcast_in_dim3A_579, %select_n3A_570 : vector<16xi1>, vector<16xi32>
        %get3A_581 = arith.constant 26 : i32
        %get3A_582 = arith.index_cast %get3A_581 : i32 to index
        %get3A_583 = arith.index_cast %mul3A_325 : i32 to index
        %get3A_584 = tpu.vector_load %arg4[%get3A_582, %get3A_583] {strides = array<i32>} : memref<32x1024xf32, #tpu.memory_space<vmem>>, vector<1x16xf32>,
        %get3A_585 = vector.shape_cast %get3A_584 : vector<1x16xf32> to vector<16xf32>
        %lt3A_586 = arith.cmpf olt, %get3A_585, %select_n3A_577 : vector<16xf32>
        %select_n3A_587 = arith.select %lt3A_586, %get3A_585, %select_n3A_577 : vector<16xi1>, vector<16xf32>
        %broadcast_in_dim3A_588 = arith.constant 26 : i32
        %broadcast_in_dim3A_589 = vector.broadcast %broadcast_in_dim3A_588 : i32 to vector<16xi32>
        %select_n3A_590 = arith.select %lt3A_586, %broadcast_in_dim3A_589, %select_n3A_580 : vector<16xi1>, vector<16xi32>
        %get3A_591 = arith.constant 27 : i32
        %get3A_592 = arith.index_cast %get3A_591 : i32 to index
        %get3A_593 = arith.index_cast %mul3A_325 : i32 to index
        %get3A_594 = tpu.vector_load %arg4[%get3A_592, %get3A_593] {strides = array<i32>} : memref<32x1024xf32, #tpu.memory_space<vmem>>, vector<1x16xf32>,
        %get3A_595 = vector.shape_cast %get3A_594 : vector<1x16xf32> to vector<16xf32>
        %lt3A_596 = arith.cmpf olt, %get3A_595, %select_n3A_587 : vector<16xf32>
        %select_n3A_597 = arith.select %lt3A_596, %get3A_595, %select_n3A_587 : vector<16xi1>, vector<16xf32>
        %broadcast_in_dim3A_598 = arith.constant 27 : i32
        %broadcast_in_dim3A_599 = vector.broadcast %broadcast_in_dim3A_598 : i32 to vector<16xi32>
        %select_n3A_600 = arith.select %lt3A_596, %broadcast_in_dim3A_599, %select_n3A_590 : vector<16xi1>, vector<16xi32>
        %get3A_601 = arith.constant 28 : i32
        %get3A_602 = arith.index_cast %get3A_601 : i32 to index
        %get3A_603 = arith.index_cast %mul3A_325 : i32 to index
        %get3A_604 = tpu.vector_load %arg4[%get3A_602, %get3A_603] {strides = array<i32>} : memref<32x1024xf32, #tpu.memory_space<vmem>>, vector<1x16xf32>,
        %get3A_605 = vector.shape_cast %get3A_604 : vector<1x16xf32> to vector<16xf32>
        %lt3A_606 = arith.cmpf olt, %get3A_605, %select_n3A_597 : vector<16xf32>
        %select_n3A_607 = arith.select %lt3A_606, %get3A_605, %select_n3A_597 : vector<16xi1>, vector<16xf32>
        %broadcast_in_dim3A_608 = arith.constant 28 : i32
        %broadcast_in_dim3A_609 = vector.broadcast %broadcast_in_dim3A_608 : i32 to vector<16xi32>
        %select_n3A_610 = arith.select %lt3A_606, %broadcast_in_dim3A_609, %select_n3A_600 : vector<16xi1>, vector<16xi32>
        %get3A_611 = arith.constant 29 : i32
        %get3A_612 = arith.index_cast %get3A_611 : i32 to index
        %get3A_613 = arith.index_cast %mul3A_325 : i32 to index
        %get3A_614 = tpu.vector_load %arg4[%get3A_612, %get3A_613] {strides = array<i32>} : memref<32x1024xf32, #tpu.memory_space<vmem>>, vector<1x16xf32>,
        %get3A_615 = vector.shape_cast %get3A_614 : vector<1x16xf32> to vector<16xf32>
        %lt3A_616 = arith.cmpf olt, %get3A_615, %select_n3A_607 : vector<16xf32>
        %select_n3A_617 = arith.select %lt3A_616, %get3A_615, %select_n3A_607 : vector<16xi1>, vector<16xf32>
        %broadcast_in_dim3A_618 = arith.constant 29 : i32
        %broadcast_in_dim3A_619 = vector.broadcast %broadcast_in_dim3A_618 : i32 to vector<16xi32>
        %select_n3A_620 = arith.select %lt3A_616, %broadcast_in_dim3A_619, %select_n3A_610 : vector<16xi1>, vector<16xi32>
        %get3A_621 = arith.constant 30 : i32
        %get3A_622 = arith.index_cast %get3A_621 : i32 to index
        %get3A_623 = arith.index_cast %mul3A_325 : i32 to index
        %get3A_624 = tpu.vector_load %arg4[%get3A_622, %get3A_623] {strides = array<i32>} : memref<32x1024xf32, #tpu.memory_space<vmem>>, vector<1x16xf32>,
        %get3A_625 = vector.shape_cast %get3A_624 : vector<1x16xf32> to vector<16xf32>
        %lt3A_626 = arith.cmpf olt, %get3A_625, %select_n3A_617 : vector<16xf32>
        %select_n3A_627 = arith.select %lt3A_626, %get3A_625, %select_n3A_617 : vector<16xi1>, vector<16xf32>
        %broadcast_in_dim3A_628 = arith.constant 30 : i32
        %broadcast_in_dim3A_629 = vector.broadcast %broadcast_in_dim3A_628 : i32 to vector<16xi32>
        %select_n3A_630 = arith.select %lt3A_626, %broadcast_in_dim3A_629, %select_n3A_620 : vector<16xi1>, vector<16xi32>
        %get3A_631 = arith.constant 31 : i32
        %get3A_632 = arith.index_cast %get3A_631 : i32 to index
        %get3A_633 = arith.index_cast %mul3A_325 : i32 to index
        %get3A_634 = tpu.vector_load %arg4[%get3A_632, %get3A_633] {strides = array<i32>} : memref<32x1024xf32, #tpu.memory_space<vmem>>, vector<1x16xf32>,
        %get3A_635 = vector.shape_cast %get3A_634 : vector<1x16xf32> to vector<16xf32>
        %lt3A_636 = arith.cmpf olt, %get3A_635, %select_n3A_627 : vector<16xf32>
        %select_n3A_637 = arith.select %lt3A_636, %get3A_635, %select_n3A_627 : vector<16xi1>, vector<16xf32>
        %broadcast_in_dim3A_638 = arith.constant 31 : i32
        %broadcast_in_dim3A_639 = vector.broadcast %broadcast_in_dim3A_638 : i32 to vector<16xi32>
        %select_n3A_640 = arith.select %lt3A_636, %broadcast_in_dim3A_639, %select_n3A_630 : vector<16xi1>, vector<16xi32>
        %swap3A = arith.index_cast %mul3A_325 : i32 to index
        %swap3A_641 = tpu.vector_load %arg6[%swap3A] {strides = array<i32>} : memref<1024xi32, #tpu.memory_space<vmem>>, vector<16xi32>,
        %swap3A_642 = vector.shape_cast %swap3A_641 : vector<16xi32> to vector<16xi32>
        %swap3A_643 = vector.shape_cast %select_n3A_640 : vector<16xi32> to vector<16xi32>
        tpu.vector_store %arg6[%swap3A], %swap3A_643 {strides = array<i32>} : memref<1024xi32, #tpu.memory_space<vmem>>, vector<16xi32>,
        %scan3A_644 = arith.constant 0 : i32
        %scan3A_645 = arith.constant 1 : i32
        %scan3A_646 = arith.addi %scan3A_322, %scan3A_645 : i32
        %mul3A_647 = arith.constant 16 : i32
        %mul3A_648 = arith.muli %scan3A_646, %mul3A_647 : i32
        %get3A_649 = arith.constant 0 : i32
        %get3A_650 = arith.index_cast %get3A_649 : i32 to index
        %get3A_651 = arith.index_cast %mul3A_648 : i32 to index
        %get3A_652 = tpu.vector_load %arg4[%get3A_650, %get3A_651] {strides = array<i32>} : memref<32x1024xf32, #tpu.memory_space<vmem>>, vector<1x16xf32>,
        %get3A_653 = vector.shape_cast %get3A_652 : vector<1x16xf32> to vector<16xf32>
        %broadcast_in_dim3A_654 = arith.constant 0 : i32
        %broadcast_in_dim3A_655 = vector.broadcast %broadcast_in_dim3A_654 : i32 to vector<16xi32>
        %get3A_656 = arith.constant 1 : i32
        %get3A_657 = arith.index_cast %get3A_656 : i32 to index
        %get3A_658 = arith.index_cast %mul3A_648 : i32 to index
        %get3A_659 = tpu.vector_load %arg4[%get3A_657, %get3A_658] {strides = array<i32>} : memref<32x1024xf32, #tpu.memory_space<vmem>>, vector<1x16xf32>,
        %get3A_660 = vector.shape_cast %get3A_659 : vector<1x16xf32> to vector<16xf32>
        %lt3A_661 = arith.cmpf olt, %get3A_660, %get3A_653 : vector<16xf32>
        %select_n3A_662 = arith.select %lt3A_661, %get3A_660, %get3A_653 : vector<16xi1>, vector<16xf32>
        %broadcast_in_dim3A_663 = arith.constant 1 : i32
        %broadcast_in_dim3A_664 = vector.broadcast %broadcast_in_dim3A_663 : i32 to vector<16xi32>
        %select_n3A_665 = arith.select %lt3A_661, %broadcast_in_dim3A_664, %broadcast_in_dim3A_655 : vector<16xi1>, vector<16xi32>
        %get3A_666 = arith.constant 2 : i32
        %get3A_667 = arith.index_cast %get3A_666 : i32 to index
        %get3A_668 = arith.index_cast %mul3A_648 : i32 to index
        %get3A_669 = tpu.vector_load %arg4[%get3A_667, %get3A_668] {strides = array<i32>} : memref<32x1024xf32, #tpu.memory_space<vmem>>, vector<1x16xf32>,
        %get3A_670 = vector.shape_cast %get3A_669 : vector<1x16xf32> to vector<16xf32>
        %lt3A_671 = arith.cmpf olt, %get3A_670, %select_n3A_662 : vector<16xf32>
        %select_n3A_672 = arith.select %lt3A_671, %get3A_670, %select_n3A_662 : vector<16xi1>, vector<16xf32>
        %broadcast_in_dim3A_673 = arith.constant 2 : i32
        %broadcast_in_dim3A_674 = vector.broadcast %broadcast_in_dim3A_673 : i32 to vector<16xi32>
        %select_n3A_675 = arith.select %lt3A_671, %broadcast_in_dim3A_674, %select_n3A_665 : vector<16xi1>, vector<16xi32>
        %get3A_676 = arith.constant 3 : i32
        %get3A_677 = arith.index_cast %get3A_676 : i32 to index
        %get3A_678 = arith.index_cast %mul3A_648 : i32 to index
        %get3A_679 = tpu.vector_load %arg4[%get3A_677, %get3A_678] {strides = array<i32>} : memref<32x1024xf32, #tpu.memory_space<vmem>>, vector<1x16xf32>,
        %get3A_680 = vector.shape_cast %get3A_679 : vector<1x16xf32> to vector<16xf32>
        %lt3A_681 = arith.cmpf olt, %get3A_680, %select_n3A_672 : vector<16xf32>
        %select_n3A_682 = arith.select %lt3A_681, %get3A_680, %select_n3A_672 : vector<16xi1>, vector<16xf32>
        %broadcast_in_dim3A_683 = arith.constant 3 : i32
        %broadcast_in_dim3A_684 = vector.broadcast %broadcast_in_dim3A_683 : i32 to vector<16xi32>
        %select_n3A_685 = arith.select %lt3A_681, %broadcast_in_dim3A_684, %select_n3A_675 : vector<16xi1>, vector<16xi32>
        %get3A_686 = arith.constant 4 : i32
        %get3A_687 = arith.index_cast %get3A_686 : i32 to index
        %get3A_688 = arith.index_cast %mul3A_648 : i32 to index
        %get3A_689 = tpu.vector_load %arg4[%get3A_687, %get3A_688] {strides = array<i32>} : memref<32x1024xf32, #tpu.memory_space<vmem>>, vector<1x16xf32>,
        %get3A_690 = vector.shape_cast %get3A_689 : vector<1x16xf32> to vector<16xf32>
        %lt3A_691 = arith.cmpf olt, %get3A_690, %select_n3A_682 : vector<16xf32>
        %select_n3A_692 = arith.select %lt3A_691, %get3A_690, %select_n3A_682 : vector<16xi1>, vector<16xf32>
        %broadcast_in_dim3A_693 = arith.constant 4 : i32
        %broadcast_in_dim3A_694 = vector.broadcast %broadcast_in_dim3A_693 : i32 to vector<16xi32>
        %select_n3A_695 = arith.select %lt3A_691, %broadcast_in_dim3A_694, %select_n3A_685 : vector<16xi1>, vector<16xi32>
        %get3A_696 = arith.constant 5 : i32
        %get3A_697 = arith.index_cast %get3A_696 : i32 to index
        %get3A_698 = arith.index_cast %mul3A_648 : i32 to index
        %get3A_699 = tpu.vector_load %arg4[%get3A_697, %get3A_698] {strides = array<i32>} : memref<32x1024xf32, #tpu.memory_space<vmem>>, vector<1x16xf32>,
        %get3A_700 = vector.shape_cast %get3A_699 : vector<1x16xf32> to vector<16xf32>
        %lt3A_701 = arith.cmpf olt, %get3A_700, %select_n3A_692 : vector<16xf32>
        %select_n3A_702 = arith.select %lt3A_701, %get3A_700, %select_n3A_692 : vector<16xi1>, vector<16xf32>
        %broadcast_in_dim3A_703 = arith.constant 5 : i32
        %broadcast_in_dim3A_704 = vector.broadcast %broadcast_in_dim3A_703 : i32 to vector<16xi32>
        %select_n3A_705 = arith.select %lt3A_701, %broadcast_in_dim3A_704, %select_n3A_695 : vector<16xi1>, vector<16xi32>
        %get3A_706 = arith.constant 6 : i32
        %get3A_707 = arith.index_cast %get3A_706 : i32 to index
        %get3A_708 = arith.index_cast %mul3A_648 : i32 to index
        %get3A_709 = tpu.vector_load %arg4[%get3A_707, %get3A_708] {strides = array<i32>} : memref<32x1024xf32, #tpu.memory_space<vmem>>, vector<1x16xf32>,
        %get3A_710 = vector.shape_cast %get3A_709 : vector<1x16xf32> to vector<16xf32>
        %lt3A_711 = arith.cmpf olt, %get3A_710, %select_n3A_702 : vector<16xf32>
        %select_n3A_712 = arith.select %lt3A_711, %get3A_710, %select_n3A_702 : vector<16xi1>, vector<16xf32>
        %broadcast_in_dim3A_713 = arith.constant 6 : i32
        %broadcast_in_dim3A_714 = vector.broadcast %broadcast_in_dim3A_713 : i32 to vector<16xi32>
        %select_n3A_715 = arith.select %lt3A_711, %broadcast_in_dim3A_714, %select_n3A_705 : vector<16xi1>, vector<16xi32>
        %get3A_716 = arith.constant 7 : i32
        %get3A_717 = arith.index_cast %get3A_716 : i32 to index
        %get3A_718 = arith.index_cast %mul3A_648 : i32 to index
        %get3A_719 = tpu.vector_load %arg4[%get3A_717, %get3A_718] {strides = array<i32>} : memref<32x1024xf32, #tpu.memory_space<vmem>>, vector<1x16xf32>,
        %get3A_720 = vector.shape_cast %get3A_719 : vector<1x16xf32> to vector<16xf32>
        %lt3A_721 = arith.cmpf olt, %get3A_720, %select_n3A_712 : vector<16xf32>
        %select_n3A_722 = arith.select %lt3A_721, %get3A_720, %select_n3A_712 : vector<16xi1>, vector<16xf32>
        %broadcast_in_dim3A_723 = arith.constant 7 : i32
        %broadcast_in_dim3A_724 = vector.broadcast %broadcast_in_dim3A_723 : i32 to vector<16xi32>
        %select_n3A_725 = arith.select %lt3A_721, %broadcast_in_dim3A_724, %select_n3A_715 : vector<16xi1>, vector<16xi32>
        %get3A_726 = arith.constant 8 : i32
        %get3A_727 = arith.index_cast %get3A_726 : i32 to index
        %get3A_728 = arith.index_cast %mul3A_648 : i32 to index
        %get3A_729 = tpu.vector_load %arg4[%get3A_727, %get3A_728] {strides = array<i32>} : memref<32x1024xf32, #tpu.memory_space<vmem>>, vector<1x16xf32>,
        %get3A_730 = vector.shape_cast %get3A_729 : vector<1x16xf32> to vector<16xf32>
        %lt3A_731 = arith.cmpf olt, %get3A_730, %select_n3A_722 : vector<16xf32>
        %select_n3A_732 = arith.select %lt3A_731, %get3A_730, %select_n3A_722 : vector<16xi1>, vector<16xf32>
        %broadcast_in_dim3A_733 = arith.constant 8 : i32
        %broadcast_in_dim3A_734 = vector.broadcast %broadcast_in_dim3A_733 : i32 to vector<16xi32>
        %select_n3A_735 = arith.select %lt3A_731, %broadcast_in_dim3A_734, %select_n3A_725 : vector<16xi1>, vector<16xi32>
        %get3A_736 = arith.constant 9 : i32
        %get3A_737 = arith.index_cast %get3A_736 : i32 to index
        %get3A_738 = arith.index_cast %mul3A_648 : i32 to index
        %get3A_739 = tpu.vector_load %arg4[%get3A_737, %get3A_738] {strides = array<i32>} : memref<32x1024xf32, #tpu.memory_space<vmem>>, vector<1x16xf32>,
        %get3A_740 = vector.shape_cast %get3A_739 : vector<1x16xf32> to vector<16xf32>
        %lt3A_741 = arith.cmpf olt, %get3A_740, %select_n3A_732 : vector<16xf32>
        %select_n3A_742 = arith.select %lt3A_741, %get3A_740, %select_n3A_732 : vector<16xi1>, vector<16xf32>
        %broadcast_in_dim3A_743 = arith.constant 9 : i32
        %broadcast_in_dim3A_744 = vector.broadcast %broadcast_in_dim3A_743 : i32 to vector<16xi32>
        %select_n3A_745 = arith.select %lt3A_741, %broadcast_in_dim3A_744, %select_n3A_735 : vector<16xi1>, vector<16xi32>
        %get3A_746 = arith.constant 10 : i32
        %get3A_747 = arith.index_cast %get3A_746 : i32 to index
        %get3A_748 = arith.index_cast %mul3A_648 : i32 to index
        %get3A_749 = tpu.vector_load %arg4[%get3A_747, %get3A_748] {strides = array<i32>} : memref<32x1024xf32, #tpu.memory_space<vmem>>, vector<1x16xf32>,
        %get3A_750 = vector.shape_cast %get3A_749 : vector<1x16xf32> to vector<16xf32>
        %lt3A_751 = arith.cmpf olt, %get3A_750, %select_n3A_742 : vector<16xf32>
        %select_n3A_752 = arith.select %lt3A_751, %get3A_750, %select_n3A_742 : vector<16xi1>, vector<16xf32>
        %broadcast_in_dim3A_753 = arith.constant 10 : i32
        %broadcast_in_dim3A_754 = vector.broadcast %broadcast_in_dim3A_753 : i32 to vector<16xi32>
        %select_n3A_755 = arith.select %lt3A_751, %broadcast_in_dim3A_754, %select_n3A_745 : vector<16xi1>, vector<16xi32>
        %get3A_756 = arith.constant 11 : i32
        %get3A_757 = arith.index_cast %get3A_756 : i32 to index
        %get3A_758 = arith.index_cast %mul3A_648 : i32 to index
        %get3A_759 = tpu.vector_load %arg4[%get3A_757, %get3A_758] {strides = array<i32>} : memref<32x1024xf32, #tpu.memory_space<vmem>>, vector<1x16xf32>,
        %get3A_760 = vector.shape_cast %get3A_759 : vector<1x16xf32> to vector<16xf32>
        %lt3A_761 = arith.cmpf olt, %get3A_760, %select_n3A_752 : vector<16xf32>
        %select_n3A_762 = arith.select %lt3A_761, %get3A_760, %select_n3A_752 : vector<16xi1>, vector<16xf32>
        %broadcast_in_dim3A_763 = arith.constant 11 : i32
        %broadcast_in_dim3A_764 = vector.broadcast %broadcast_in_dim3A_763 : i32 to vector<16xi32>
        %select_n3A_765 = arith.select %lt3A_761, %broadcast_in_dim3A_764, %select_n3A_755 : vector<16xi1>, vector<16xi32>
        %get3A_766 = arith.constant 12 : i32
        %get3A_767 = arith.index_cast %get3A_766 : i32 to index
        %get3A_768 = arith.index_cast %mul3A_648 : i32 to index
        %get3A_769 = tpu.vector_load %arg4[%get3A_767, %get3A_768] {strides = array<i32>} : memref<32x1024xf32, #tpu.memory_space<vmem>>, vector<1x16xf32>,
        %get3A_770 = vector.shape_cast %get3A_769 : vector<1x16xf32> to vector<16xf32>
        %lt3A_771 = arith.cmpf olt, %get3A_770, %select_n3A_762 : vector<16xf32>
        %select_n3A_772 = arith.select %lt3A_771, %get3A_770, %select_n3A_762 : vector<16xi1>, vector<16xf32>
        %broadcast_in_dim3A_773 = arith.constant 12 : i32
        %broadcast_in_dim3A_774 = vector.broadcast %broadcast_in_dim3A_773 : i32 to vector<16xi32>
        %select_n3A_775 = arith.select %lt3A_771, %broadcast_in_dim3A_774, %select_n3A_765 : vector<16xi1>, vector<16xi32>
        %get3A_776 = arith.constant 13 : i32
        %get3A_777 = arith.index_cast %get3A_776 : i32 to index
        %get3A_778 = arith.index_cast %mul3A_648 : i32 to index
        %get3A_779 = tpu.vector_load %arg4[%get3A_777, %get3A_778] {strides = array<i32>} : memref<32x1024xf32, #tpu.memory_space<vmem>>, vector<1x16xf32>,
        %get3A_780 = vector.shape_cast %get3A_779 : vector<1x16xf32> to vector<16xf32>
        %lt3A_781 = arith.cmpf olt, %get3A_780, %select_n3A_772 : vector<16xf32>
        %select_n3A_782 = arith.select %lt3A_781, %get3A_780, %select_n3A_772 : vector<16xi1>, vector<16xf32>
        %broadcast_in_dim3A_783 = arith.constant 13 : i32
        %broadcast_in_dim3A_784 = vector.broadcast %broadcast_in_dim3A_783 : i32 to vector<16xi32>
        %select_n3A_785 = arith.select %lt3A_781, %broadcast_in_dim3A_784, %select_n3A_775 : vector<16xi1>, vector<16xi32>
        %get3A_786 = arith.constant 14 : i32
        %get3A_787 = arith.index_cast %get3A_786 : i32 to index
        %get3A_788 = arith.index_cast %mul3A_648 : i32 to index
        %get3A_789 = tpu.vector_load %arg4[%get3A_787, %get3A_788] {strides = array<i32>} : memref<32x1024xf32, #tpu.memory_space<vmem>>, vector<1x16xf32>,
        %get3A_790 = vector.shape_cast %get3A_789 : vector<1x16xf32> to vector<16xf32>
        %lt3A_791 = arith.cmpf olt, %get3A_790, %select_n3A_782 : vector<16xf32>
        %select_n3A_792 = arith.select %lt3A_791, %get3A_790, %select_n3A_782 : vector<16xi1>, vector<16xf32>
        %broadcast_in_dim3A_793 = arith.constant 14 : i32
        %broadcast_in_dim3A_794 = vector.broadcast %broadcast_in_dim3A_793 : i32 to vector<16xi32>
        %select_n3A_795 = arith.select %lt3A_791, %broadcast_in_dim3A_794, %select_n3A_785 : vector<16xi1>, vector<16xi32>
        %get3A_796 = arith.constant 15 : i32
        %get3A_797 = arith.index_cast %get3A_796 : i32 to index
        %get3A_798 = arith.index_cast %mul3A_648 : i32 to index
        %get3A_799 = tpu.vector_load %arg4[%get3A_797, %get3A_798] {strides = array<i32>} : memref<32x1024xf32, #tpu.memory_space<vmem>>, vector<1x16xf32>,
        %get3A_800 = vector.shape_cast %get3A_799 : vector<1x16xf32> to vector<16xf32>
        %lt3A_801 = arith.cmpf olt, %get3A_800, %select_n3A_792 : vector<16xf32>
        %select_n3A_802 = arith.select %lt3A_801, %get3A_800, %select_n3A_792 : vector<16xi1>, vector<16xf32>
        %broadcast_in_dim3A_803 = arith.constant 15 : i32
        %broadcast_in_dim3A_804 = vector.broadcast %broadcast_in_dim3A_803 : i32 to vector<16xi32>
        %select_n3A_805 = arith.select %lt3A_801, %broadcast_in_dim3A_804, %select_n3A_795 : vector<16xi1>, vector<16xi32>
        %get3A_806 = arith.constant 16 : i32
        %get3A_807 = arith.index_cast %get3A_806 : i32 to index
        %get3A_808 = arith.index_cast %mul3A_648 : i32 to index
        %get3A_809 = tpu.vector_load %arg4[%get3A_807, %get3A_808] {strides = array<i32>} : memref<32x1024xf32, #tpu.memory_space<vmem>>, vector<1x16xf32>,
        %get3A_810 = vector.shape_cast %get3A_809 : vector<1x16xf32> to vector<16xf32>
        %lt3A_811 = arith.cmpf olt, %get3A_810, %select_n3A_802 : vector<16xf32>
        %select_n3A_812 = arith.select %lt3A_811, %get3A_810, %select_n3A_802 : vector<16xi1>, vector<16xf32>
        %broadcast_in_dim3A_813 = arith.constant 16 : i32
        %broadcast_in_dim3A_814 = vector.broadcast %broadcast_in_dim3A_813 : i32 to vector<16xi32>
        %select_n3A_815 = arith.select %lt3A_811, %broadcast_in_dim3A_814, %select_n3A_805 : vector<16xi1>, vector<16xi32>
        %get3A_816 = arith.constant 17 : i32
        %get3A_817 = arith.index_cast %get3A_816 : i32 to index
        %get3A_818 = arith.index_cast %mul3A_648 : i32 to index
        %get3A_819 = tpu.vector_load %arg4[%get3A_817, %get3A_818] {strides = array<i32>} : memref<32x1024xf32, #tpu.memory_space<vmem>>, vector<1x16xf32>,
        %get3A_820 = vector.shape_cast %get3A_819 : vector<1x16xf32> to vector<16xf32>
        %lt3A_821 = arith.cmpf olt, %get3A_820, %select_n3A_812 : vector<16xf32>
        %select_n3A_822 = arith.select %lt3A_821, %get3A_820, %select_n3A_812 : vector<16xi1>, vector<16xf32>
        %broadcast_in_dim3A_823 = arith.constant 17 : i32
        %broadcast_in_dim3A_824 = vector.broadcast %broadcast_in_dim3A_823 : i32 to vector<16xi32>
        %select_n3A_825 = arith.select %lt3A_821, %broadcast_in_dim3A_824, %select_n3A_815 : vector<16xi1>, vector<16xi32>
        %get3A_826 = arith.constant 18 : i32
        %get3A_827 = arith.index_cast %get3A_826 : i32 to index
        %get3A_828 = arith.index_cast %mul3A_648 : i32 to index
        %get3A_829 = tpu.vector_load %arg4[%get3A_827, %get3A_828] {strides = array<i32>} : memref<32x1024xf32, #tpu.memory_space<vmem>>, vector<1x16xf32>,
        %get3A_830 = vector.shape_cast %get3A_829 : vector<1x16xf32> to vector<16xf32>
        %lt3A_831 = arith.cmpf olt, %get3A_830, %select_n3A_822 : vector<16xf32>
        %select_n3A_832 = arith.select %lt3A_831, %get3A_830, %select_n3A_822 : vector<16xi1>, vector<16xf32>
        %broadcast_in_dim3A_833 = arith.constant 18 : i32
        %broadcast_in_dim3A_834 = vector.broadcast %broadcast_in_dim3A_833 : i32 to vector<16xi32>
        %select_n3A_835 = arith.select %lt3A_831, %broadcast_in_dim3A_834, %select_n3A_825 : vector<16xi1>, vector<16xi32>
        %get3A_836 = arith.constant 19 : i32
        %get3A_837 = arith.index_cast %get3A_836 : i32 to index
        %get3A_838 = arith.index_cast %mul3A_648 : i32 to index
        %get3A_839 = tpu.vector_load %arg4[%get3A_837, %get3A_838] {strides = array<i32>} : memref<32x1024xf32, #tpu.memory_space<vmem>>, vector<1x16xf32>,
        %get3A_840 = vector.shape_cast %get3A_839 : vector<1x16xf32> to vector<16xf32>
        %lt3A_841 = arith.cmpf olt, %get3A_840, %select_n3A_832 : vector<16xf32>
        %select_n3A_842 = arith.select %lt3A_841, %get3A_840, %select_n3A_832 : vector<16xi1>, vector<16xf32>
        %broadcast_in_dim3A_843 = arith.constant 19 : i32
        %broadcast_in_dim3A_844 = vector.broadcast %broadcast_in_dim3A_843 : i32 to vector<16xi32>
        %select_n3A_845 = arith.select %lt3A_841, %broadcast_in_dim3A_844, %select_n3A_835 : vector<16xi1>, vector<16xi32>
        %get3A_846 = arith.constant 20 : i32
        %get3A_847 = arith.index_cast %get3A_846 : i32 to index
        %get3A_848 = arith.index_cast %mul3A_648 : i32 to index
        %get3A_849 = tpu.vector_load %arg4[%get3A_847, %get3A_848] {strides = array<i32>} : memref<32x1024xf32, #tpu.memory_space<vmem>>, vector<1x16xf32>,
        %get3A_850 = vector.shape_cast %get3A_849 : vector<1x16xf32> to vector<16xf32>
        %lt3A_851 = arith.cmpf olt, %get3A_850, %select_n3A_842 : vector<16xf32>
        %select_n3A_852 = arith.select %lt3A_851, %get3A_850, %select_n3A_842 : vector<16xi1>, vector<16xf32>
        %broadcast_in_dim3A_853 = arith.constant 20 : i32
        %broadcast_in_dim3A_854 = vector.broadcast %broadcast_in_dim3A_853 : i32 to vector<16xi32>
        %select_n3A_855 = arith.select %lt3A_851, %broadcast_in_dim3A_854, %select_n3A_845 : vector<16xi1>, vector<16xi32>
        %get3A_856 = arith.constant 21 : i32
        %get3A_857 = arith.index_cast %get3A_856 : i32 to index
        %get3A_858 = arith.index_cast %mul3A_648 : i32 to index
        %get3A_859 = tpu.vector_load %arg4[%get3A_857, %get3A_858] {strides = array<i32>} : memref<32x1024xf32, #tpu.memory_space<vmem>>, vector<1x16xf32>,
        %get3A_860 = vector.shape_cast %get3A_859 : vector<1x16xf32> to vector<16xf32>
        %lt3A_861 = arith.cmpf olt, %get3A_860, %select_n3A_852 : vector<16xf32>
        %select_n3A_862 = arith.select %lt3A_861, %get3A_860, %select_n3A_852 : vector<16xi1>, vector<16xf32>
        %broadcast_in_dim3A_863 = arith.constant 21 : i32
        %broadcast_in_dim3A_864 = vector.broadcast %broadcast_in_dim3A_863 : i32 to vector<16xi32>
        %select_n3A_865 = arith.select %lt3A_861, %broadcast_in_dim3A_864, %select_n3A_855 : vector<16xi1>, vector<16xi32>
        %get3A_866 = arith.constant 22 : i32
        %get3A_867 = arith.index_cast %get3A_866 : i32 to index
        %get3A_868 = arith.index_cast %mul3A_648 : i32 to index
        %get3A_869 = tpu.vector_load %arg4[%get3A_867, %get3A_868] {strides = array<i32>} : memref<32x1024xf32, #tpu.memory_space<vmem>>, vector<1x16xf32>,
        %get3A_870 = vector.shape_cast %get3A_869 : vector<1x16xf32> to vector<16xf32>
        %lt3A_871 = arith.cmpf olt, %get3A_870, %select_n3A_862 : vector<16xf32>
        %select_n3A_872 = arith.select %lt3A_871, %get3A_870, %select_n3A_862 : vector<16xi1>, vector<16xf32>
        %broadcast_in_dim3A_873 = arith.constant 22 : i32
        %broadcast_in_dim3A_874 = vector.broadcast %broadcast_in_dim3A_873 : i32 to vector<16xi32>
        %select_n3A_875 = arith.select %lt3A_871, %broadcast_in_dim3A_874, %select_n3A_865 : vector<16xi1>, vector<16xi32>
        %get3A_876 = arith.constant 23 : i32
        %get3A_877 = arith.index_cast %get3A_876 : i32 to index
        %get3A_878 = arith.index_cast %mul3A_648 : i32 to index
        %get3A_879 = tpu.vector_load %arg4[%get3A_877, %get3A_878] {strides = array<i32>} : memref<32x1024xf32, #tpu.memory_space<vmem>>, vector<1x16xf32>,
        %get3A_880 = vector.shape_cast %get3A_879 : vector<1x16xf32> to vector<16xf32>
        %lt3A_881 = arith.cmpf olt, %get3A_880, %select_n3A_872 : vector<16xf32>
        %select_n3A_882 = arith.select %lt3A_881, %get3A_880, %select_n3A_872 : vector<16xi1>, vector<16xf32>
        %broadcast_in_dim3A_883 = arith.constant 23 : i32
        %broadcast_in_dim3A_884 = vector.broadcast %broadcast_in_dim3A_883 : i32 to vector<16xi32>
        %select_n3A_885 = arith.select %lt3A_881, %broadcast_in_dim3A_884, %select_n3A_875 : vector<16xi1>, vector<16xi32>
        %get3A_886 = arith.constant 24 : i32
        %get3A_887 = arith.index_cast %get3A_886 : i32 to index
        %get3A_888 = arith.index_cast %mul3A_648 : i32 to index
        %get3A_889 = tpu.vector_load %arg4[%get3A_887, %get3A_888] {strides = array<i32>} : memref<32x1024xf32, #tpu.memory_space<vmem>>, vector<1x16xf32>,
        %get3A_890 = vector.shape_cast %get3A_889 : vector<1x16xf32> to vector<16xf32>
        %lt3A_891 = arith.cmpf olt, %get3A_890, %select_n3A_882 : vector<16xf32>
        %select_n3A_892 = arith.select %lt3A_891, %get3A_890, %select_n3A_882 : vector<16xi1>, vector<16xf32>
        %broadcast_in_dim3A_893 = arith.constant 24 : i32
        %broadcast_in_dim3A_894 = vector.broadcast %broadcast_in_dim3A_893 : i32 to vector<16xi32>
        %select_n3A_895 = arith.select %lt3A_891, %broadcast_in_dim3A_894, %select_n3A_885 : vector<16xi1>, vector<16xi32>
        %get3A_896 = arith.constant 25 : i32
        %get3A_897 = arith.index_cast %get3A_896 : i32 to index
        %get3A_898 = arith.index_cast %mul3A_648 : i32 to index
        %get3A_899 = tpu.vector_load %arg4[%get3A_897, %get3A_898] {strides = array<i32>} : memref<32x1024xf32, #tpu.memory_space<vmem>>, vector<1x16xf32>,
        %get3A_900 = vector.shape_cast %get3A_899 : vector<1x16xf32> to vector<16xf32>
        %lt3A_901 = arith.cmpf olt, %get3A_900, %select_n3A_892 : vector<16xf32>
        %select_n3A_902 = arith.select %lt3A_901, %get3A_900, %select_n3A_892 : vector<16xi1>, vector<16xf32>
        %broadcast_in_dim3A_903 = arith.constant 25 : i32
        %broadcast_in_dim3A_904 = vector.broadcast %broadcast_in_dim3A_903 : i32 to vector<16xi32>
        %select_n3A_905 = arith.select %lt3A_901, %broadcast_in_dim3A_904, %select_n3A_895 : vector<16xi1>, vector<16xi32>
        %get3A_906 = arith.constant 26 : i32
        %get3A_907 = arith.index_cast %get3A_906 : i32 to index
        %get3A_908 = arith.index_cast %mul3A_648 : i32 to index
        %get3A_909 = tpu.vector_load %arg4[%get3A_907, %get3A_908] {strides = array<i32>} : memref<32x1024xf32, #tpu.memory_space<vmem>>, vector<1x16xf32>,
        %get3A_910 = vector.shape_cast %get3A_909 : vector<1x16xf32> to vector<16xf32>
        %lt3A_911 = arith.cmpf olt, %get3A_910, %select_n3A_902 : vector<16xf32>
        %select_n3A_912 = arith.select %lt3A_911, %get3A_910, %select_n3A_902 : vector<16xi1>, vector<16xf32>
        %broadcast_in_dim3A_913 = arith.constant 26 : i32
        %broadcast_in_dim3A_914 = vector.broadcast %broadcast_in_dim3A_913 : i32 to vector<16xi32>
        %select_n3A_915 = arith.select %lt3A_911, %broadcast_in_dim3A_914, %select_n3A_905 : vector<16xi1>, vector<16xi32>
        %get3A_916 = arith.constant 27 : i32
        %get3A_917 = arith.index_cast %get3A_916 : i32 to index
        %get3A_918 = arith.index_cast %mul3A_648 : i32 to index
        %get3A_919 = tpu.vector_load %arg4[%get3A_917, %get3A_918] {strides = array<i32>} : memref<32x1024xf32, #tpu.memory_space<vmem>>, vector<1x16xf32>,
        %get3A_920 = vector.shape_cast %get3A_919 : vector<1x16xf32> to vector<16xf32>
        %lt3A_921 = arith.cmpf olt, %get3A_920, %select_n3A_912 : vector<16xf32>
        %select_n3A_922 = arith.select %lt3A_921, %get3A_920, %select_n3A_912 : vector<16xi1>, vector<16xf32>
        %broadcast_in_dim3A_923 = arith.constant 27 : i32
        %broadcast_in_dim3A_924 = vector.broadcast %broadcast_in_dim3A_923 : i32 to vector<16xi32>
        %select_n3A_925 = arith.select %lt3A_921, %broadcast_in_dim3A_924, %select_n3A_915 : vector<16xi1>, vector<16xi32>
        %get3A_926 = arith.constant 28 : i32
        %get3A_927 = arith.index_cast %get3A_926 : i32 to index
        %get3A_928 = arith.index_cast %mul3A_648 : i32 to index
        %get3A_929 = tpu.vector_load %arg4[%get3A_927, %get3A_928] {strides = array<i32>} : memref<32x1024xf32, #tpu.memory_space<vmem>>, vector<1x16xf32>,
        %get3A_930 = vector.shape_cast %get3A_929 : vector<1x16xf32> to vector<16xf32>
        %lt3A_931 = arith.cmpf olt, %get3A_930, %select_n3A_922 : vector<16xf32>
        %select_n3A_932 = arith.select %lt3A_931, %get3A_930, %select_n3A_922 : vector<16xi1>, vector<16xf32>
        %broadcast_in_dim3A_933 = arith.constant 28 : i32
        %broadcast_in_dim3A_934 = vector.broadcast %broadcast_in_dim3A_933 : i32 to vector<16xi32>
        %select_n3A_935 = arith.select %lt3A_931, %broadcast_in_dim3A_934, %select_n3A_925 : vector<16xi1>, vector<16xi32>
        %get3A_936 = arith.constant 29 : i32
        %get3A_937 = arith.index_cast %get3A_936 : i32 to index
        %get3A_938 = arith.index_cast %mul3A_648 : i32 to index
        %get3A_939 = tpu.vector_load %arg4[%get3A_937, %get3A_938] {strides = array<i32>} : memref<32x1024xf32, #tpu.memory_space<vmem>>, vector<1x16xf32>,
        %get3A_940 = vector.shape_cast %get3A_939 : vector<1x16xf32> to vector<16xf32>
        %lt3A_941 = arith.cmpf olt, %get3A_940, %select_n3A_932 : vector<16xf32>
        %select_n3A_942 = arith.select %lt3A_941, %get3A_940, %select_n3A_932 : vector<16xi1>, vector<16xf32>
        %broadcast_in_dim3A_943 = arith.constant 29 : i32
        %broadcast_in_dim3A_944 = vector.broadcast %broadcast_in_dim3A_943 : i32 to vector<16xi32>
        %select_n3A_945 = arith.select %lt3A_941, %broadcast_in_dim3A_944, %select_n3A_935 : vector<16xi1>, vector<16xi32>
        %get3A_946 = arith.constant 30 : i32
        %get3A_947 = arith.index_cast %get3A_946 : i32 to index
        %get3A_948 = arith.index_cast %mul3A_648 : i32 to index
        %get3A_949 = tpu.vector_load %arg4[%get3A_947, %get3A_948] {strides = array<i32>} : memref<32x1024xf32, #tpu.memory_space<vmem>>, vector<1x16xf32>,
        %get3A_950 = vector.shape_cast %get3A_949 : vector<1x16xf32> to vector<16xf32>
        %lt3A_951 = arith.cmpf olt, %get3A_950, %select_n3A_942 : vector<16xf32>
        %select_n3A_952 = arith.select %lt3A_951, %get3A_950, %select_n3A_942 : vector<16xi1>, vector<16xf32>
        %broadcast_in_dim3A_953 = arith.constant 30 : i32
        %broadcast_in_dim3A_954 = vector.broadcast %broadcast_in_dim3A_953 : i32 to vector<16xi32>
        %select_n3A_955 = arith.select %lt3A_951, %broadcast_in_dim3A_954, %select_n3A_945 : vector<16xi1>, vector<16xi32>
        %get3A_956 = arith.constant 31 : i32
        %get3A_957 = arith.index_cast %get3A_956 : i32 to index
        %get3A_958 = arith.index_cast %mul3A_648 : i32 to index
        %get3A_959 = tpu.vector_load %arg4[%get3A_957, %get3A_958] {strides = array<i32>} : memref<32x1024xf32, #tpu.memory_space<vmem>>, vector<1x16xf32>,
        %get3A_960 = vector.shape_cast %get3A_959 : vector<1x16xf32> to vector<16xf32>
        %lt3A_961 = arith.cmpf olt, %get3A_960, %select_n3A_952 : vector<16xf32>
        %select_n3A_962 = arith.select %lt3A_961, %get3A_960, %select_n3A_952 : vector<16xi1>, vector<16xf32>
        %broadcast_in_dim3A_963 = arith.constant 31 : i32
        %broadcast_in_dim3A_964 = vector.broadcast %broadcast_in_dim3A_963 : i32 to vector<16xi32>
        %select_n3A_965 = arith.select %lt3A_961, %broadcast_in_dim3A_964, %select_n3A_955 : vector<16xi1>, vector<16xi32>
        %swap3A_966 = arith.index_cast %mul3A_648 : i32 to index
        %swap3A_967 = tpu.vector_load %arg6[%swap3A_966] {strides = array<i32>} : memref<1024xi32, #tpu.memory_space<vmem>>, vector<16xi32>,
        %swap3A_968 = vector.shape_cast %swap3A_967 : vector<16xi32> to vector<16xi32>
        %swap3A_969 = vector.shape_cast %select_n3A_965 : vector<16xi32> to vector<16xi32>
        tpu.vector_store %arg6[%swap3A_966], %swap3A_969 {strides = array<i32>} : memref<1024xi32, #tpu.memory_space<vmem>>, vector<16xi32>,
        %scan3A_970 = arith.constant 0 : i32
        scf.yield %scan3A_970 : i32
      }
      %scan3A_163 = arith.constant 64 : i32
      %add3A_164 = arith.addi %mul3A_2, %mul3A_53 : i32
      %jit3A_165 = arith.constant 8 : i32
      %div3A_166 = arith.divsi %add3A_164, %jit3A_165 : i32
      %sign3A_167 = arith.constant 0 : i32
      %sign3A_168 = arith.cmpi sgt, %add3A_164, %sign3A_167 : i32
      %sign3A_169 = arith.extui %sign3A_168 : i1 to i32
      %sign3A_170 = arith.constant 0 : i32
      %sign3A_171 = arith.cmpi slt, %add3A_164, %sign3A_170 : i32
      %sign3A_172 = arith.extui %sign3A_171 : i1 to i32
      %sign3A_173 = arith.subi %sign3A_169, %sign3A_172 : i32
      %sign3A_174 = arith.constant 0 : i32
      %sign3A_175 = arith.cmpi sgt, %jit3A_165, %sign3A_174 : i32
      %sign3A_176 = arith.extui %sign3A_175 : i1 to i32
      %sign3A_177 = arith.constant 0 : i32
      %sign3A_178 = arith.cmpi slt, %jit3A_165, %sign3A_177 : i32
      %sign3A_179 = arith.extui %sign3A_178 : i1 to i32
      %sign3A_180 = arith.subi %sign3A_176, %sign3A_179 : i32
      %ne3A_181 = arith.cmpi ne, %sign3A_173, %sign3A_180 : i32
      %rem3A_182 = arith.remsi %add3A_164, %jit3A_165 : i32
      %ne3A_183 = arith.constant 0 : i32
      %ne3A_184 = arith.cmpi ne, %rem3A_182, %ne3A_183 : i32
      %and3A_185 = arith.andi %ne3A_181, %ne3A_184 : i1
      %sub3A_186 = arith.constant 1 : i32
      %sub3A_187 = arith.subi %div3A_166, %sub3A_186 : i32
      %select_n3A_188 = arith.select %and3A_185, %sub3A_187, %div3A_166 : i32
      %add3A_189 = arith.constant 96 : i32
      %add3A_190 = arith.addi %add3A_189, %select_n3A_188 : i32
      %jit3A_191 = arith.constant 8 : i32
      %eq3A_192 = arith.constant 0 : i32
      %eq3A_193 = arith.cmpi eq, %jit3A_191, %eq3A_192 : i32
      %jit3A_194 = arith.constant 1 : i32
      %select_n3A_195 = arith.select %eq3A_193, %jit3A_194, %jit3A_191 : i32
      %rem3A_196 = arith.remsi %add3A_164, %select_n3A_195 : i32
      %ne3A_197 = arith.constant 0 : i32
      %ne3A_198 = arith.cmpi ne, %rem3A_196, %ne3A_197 : i32
      %lt3A_199 = arith.constant 0 : i32
      %lt3A_200 = arith.cmpi slt, %rem3A_196, %lt3A_199 : i32
      %lt3A_201 = arith.constant 0 : i32
      %lt3A_202 = arith.cmpi slt, %select_n3A_195, %lt3A_201 : i32
      %ne3A_203 = arith.xori %lt3A_200, %lt3A_202 : i1
      %and3A_204 = arith.andi %ne3A_203, %ne3A_198 : i1
      %add3A_205 = arith.addi %rem3A_196, %select_n3A_195 : i32
      %select_n3A_206 = arith.select %and3A_204, %add3A_205, %rem3A_196 : i32
      %mul3A_207 = arith.constant 1024 : i32
      %mul3A_208 = arith.muli %select_n3A_206, %mul3A_207 : i32
      %sub3A_209 = arith.constant 96 : i32
      %sub3A_210 = arith.subi %add3A_190, %sub3A_209 : i32
      "tpu.region"() ({
        %run_scoped3A = tpu.sem_alloc : memref<!tpu.dma_semaphore, #tpu.memory_space<semaphore_mem>>
        %dma_start3A_322 = tpu.memref_slice %arg3[%sub3A_210, %mul3A_208] : memref<32x8192xi32, #tpu.memory_space<hbm>> -> memref<1x1024xi32, #tpu.memory_space<hbm>>
        %dma_start3A_323 = tpu.memref_squeeze %dma_start3A_322 : memref<1x1024xi32, #tpu.memory_space<hbm>> -> memref<1024xi32, #tpu.memory_space<hbm>>
        %dma_start3A_324 = tpu.memref_slice %arg3[%sub3A_210, %mul3A_208] : memref<32x8192xi32, #tpu.memory_space<hbm>> -> memref<1x1024xi32, #tpu.memory_space<hbm>>
        %dma_start3A_325 = tpu.memref_squeeze %dma_start3A_324 : memref<1x1024xi32, #tpu.memory_space<hbm>> -> memref<1024xi32, #tpu.memory_space<hbm>>
        tpu.enqueue_dma source(%arg6 : memref<1024xi32, #tpu.memory_space<vmem>>) target(%dma_start3A_325 : memref<1024xi32, #tpu.memory_space<hbm>>) target_semaphore(%run_scoped3A : memref<!tpu.dma_semaphore, #tpu.memory_space<semaphore_mem>>)
        %dma_wait3A_326 = tpu.memref_slice %arg3[%sub3A_210, %mul3A_208] : memref<32x8192xi32, #tpu.memory_space<hbm>> -> memref<1x1024xi32, #tpu.memory_space<hbm>>
        %dma_wait3A_327 = tpu.memref_squeeze %dma_wait3A_326 : memref<1x1024xi32, #tpu.memory_space<hbm>> -> memref<1024xi32, #tpu.memory_space<hbm>>
        %dma_wait3A_328 = tpu.memref_slice %arg3[%sub3A_210, %mul3A_208] : memref<32x8192xi32, #tpu.memory_space<hbm>> -> memref<1x1024xi32, #tpu.memory_space<hbm>>
        %dma_wait3A_329 = tpu.memref_squeeze %dma_wait3A_328 : memref<1x1024xi32, #tpu.memory_space<hbm>> -> memref<1024xi32, #tpu.memory_space<hbm>>
        tpu.wait_dma2 semaphore(%run_scoped3A : memref<!tpu.dma_semaphore, #tpu.memory_space<semaphore_mem>>) src(%arg6 : memref<1024xi32, #tpu.memory_space<vmem>>) dst(%dma_wait3A_329 : memref<1024xi32, #tpu.memory_space<hbm>>)
        tpu.yield
      }) : () -> ()
      %lt3A_211 = arith.constant 3 : i32
      %lt3A_212 = arith.cmpi slt, %scan3A_50, %lt3A_211 : i32
      %convert_element_type3A = arith.extui %lt3A_212 : i1 to i32
      %cond3A = arith.constant 0 : i32
      %cond3A_213 = arith.cmpi ne, %convert_element_type3A, %cond3A : i32
      scf.if %cond3A_213 {
        %add3A_322 = arith.constant 2 : i32
        %add3A_323 = arith.addi %mul3A_53, %add3A_322 : i32
        %add3A_324 = arith.addi %mul3A_2, %add3A_323 : i32
        %jit3A_325 = arith.constant 8 : i32
        %div3A_326 = arith.divsi %add3A_324, %jit3A_325 : i32
        %sign3A_327 = arith.constant 0 : i32
        %sign3A_328 = arith.cmpi sgt, %add3A_324, %sign3A_327 : i32
        %sign3A_329 = arith.extui %sign3A_328 : i1 to i32
        %sign3A_330 = arith.constant 0 : i32
        %sign3A_331 = arith.cmpi slt, %add3A_324, %sign3A_330 : i32
        %sign3A_332 = arith.extui %sign3A_331 : i1 to i32
        %sign3A_333 = arith.subi %sign3A_329, %sign3A_332 : i32
        %sign3A_334 = arith.constant 0 : i32
        %sign3A_335 = arith.cmpi sgt, %jit3A_325, %sign3A_334 : i32
        %sign3A_336 = arith.extui %sign3A_335 : i1 to i32
        %sign3A_337 = arith.constant 0 : i32
        %sign3A_338 = arith.cmpi slt, %jit3A_325, %sign3A_337 : i32
        %sign3A_339 = arith.extui %sign3A_338 : i1 to i32
        %sign3A_340 = arith.subi %sign3A_336, %sign3A_339 : i32
        %ne3A_341 = arith.cmpi ne, %sign3A_333, %sign3A_340 : i32
        %rem3A_342 = arith.remsi %add3A_324, %jit3A_325 : i32
        %ne3A_343 = arith.constant 0 : i32
        %ne3A_344 = arith.cmpi ne, %rem3A_342, %ne3A_343 : i32
        %and3A_345 = arith.andi %ne3A_341, %ne3A_344 : i1
        %sub3A_346 = arith.constant 1 : i32
        %sub3A_347 = arith.subi %div3A_326, %sub3A_346 : i32
        %select_n3A_348 = arith.select %and3A_345, %sub3A_347, %div3A_326 : i32
        %add3A_349 = arith.constant 96 : i32
        %add3A_350 = arith.addi %add3A_349, %select_n3A_348 : i32
        %jit3A_351 = arith.constant 8 : i32
        %eq3A_352 = arith.constant 0 : i32
        %eq3A_353 = arith.cmpi eq, %jit3A_351, %eq3A_352 : i32
        %jit3A_354 = arith.constant 1 : i32
        %select_n3A_355 = arith.select %eq3A_353, %jit3A_354, %jit3A_351 : i32
        %rem3A_356 = arith.remsi %add3A_324, %select_n3A_355 : i32
        %ne3A_357 = arith.constant 0 : i32
        %ne3A_358 = arith.cmpi ne, %rem3A_356, %ne3A_357 : i32
        %lt3A_359 = arith.constant 0 : i32
        %lt3A_360 = arith.cmpi slt, %rem3A_356, %lt3A_359 : i32
        %lt3A_361 = arith.constant 0 : i32
        %lt3A_362 = arith.cmpi slt, %select_n3A_355, %lt3A_361 : i32
        %ne3A_363 = arith.xori %lt3A_360, %lt3A_362 : i1
        %and3A_364 = arith.andi %ne3A_363, %ne3A_358 : i1
        %add3A_365 = arith.addi %rem3A_356, %select_n3A_355 : i32
        %select_n3A_366 = arith.select %and3A_364, %add3A_365, %rem3A_356 : i32
        %mul3A_367 = arith.constant 1024 : i32
        %mul3A_368 = arith.muli %select_n3A_366, %mul3A_367 : i32
        %dma_start3A_369 = arith.constant 0 : i32
        %dma_start3A_370 = tpu.memref_slice %arg2[%add3A_350, %dma_start3A_369, %mul3A_368] : memref<128x32x8192xf32, #tpu.memory_space<hbm>> -> memref<1x32x1024xf32, #tpu.memory_space<hbm>>
        %dma_start3A_371 = tpu.memref_squeeze %dma_start3A_370 : memref<1x32x1024xf32, #tpu.memory_space<hbm>> -> memref<32x1024xf32, #tpu.memory_space<hbm>>
        %dma_start3A_372 = arith.constant 0 : i32
        %dma_start3A_373 = tpu.memref_slice %arg2[%add3A_350, %dma_start3A_372, %mul3A_368] : memref<128x32x8192xf32, #tpu.memory_space<hbm>> -> memref<1x32x1024xf32, #tpu.memory_space<hbm>>
        %dma_start3A_374 = tpu.memref_squeeze %dma_start3A_373 : memref<1x32x1024xf32, #tpu.memory_space<hbm>> -> memref<32x1024xf32, #tpu.memory_space<hbm>>
        tpu.enqueue_dma source(%dma_start3A_374 : memref<32x1024xf32, #tpu.memory_space<hbm>>) target(%arg4 : memref<32x1024xf32, #tpu.memory_space<vmem>>) target_semaphore(%arg7 : memref<!tpu.dma_semaphore, #tpu.memory_space<semaphore_mem>>)
      } else {
      }
      %add3A_214 = arith.constant 1 : i32
      %add3A_215 = arith.addi %mul3A_53, %add3A_214 : i32
      %add3A_216 = arith.addi %mul3A_2, %add3A_215 : i32
      %jit3A_217 = arith.constant 8 : i32
      %div3A_218 = arith.divsi %add3A_216, %jit3A_217 : i32
      %sign3A_219 = arith.constant 0 : i32
      %sign3A_220 = arith.cmpi sgt, %add3A_216, %sign3A_219 : i32
      %sign3A_221 = arith.extui %sign3A_220 : i1 to i32
      %sign3A_222 = arith.constant 0 : i32
      %sign3A_223 = arith.cmpi slt, %add3A_216, %sign3A_222 : i32
      %sign3A_224 = arith.extui %sign3A_223 : i1 to i32
      %sign3A_225 = arith.subi %sign3A_221, %sign3A_224 : i32
      %sign3A_226 = arith.constant 0 : i32
      %sign3A_227 = arith.cmpi sgt, %jit3A_217, %sign3A_226 : i32
      %sign3A_228 = arith.extui %sign3A_227 : i1 to i32
      %sign3A_229 = arith.constant 0 : i32
      %sign3A_230 = arith.cmpi slt, %jit3A_217, %sign3A_229 : i32
      %sign3A_231 = arith.extui %sign3A_230 : i1 to i32
      %sign3A_232 = arith.subi %sign3A_228, %sign3A_231 : i32
      %ne3A_233 = arith.cmpi ne, %sign3A_225, %sign3A_232 : i32
      %rem3A_234 = arith.remsi %add3A_216, %jit3A_217 : i32
      %ne3A_235 = arith.constant 0 : i32
      %ne3A_236 = arith.cmpi ne, %rem3A_234, %ne3A_235 : i32
      %and3A_237 = arith.andi %ne3A_233, %ne3A_236 : i1
      %sub3A_238 = arith.constant 1 : i32
      %sub3A_239 = arith.subi %div3A_218, %sub3A_238 : i32
      %select_n3A_240 = arith.select %and3A_237, %sub3A_239, %div3A_218 : i32
      %add3A_241 = arith.constant 96 : i32
      %add3A_242 = arith.addi %add3A_241, %select_n3A_240 : i32
      %jit3A_243 = arith.constant 8 : i32
      %eq3A_244 = arith.constant 0 : i32
      %eq3A_245 = arith.cmpi eq, %jit3A_243, %eq3A_244 : i32
      %jit3A_246 = arith.constant 1 : i32
      %select_n3A_247 = arith.select %eq3A_245, %jit3A_246, %jit3A_243 : i32
      %rem3A_248 = arith.remsi %add3A_216, %select_n3A_247 : i32
      %ne3A_249 = arith.constant 0 : i32
      %ne3A_250 = arith.cmpi ne, %rem3A_248, %ne3A_249 : i32
      %lt3A_251 = arith.constant 0 : i32
      %lt3A_252 = arith.cmpi slt, %rem3A_248, %lt3A_251 : i32
      %lt3A_253 = arith.constant 0 : i32
      %lt3A_254 = arith.cmpi slt, %select_n3A_247, %lt3A_253 : i32
      %ne3A_255 = arith.xori %lt3A_252, %lt3A_254 : i1
      %and3A_256 = arith.andi %ne3A_255, %ne3A_250 : i1
      %add3A_257 = arith.addi %rem3A_248, %select_n3A_247 : i32
      %select_n3A_258 = arith.select %and3A_256, %add3A_257, %rem3A_248 : i32
      %mul3A_259 = arith.constant 1024 : i32
      %mul3A_260 = arith.muli %select_n3A_258, %mul3A_259 : i32
      %dma_wait3A_261 = arith.constant 0 : i32
      %dma_wait3A_262 = tpu.memref_slice %arg2[%add3A_242, %dma_wait3A_261, %mul3A_260] : memref<128x32x8192xf32, #tpu.memory_space<hbm>> -> memref<1x32x1024xf32, #tpu.memory_space<hbm>>
      %dma_wait3A_263 = tpu.memref_squeeze %dma_wait3A_262 : memref<1x32x1024xf32, #tpu.memory_space<hbm>> -> memref<32x1024xf32, #tpu.memory_space<hbm>>
      %dma_wait3A_264 = arith.constant 0 : i32
      %dma_wait3A_265 = tpu.memref_slice %arg2[%add3A_242, %dma_wait3A_264, %mul3A_260] : memref<128x32x8192xf32, #tpu.memory_space<hbm>> -> memref<1x32x1024xf32, #tpu.memory_space<hbm>>
      %dma_wait3A_266 = tpu.memref_squeeze %dma_wait3A_265 : memref<1x32x1024xf32, #tpu.memory_space<hbm>> -> memref<32x1024xf32, #tpu.memory_space<hbm>>
      tpu.wait_dma2 semaphore(%arg8 : memref<!tpu.dma_semaphore, #tpu.memory_space<semaphore_mem>>) src(%dma_wait3A_266 : memref<32x1024xf32, #tpu.memory_space<hbm>>) dst(%arg5 : memref<32x1024xf32, #tpu.memory_space<vmem>>)
      %scan3A_267 = arith.constant 0 : i32
      %scan3A_268 = arith.constant 0 : i32
      %scan3A_269 = arith.constant 64 : i32
      %scan3A_270 = arith.addi %scan3A_268, %scan3A_269 : i32
      %scan3A_271 = arith.constant 2 : i32
      %scan3A_272 = scf.for %scan3A_322 = %scan3A_268 to %scan3A_270 step %scan3A_271 iter_args(%scan3A_323 = %scan3A_267) -> (i32)  : i32 {
        %mul3A_324 = arith.constant 16 : i32
        %mul3A_325 = arith.muli %scan3A_322, %mul3A_324 : i32
        %get3A = arith.constant 0 : i32
        %get3A_326 = arith.index_cast %get3A : i32 to index
        %get3A_327 = arith.index_cast %mul3A_325 : i32 to index
        %get3A_328 = tpu.vector_load %arg5[%get3A_326, %get3A_327] {strides = array<i32>} : memref<32x1024xf32, #tpu.memory_space<vmem>>, vector<1x16xf32>,
        %get3A_329 = vector.shape_cast %get3A_328 : vector<1x16xf32> to vector<16xf32>
        %broadcast_in_dim3A = arith.constant 0 : i32
        %broadcast_in_dim3A_330 = vector.broadcast %broadcast_in_dim3A : i32 to vector<16xi32>
        %get3A_331 = arith.constant 1 : i32
        %get3A_332 = arith.index_cast %get3A_331 : i32 to index
        %get3A_333 = arith.index_cast %mul3A_325 : i32 to index
        %get3A_334 = tpu.vector_load %arg5[%get3A_332, %get3A_333] {strides = array<i32>} : memref<32x1024xf32, #tpu.memory_space<vmem>>, vector<1x16xf32>,
        %get3A_335 = vector.shape_cast %get3A_334 : vector<1x16xf32> to vector<16xf32>
        %lt3A_336 = arith.cmpf olt, %get3A_335, %get3A_329 : vector<16xf32>
        %select_n3A_337 = arith.select %lt3A_336, %get3A_335, %get3A_329 : vector<16xi1>, vector<16xf32>
        %broadcast_in_dim3A_338 = arith.constant 1 : i32
        %broadcast_in_dim3A_339 = vector.broadcast %broadcast_in_dim3A_338 : i32 to vector<16xi32>
        %select_n3A_340 = arith.select %lt3A_336, %broadcast_in_dim3A_339, %broadcast_in_dim3A_330 : vector<16xi1>, vector<16xi32>
        %get3A_341 = arith.constant 2 : i32
        %get3A_342 = arith.index_cast %get3A_341 : i32 to index
        %get3A_343 = arith.index_cast %mul3A_325 : i32 to index
        %get3A_344 = tpu.vector_load %arg5[%get3A_342, %get3A_343] {strides = array<i32>} : memref<32x1024xf32, #tpu.memory_space<vmem>>, vector<1x16xf32>,
        %get3A_345 = vector.shape_cast %get3A_344 : vector<1x16xf32> to vector<16xf32>
        %lt3A_346 = arith.cmpf olt, %get3A_345, %select_n3A_337 : vector<16xf32>
        %select_n3A_347 = arith.select %lt3A_346, %get3A_345, %select_n3A_337 : vector<16xi1>, vector<16xf32>
        %broadcast_in_dim3A_348 = arith.constant 2 : i32
        %broadcast_in_dim3A_349 = vector.broadcast %broadcast_in_dim3A_348 : i32 to vector<16xi32>
        %select_n3A_350 = arith.select %lt3A_346, %broadcast_in_dim3A_349, %select_n3A_340 : vector<16xi1>, vector<16xi32>
        %get3A_351 = arith.constant 3 : i32
        %get3A_352 = arith.index_cast %get3A_351 : i32 to index
        %get3A_353 = arith.index_cast %mul3A_325 : i32 to index
        %get3A_354 = tpu.vector_load %arg5[%get3A_352, %get3A_353] {strides = array<i32>} : memref<32x1024xf32, #tpu.memory_space<vmem>>, vector<1x16xf32>,
        %get3A_355 = vector.shape_cast %get3A_354 : vector<1x16xf32> to vector<16xf32>
        %lt3A_356 = arith.cmpf olt, %get3A_355, %select_n3A_347 : vector<16xf32>
        %select_n3A_357 = arith.select %lt3A_356, %get3A_355, %select_n3A_347 : vector<16xi1>, vector<16xf32>
        %broadcast_in_dim3A_358 = arith.constant 3 : i32
        %broadcast_in_dim3A_359 = vector.broadcast %broadcast_in_dim3A_358 : i32 to vector<16xi32>
        %select_n3A_360 = arith.select %lt3A_356, %broadcast_in_dim3A_359, %select_n3A_350 : vector<16xi1>, vector<16xi32>
        %get3A_361 = arith.constant 4 : i32
        %get3A_362 = arith.index_cast %get3A_361 : i32 to index
        %get3A_363 = arith.index_cast %mul3A_325 : i32 to index
        %get3A_364 = tpu.vector_load %arg5[%get3A_362, %get3A_363] {strides = array<i32>} : memref<32x1024xf32, #tpu.memory_space<vmem>>, vector<1x16xf32>,
        %get3A_365 = vector.shape_cast %get3A_364 : vector<1x16xf32> to vector<16xf32>
        %lt3A_366 = arith.cmpf olt, %get3A_365, %select_n3A_357 : vector<16xf32>
        %select_n3A_367 = arith.select %lt3A_366, %get3A_365, %select_n3A_357 : vector<16xi1>, vector<16xf32>
        %broadcast_in_dim3A_368 = arith.constant 4 : i32
        %broadcast_in_dim3A_369 = vector.broadcast %broadcast_in_dim3A_368 : i32 to vector<16xi32>
        %select_n3A_370 = arith.select %lt3A_366, %broadcast_in_dim3A_369, %select_n3A_360 : vector<16xi1>, vector<16xi32>
        %get3A_371 = arith.constant 5 : i32
        %get3A_372 = arith.index_cast %get3A_371 : i32 to index
        %get3A_373 = arith.index_cast %mul3A_325 : i32 to index
        %get3A_374 = tpu.vector_load %arg5[%get3A_372, %get3A_373] {strides = array<i32>} : memref<32x1024xf32, #tpu.memory_space<vmem>>, vector<1x16xf32>,
        %get3A_375 = vector.shape_cast %get3A_374 : vector<1x16xf32> to vector<16xf32>
        %lt3A_376 = arith.cmpf olt, %get3A_375, %select_n3A_367 : vector<16xf32>
        %select_n3A_377 = arith.select %lt3A_376, %get3A_375, %select_n3A_367 : vector<16xi1>, vector<16xf32>
        %broadcast_in_dim3A_378 = arith.constant 5 : i32
        %broadcast_in_dim3A_379 = vector.broadcast %broadcast_in_dim3A_378 : i32 to vector<16xi32>
        %select_n3A_380 = arith.select %lt3A_376, %broadcast_in_dim3A_379, %select_n3A_370 : vector<16xi1>, vector<16xi32>
        %get3A_381 = arith.constant 6 : i32
        %get3A_382 = arith.index_cast %get3A_381 : i32 to index
        %get3A_383 = arith.index_cast %mul3A_325 : i32 to index
        %get3A_384 = tpu.vector_load %arg5[%get3A_382, %get3A_383] {strides = array<i32>} : memref<32x1024xf32, #tpu.memory_space<vmem>>, vector<1x16xf32>,
        %get3A_385 = vector.shape_cast %get3A_384 : vector<1x16xf32> to vector<16xf32>
        %lt3A_386 = arith.cmpf olt, %get3A_385, %select_n3A_377 : vector<16xf32>
        %select_n3A_387 = arith.select %lt3A_386, %get3A_385, %select_n3A_377 : vector<16xi1>, vector<16xf32>
        %broadcast_in_dim3A_388 = arith.constant 6 : i32
        %broadcast_in_dim3A_389 = vector.broadcast %broadcast_in_dim3A_388 : i32 to vector<16xi32>
        %select_n3A_390 = arith.select %lt3A_386, %broadcast_in_dim3A_389, %select_n3A_380 : vector<16xi1>, vector<16xi32>
        %get3A_391 = arith.constant 7 : i32
        %get3A_392 = arith.index_cast %get3A_391 : i32 to index
        %get3A_393 = arith.index_cast %mul3A_325 : i32 to index
        %get3A_394 = tpu.vector_load %arg5[%get3A_392, %get3A_393] {strides = array<i32>} : memref<32x1024xf32, #tpu.memory_space<vmem>>, vector<1x16xf32>,
        %get3A_395 = vector.shape_cast %get3A_394 : vector<1x16xf32> to vector<16xf32>
        %lt3A_396 = arith.cmpf olt, %get3A_395, %select_n3A_387 : vector<16xf32>
        %select_n3A_397 = arith.select %lt3A_396, %get3A_395, %select_n3A_387 : vector<16xi1>, vector<16xf32>
        %broadcast_in_dim3A_398 = arith.constant 7 : i32
        %broadcast_in_dim3A_399 = vector.broadcast %broadcast_in_dim3A_398 : i32 to vector<16xi32>
        %select_n3A_400 = arith.select %lt3A_396, %broadcast_in_dim3A_399, %select_n3A_390 : vector<16xi1>, vector<16xi32>
        %get3A_401 = arith.constant 8 : i32
        %get3A_402 = arith.index_cast %get3A_401 : i32 to index
        %get3A_403 = arith.index_cast %mul3A_325 : i32 to index
        %get3A_404 = tpu.vector_load %arg5[%get3A_402, %get3A_403] {strides = array<i32>} : memref<32x1024xf32, #tpu.memory_space<vmem>>, vector<1x16xf32>,
        %get3A_405 = vector.shape_cast %get3A_404 : vector<1x16xf32> to vector<16xf32>
        %lt3A_406 = arith.cmpf olt, %get3A_405, %select_n3A_397 : vector<16xf32>
        %select_n3A_407 = arith.select %lt3A_406, %get3A_405, %select_n3A_397 : vector<16xi1>, vector<16xf32>
        %broadcast_in_dim3A_408 = arith.constant 8 : i32
        %broadcast_in_dim3A_409 = vector.broadcast %broadcast_in_dim3A_408 : i32 to vector<16xi32>
        %select_n3A_410 = arith.select %lt3A_406, %broadcast_in_dim3A_409, %select_n3A_400 : vector<16xi1>, vector<16xi32>
        %get3A_411 = arith.constant 9 : i32
        %get3A_412 = arith.index_cast %get3A_411 : i32 to index
        %get3A_413 = arith.index_cast %mul3A_325 : i32 to index
        %get3A_414 = tpu.vector_load %arg5[%get3A_412, %get3A_413] {strides = array<i32>} : memref<32x1024xf32, #tpu.memory_space<vmem>>, vector<1x16xf32>,
        %get3A_415 = vector.shape_cast %get3A_414 : vector<1x16xf32> to vector<16xf32>
        %lt3A_416 = arith.cmpf olt, %get3A_415, %select_n3A_407 : vector<16xf32>
        %select_n3A_417 = arith.select %lt3A_416, %get3A_415, %select_n3A_407 : vector<16xi1>, vector<16xf32>
        %broadcast_in_dim3A_418 = arith.constant 9 : i32
        %broadcast_in_dim3A_419 = vector.broadcast %broadcast_in_dim3A_418 : i32 to vector<16xi32>
        %select_n3A_420 = arith.select %lt3A_416, %broadcast_in_dim3A_419, %select_n3A_410 : vector<16xi1>, vector<16xi32>
        %get3A_421 = arith.constant 10 : i32
        %get3A_422 = arith.index_cast %get3A_421 : i32 to index
        %get3A_423 = arith.index_cast %mul3A_325 : i32 to index
        %get3A_424 = tpu.vector_load %arg5[%get3A_422, %get3A_423] {strides = array<i32>} : memref<32x1024xf32, #tpu.memory_space<vmem>>, vector<1x16xf32>,
        %get3A_425 = vector.shape_cast %get3A_424 : vector<1x16xf32> to vector<16xf32>
        %lt3A_426 = arith.cmpf olt, %get3A_425, %select_n3A_417 : vector<16xf32>
        %select_n3A_427 = arith.select %lt3A_426, %get3A_425, %select_n3A_417 : vector<16xi1>, vector<16xf32>
        %broadcast_in_dim3A_428 = arith.constant 10 : i32
        %broadcast_in_dim3A_429 = vector.broadcast %broadcast_in_dim3A_428 : i32 to vector<16xi32>
        %select_n3A_430 = arith.select %lt3A_426, %broadcast_in_dim3A_429, %select_n3A_420 : vector<16xi1>, vector<16xi32>
        %get3A_431 = arith.constant 11 : i32
        %get3A_432 = arith.index_cast %get3A_431 : i32 to index
        %get3A_433 = arith.index_cast %mul3A_325 : i32 to index
        %get3A_434 = tpu.vector_load %arg5[%get3A_432, %get3A_433] {strides = array<i32>} : memref<32x1024xf32, #tpu.memory_space<vmem>>, vector<1x16xf32>,
        %get3A_435 = vector.shape_cast %get3A_434 : vector<1x16xf32> to vector<16xf32>
        %lt3A_436 = arith.cmpf olt, %get3A_435, %select_n3A_427 : vector<16xf32>
        %select_n3A_437 = arith.select %lt3A_436, %get3A_435, %select_n3A_427 : vector<16xi1>, vector<16xf32>
        %broadcast_in_dim3A_438 = arith.constant 11 : i32
        %broadcast_in_dim3A_439 = vector.broadcast %broadcast_in_dim3A_438 : i32 to vector<16xi32>
        %select_n3A_440 = arith.select %lt3A_436, %broadcast_in_dim3A_439, %select_n3A_430 : vector<16xi1>, vector<16xi32>
        %get3A_441 = arith.constant 12 : i32
        %get3A_442 = arith.index_cast %get3A_441 : i32 to index
        %get3A_443 = arith.index_cast %mul3A_325 : i32 to index
        %get3A_444 = tpu.vector_load %arg5[%get3A_442, %get3A_443] {strides = array<i32>} : memref<32x1024xf32, #tpu.memory_space<vmem>>, vector<1x16xf32>,
        %get3A_445 = vector.shape_cast %get3A_444 : vector<1x16xf32> to vector<16xf32>
        %lt3A_446 = arith.cmpf olt, %get3A_445, %select_n3A_437 : vector<16xf32>
        %select_n3A_447 = arith.select %lt3A_446, %get3A_445, %select_n3A_437 : vector<16xi1>, vector<16xf32>
        %broadcast_in_dim3A_448 = arith.constant 12 : i32
        %broadcast_in_dim3A_449 = vector.broadcast %broadcast_in_dim3A_448 : i32 to vector<16xi32>
        %select_n3A_450 = arith.select %lt3A_446, %broadcast_in_dim3A_449, %select_n3A_440 : vector<16xi1>, vector<16xi32>
        %get3A_451 = arith.constant 13 : i32
        %get3A_452 = arith.index_cast %get3A_451 : i32 to index
        %get3A_453 = arith.index_cast %mul3A_325 : i32 to index
        %get3A_454 = tpu.vector_load %arg5[%get3A_452, %get3A_453] {strides = array<i32>} : memref<32x1024xf32, #tpu.memory_space<vmem>>, vector<1x16xf32>,
        %get3A_455 = vector.shape_cast %get3A_454 : vector<1x16xf32> to vector<16xf32>
        %lt3A_456 = arith.cmpf olt, %get3A_455, %select_n3A_447 : vector<16xf32>
        %select_n3A_457 = arith.select %lt3A_456, %get3A_455, %select_n3A_447 : vector<16xi1>, vector<16xf32>
        %broadcast_in_dim3A_458 = arith.constant 13 : i32
        %broadcast_in_dim3A_459 = vector.broadcast %broadcast_in_dim3A_458 : i32 to vector<16xi32>
        %select_n3A_460 = arith.select %lt3A_456, %broadcast_in_dim3A_459, %select_n3A_450 : vector<16xi1>, vector<16xi32>
        %get3A_461 = arith.constant 14 : i32
        %get3A_462 = arith.index_cast %get3A_461 : i32 to index
        %get3A_463 = arith.index_cast %mul3A_325 : i32 to index
        %get3A_464 = tpu.vector_load %arg5[%get3A_462, %get3A_463] {strides = array<i32>} : memref<32x1024xf32, #tpu.memory_space<vmem>>, vector<1x16xf32>,
        %get3A_465 = vector.shape_cast %get3A_464 : vector<1x16xf32> to vector<16xf32>
        %lt3A_466 = arith.cmpf olt, %get3A_465, %select_n3A_457 : vector<16xf32>
        %select_n3A_467 = arith.select %lt3A_466, %get3A_465, %select_n3A_457 : vector<16xi1>, vector<16xf32>
        %broadcast_in_dim3A_468 = arith.constant 14 : i32
        %broadcast_in_dim3A_469 = vector.broadcast %broadcast_in_dim3A_468 : i32 to vector<16xi32>
        %select_n3A_470 = arith.select %lt3A_466, %broadcast_in_dim3A_469, %select_n3A_460 : vector<16xi1>, vector<16xi32>
        %get3A_471 = arith.constant 15 : i32
        %get3A_472 = arith.index_cast %get3A_471 : i32 to index
        %get3A_473 = arith.index_cast %mul3A_325 : i32 to index
        %get3A_474 = tpu.vector_load %arg5[%get3A_472, %get3A_473] {strides = array<i32>} : memref<32x1024xf32, #tpu.memory_space<vmem>>, vector<1x16xf32>,
        %get3A_475 = vector.shape_cast %get3A_474 : vector<1x16xf32> to vector<16xf32>
        %lt3A_476 = arith.cmpf olt, %get3A_475, %select_n3A_467 : vector<16xf32>
        %select_n3A_477 = arith.select %lt3A_476, %get3A_475, %select_n3A_467 : vector<16xi1>, vector<16xf32>
        %broadcast_in_dim3A_478 = arith.constant 15 : i32
        %broadcast_in_dim3A_479 = vector.broadcast %broadcast_in_dim3A_478 : i32 to vector<16xi32>
        %select_n3A_480 = arith.select %lt3A_476, %broadcast_in_dim3A_479, %select_n3A_470 : vector<16xi1>, vector<16xi32>
        %get3A_481 = arith.constant 16 : i32
        %get3A_482 = arith.index_cast %get3A_481 : i32 to index
        %get3A_483 = arith.index_cast %mul3A_325 : i32 to index
        %get3A_484 = tpu.vector_load %arg5[%get3A_482, %get3A_483] {strides = array<i32>} : memref<32x1024xf32, #tpu.memory_space<vmem>>, vector<1x16xf32>,
        %get3A_485 = vector.shape_cast %get3A_484 : vector<1x16xf32> to vector<16xf32>
        %lt3A_486 = arith.cmpf olt, %get3A_485, %select_n3A_477 : vector<16xf32>
        %select_n3A_487 = arith.select %lt3A_486, %get3A_485, %select_n3A_477 : vector<16xi1>, vector<16xf32>
        %broadcast_in_dim3A_488 = arith.constant 16 : i32
        %broadcast_in_dim3A_489 = vector.broadcast %broadcast_in_dim3A_488 : i32 to vector<16xi32>
        %select_n3A_490 = arith.select %lt3A_486, %broadcast_in_dim3A_489, %select_n3A_480 : vector<16xi1>, vector<16xi32>
        %get3A_491 = arith.constant 17 : i32
        %get3A_492 = arith.index_cast %get3A_491 : i32 to index
        %get3A_493 = arith.index_cast %mul3A_325 : i32 to index
        %get3A_494 = tpu.vector_load %arg5[%get3A_492, %get3A_493] {strides = array<i32>} : memref<32x1024xf32, #tpu.memory_space<vmem>>, vector<1x16xf32>,
        %get3A_495 = vector.shape_cast %get3A_494 : vector<1x16xf32> to vector<16xf32>
        %lt3A_496 = arith.cmpf olt, %get3A_495, %select_n3A_487 : vector<16xf32>
        %select_n3A_497 = arith.select %lt3A_496, %get3A_495, %select_n3A_487 : vector<16xi1>, vector<16xf32>
        %broadcast_in_dim3A_498 = arith.constant 17 : i32
        %broadcast_in_dim3A_499 = vector.broadcast %broadcast_in_dim3A_498 : i32 to vector<16xi32>
        %select_n3A_500 = arith.select %lt3A_496, %broadcast_in_dim3A_499, %select_n3A_490 : vector<16xi1>, vector<16xi32>
        %get3A_501 = arith.constant 18 : i32
        %get3A_502 = arith.index_cast %get3A_501 : i32 to index
        %get3A_503 = arith.index_cast %mul3A_325 : i32 to index
        %get3A_504 = tpu.vector_load %arg5[%get3A_502, %get3A_503] {strides = array<i32>} : memref<32x1024xf32, #tpu.memory_space<vmem>>, vector<1x16xf32>,
        %get3A_505 = vector.shape_cast %get3A_504 : vector<1x16xf32> to vector<16xf32>
        %lt3A_506 = arith.cmpf olt, %get3A_505, %select_n3A_497 : vector<16xf32>
        %select_n3A_507 = arith.select %lt3A_506, %get3A_505, %select_n3A_497 : vector<16xi1>, vector<16xf32>
        %broadcast_in_dim3A_508 = arith.constant 18 : i32
        %broadcast_in_dim3A_509 = vector.broadcast %broadcast_in_dim3A_508 : i32 to vector<16xi32>
        %select_n3A_510 = arith.select %lt3A_506, %broadcast_in_dim3A_509, %select_n3A_500 : vector<16xi1>, vector<16xi32>
        %get3A_511 = arith.constant 19 : i32
        %get3A_512 = arith.index_cast %get3A_511 : i32 to index
        %get3A_513 = arith.index_cast %mul3A_325 : i32 to index
        %get3A_514 = tpu.vector_load %arg5[%get3A_512, %get3A_513] {strides = array<i32>} : memref<32x1024xf32, #tpu.memory_space<vmem>>, vector<1x16xf32>,
        %get3A_515 = vector.shape_cast %get3A_514 : vector<1x16xf32> to vector<16xf32>
        %lt3A_516 = arith.cmpf olt, %get3A_515, %select_n3A_507 : vector<16xf32>
        %select_n3A_517 = arith.select %lt3A_516, %get3A_515, %select_n3A_507 : vector<16xi1>, vector<16xf32>
        %broadcast_in_dim3A_518 = arith.constant 19 : i32
        %broadcast_in_dim3A_519 = vector.broadcast %broadcast_in_dim3A_518 : i32 to vector<16xi32>
        %select_n3A_520 = arith.select %lt3A_516, %broadcast_in_dim3A_519, %select_n3A_510 : vector<16xi1>, vector<16xi32>
        %get3A_521 = arith.constant 20 : i32
        %get3A_522 = arith.index_cast %get3A_521 : i32 to index
        %get3A_523 = arith.index_cast %mul3A_325 : i32 to index
        %get3A_524 = tpu.vector_load %arg5[%get3A_522, %get3A_523] {strides = array<i32>} : memref<32x1024xf32, #tpu.memory_space<vmem>>, vector<1x16xf32>,
        %get3A_525 = vector.shape_cast %get3A_524 : vector<1x16xf32> to vector<16xf32>
        %lt3A_526 = arith.cmpf olt, %get3A_525, %select_n3A_517 : vector<16xf32>
        %select_n3A_527 = arith.select %lt3A_526, %get3A_525, %select_n3A_517 : vector<16xi1>, vector<16xf32>
        %broadcast_in_dim3A_528 = arith.constant 20 : i32
        %broadcast_in_dim3A_529 = vector.broadcast %broadcast_in_dim3A_528 : i32 to vector<16xi32>
        %select_n3A_530 = arith.select %lt3A_526, %broadcast_in_dim3A_529, %select_n3A_520 : vector<16xi1>, vector<16xi32>
        %get3A_531 = arith.constant 21 : i32
        %get3A_532 = arith.index_cast %get3A_531 : i32 to index
        %get3A_533 = arith.index_cast %mul3A_325 : i32 to index
        %get3A_534 = tpu.vector_load %arg5[%get3A_532, %get3A_533] {strides = array<i32>} : memref<32x1024xf32, #tpu.memory_space<vmem>>, vector<1x16xf32>,
        %get3A_535 = vector.shape_cast %get3A_534 : vector<1x16xf32> to vector<16xf32>
        %lt3A_536 = arith.cmpf olt, %get3A_535, %select_n3A_527 : vector<16xf32>
        %select_n3A_537 = arith.select %lt3A_536, %get3A_535, %select_n3A_527 : vector<16xi1>, vector<16xf32>
        %broadcast_in_dim3A_538 = arith.constant 21 : i32
        %broadcast_in_dim3A_539 = vector.broadcast %broadcast_in_dim3A_538 : i32 to vector<16xi32>
        %select_n3A_540 = arith.select %lt3A_536, %broadcast_in_dim3A_539, %select_n3A_530 : vector<16xi1>, vector<16xi32>
        %get3A_541 = arith.constant 22 : i32
        %get3A_542 = arith.index_cast %get3A_541 : i32 to index
        %get3A_543 = arith.index_cast %mul3A_325 : i32 to index
        %get3A_544 = tpu.vector_load %arg5[%get3A_542, %get3A_543] {strides = array<i32>} : memref<32x1024xf32, #tpu.memory_space<vmem>>, vector<1x16xf32>,
        %get3A_545 = vector.shape_cast %get3A_544 : vector<1x16xf32> to vector<16xf32>
        %lt3A_546 = arith.cmpf olt, %get3A_545, %select_n3A_537 : vector<16xf32>
        %select_n3A_547 = arith.select %lt3A_546, %get3A_545, %select_n3A_537 : vector<16xi1>, vector<16xf32>
        %broadcast_in_dim3A_548 = arith.constant 22 : i32
        %broadcast_in_dim3A_549 = vector.broadcast %broadcast_in_dim3A_548 : i32 to vector<16xi32>
        %select_n3A_550 = arith.select %lt3A_546, %broadcast_in_dim3A_549, %select_n3A_540 : vector<16xi1>, vector<16xi32>
        %get3A_551 = arith.constant 23 : i32
        %get3A_552 = arith.index_cast %get3A_551 : i32 to index
        %get3A_553 = arith.index_cast %mul3A_325 : i32 to index
        %get3A_554 = tpu.vector_load %arg5[%get3A_552, %get3A_553] {strides = array<i32>} : memref<32x1024xf32, #tpu.memory_space<vmem>>, vector<1x16xf32>,
        %get3A_555 = vector.shape_cast %get3A_554 : vector<1x16xf32> to vector<16xf32>
        %lt3A_556 = arith.cmpf olt, %get3A_555, %select_n3A_547 : vector<16xf32>
        %select_n3A_557 = arith.select %lt3A_556, %get3A_555, %select_n3A_547 : vector<16xi1>, vector<16xf32>
        %broadcast_in_dim3A_558 = arith.constant 23 : i32
        %broadcast_in_dim3A_559 = vector.broadcast %broadcast_in_dim3A_558 : i32 to vector<16xi32>
        %select_n3A_560 = arith.select %lt3A_556, %broadcast_in_dim3A_559, %select_n3A_550 : vector<16xi1>, vector<16xi32>
        %get3A_561 = arith.constant 24 : i32
        %get3A_562 = arith.index_cast %get3A_561 : i32 to index
        %get3A_563 = arith.index_cast %mul3A_325 : i32 to index
        %get3A_564 = tpu.vector_load %arg5[%get3A_562, %get3A_563] {strides = array<i32>} : memref<32x1024xf32, #tpu.memory_space<vmem>>, vector<1x16xf32>,
        %get3A_565 = vector.shape_cast %get3A_564 : vector<1x16xf32> to vector<16xf32>
        %lt3A_566 = arith.cmpf olt, %get3A_565, %select_n3A_557 : vector<16xf32>
        %select_n3A_567 = arith.select %lt3A_566, %get3A_565, %select_n3A_557 : vector<16xi1>, vector<16xf32>
        %broadcast_in_dim3A_568 = arith.constant 24 : i32
        %broadcast_in_dim3A_569 = vector.broadcast %broadcast_in_dim3A_568 : i32 to vector<16xi32>
        %select_n3A_570 = arith.select %lt3A_566, %broadcast_in_dim3A_569, %select_n3A_560 : vector<16xi1>, vector<16xi32>
        %get3A_571 = arith.constant 25 : i32
        %get3A_572 = arith.index_cast %get3A_571 : i32 to index
        %get3A_573 = arith.index_cast %mul3A_325 : i32 to index
        %get3A_574 = tpu.vector_load %arg5[%get3A_572, %get3A_573] {strides = array<i32>} : memref<32x1024xf32, #tpu.memory_space<vmem>>, vector<1x16xf32>,
        %get3A_575 = vector.shape_cast %get3A_574 : vector<1x16xf32> to vector<16xf32>
        %lt3A_576 = arith.cmpf olt, %get3A_575, %select_n3A_567 : vector<16xf32>
        %select_n3A_577 = arith.select %lt3A_576, %get3A_575, %select_n3A_567 : vector<16xi1>, vector<16xf32>
        %broadcast_in_dim3A_578 = arith.constant 25 : i32
        %broadcast_in_dim3A_579 = vector.broadcast %broadcast_in_dim3A_578 : i32 to vector<16xi32>
        %select_n3A_580 = arith.select %lt3A_576, %broadcast_in_dim3A_579, %select_n3A_570 : vector<16xi1>, vector<16xi32>
        %get3A_581 = arith.constant 26 : i32
        %get3A_582 = arith.index_cast %get3A_581 : i32 to index
        %get3A_583 = arith.index_cast %mul3A_325 : i32 to index
        %get3A_584 = tpu.vector_load %arg5[%get3A_582, %get3A_583] {strides = array<i32>} : memref<32x1024xf32, #tpu.memory_space<vmem>>, vector<1x16xf32>,
        %get3A_585 = vector.shape_cast %get3A_584 : vector<1x16xf32> to vector<16xf32>
        %lt3A_586 = arith.cmpf olt, %get3A_585, %select_n3A_577 : vector<16xf32>
        %select_n3A_587 = arith.select %lt3A_586, %get3A_585, %select_n3A_577 : vector<16xi1>, vector<16xf32>
        %broadcast_in_dim3A_588 = arith.constant 26 : i32
        %broadcast_in_dim3A_589 = vector.broadcast %broadcast_in_dim3A_588 : i32 to vector<16xi32>
        %select_n3A_590 = arith.select %lt3A_586, %broadcast_in_dim3A_589, %select_n3A_580 : vector<16xi1>, vector<16xi32>
        %get3A_591 = arith.constant 27 : i32
        %get3A_592 = arith.index_cast %get3A_591 : i32 to index
        %get3A_593 = arith.index_cast %mul3A_325 : i32 to index
        %get3A_594 = tpu.vector_load %arg5[%get3A_592, %get3A_593] {strides = array<i32>} : memref<32x1024xf32, #tpu.memory_space<vmem>>, vector<1x16xf32>,
        %get3A_595 = vector.shape_cast %get3A_594 : vector<1x16xf32> to vector<16xf32>
        %lt3A_596 = arith.cmpf olt, %get3A_595, %select_n3A_587 : vector<16xf32>
        %select_n3A_597 = arith.select %lt3A_596, %get3A_595, %select_n3A_587 : vector<16xi1>, vector<16xf32>
        %broadcast_in_dim3A_598 = arith.constant 27 : i32
        %broadcast_in_dim3A_599 = vector.broadcast %broadcast_in_dim3A_598 : i32 to vector<16xi32>
        %select_n3A_600 = arith.select %lt3A_596, %broadcast_in_dim3A_599, %select_n3A_590 : vector<16xi1>, vector<16xi32>
        %get3A_601 = arith.constant 28 : i32
        %get3A_602 = arith.index_cast %get3A_601 : i32 to index
        %get3A_603 = arith.index_cast %mul3A_325 : i32 to index
        %get3A_604 = tpu.vector_load %arg5[%get3A_602, %get3A_603] {strides = array<i32>} : memref<32x1024xf32, #tpu.memory_space<vmem>>, vector<1x16xf32>,
        %get3A_605 = vector.shape_cast %get3A_604 : vector<1x16xf32> to vector<16xf32>
        %lt3A_606 = arith.cmpf olt, %get3A_605, %select_n3A_597 : vector<16xf32>
        %select_n3A_607 = arith.select %lt3A_606, %get3A_605, %select_n3A_597 : vector<16xi1>, vector<16xf32>
        %broadcast_in_dim3A_608 = arith.constant 28 : i32
        %broadcast_in_dim3A_609 = vector.broadcast %broadcast_in_dim3A_608 : i32 to vector<16xi32>
        %select_n3A_610 = arith.select %lt3A_606, %broadcast_in_dim3A_609, %select_n3A_600 : vector<16xi1>, vector<16xi32>
        %get3A_611 = arith.constant 29 : i32
        %get3A_612 = arith.index_cast %get3A_611 : i32 to index
        %get3A_613 = arith.index_cast %mul3A_325 : i32 to index
        %get3A_614 = tpu.vector_load %arg5[%get3A_612, %get3A_613] {strides = array<i32>} : memref<32x1024xf32, #tpu.memory_space<vmem>>, vector<1x16xf32>,
        %get3A_615 = vector.shape_cast %get3A_614 : vector<1x16xf32> to vector<16xf32>
        %lt3A_616 = arith.cmpf olt, %get3A_615, %select_n3A_607 : vector<16xf32>
        %select_n3A_617 = arith.select %lt3A_616, %get3A_615, %select_n3A_607 : vector<16xi1>, vector<16xf32>
        %broadcast_in_dim3A_618 = arith.constant 29 : i32
        %broadcast_in_dim3A_619 = vector.broadcast %broadcast_in_dim3A_618 : i32 to vector<16xi32>
        %select_n3A_620 = arith.select %lt3A_616, %broadcast_in_dim3A_619, %select_n3A_610 : vector<16xi1>, vector<16xi32>
        %get3A_621 = arith.constant 30 : i32
        %get3A_622 = arith.index_cast %get3A_621 : i32 to index
        %get3A_623 = arith.index_cast %mul3A_325 : i32 to index
        %get3A_624 = tpu.vector_load %arg5[%get3A_622, %get3A_623] {strides = array<i32>} : memref<32x1024xf32, #tpu.memory_space<vmem>>, vector<1x16xf32>,
        %get3A_625 = vector.shape_cast %get3A_624 : vector<1x16xf32> to vector<16xf32>
        %lt3A_626 = arith.cmpf olt, %get3A_625, %select_n3A_617 : vector<16xf32>
        %select_n3A_627 = arith.select %lt3A_626, %get3A_625, %select_n3A_617 : vector<16xi1>, vector<16xf32>
        %broadcast_in_dim3A_628 = arith.constant 30 : i32
        %broadcast_in_dim3A_629 = vector.broadcast %broadcast_in_dim3A_628 : i32 to vector<16xi32>
        %select_n3A_630 = arith.select %lt3A_626, %broadcast_in_dim3A_629, %select_n3A_620 : vector<16xi1>, vector<16xi32>
        %get3A_631 = arith.constant 31 : i32
        %get3A_632 = arith.index_cast %get3A_631 : i32 to index
        %get3A_633 = arith.index_cast %mul3A_325 : i32 to index
        %get3A_634 = tpu.vector_load %arg5[%get3A_632, %get3A_633] {strides = array<i32>} : memref<32x1024xf32, #tpu.memory_space<vmem>>, vector<1x16xf32>,
        %get3A_635 = vector.shape_cast %get3A_634 : vector<1x16xf32> to vector<16xf32>
        %lt3A_636 = arith.cmpf olt, %get3A_635, %select_n3A_627 : vector<16xf32>
        %select_n3A_637 = arith.select %lt3A_636, %get3A_635, %select_n3A_627 : vector<16xi1>, vector<16xf32>
        %broadcast_in_dim3A_638 = arith.constant 31 : i32
        %broadcast_in_dim3A_639 = vector.broadcast %broadcast_in_dim3A_638 : i32 to vector<16xi32>
        %select_n3A_640 = arith.select %lt3A_636, %broadcast_in_dim3A_639, %select_n3A_630 : vector<16xi1>, vector<16xi32>
        %swap3A = arith.index_cast %mul3A_325 : i32 to index
        %swap3A_641 = tpu.vector_load %arg6[%swap3A] {strides = array<i32>} : memref<1024xi32, #tpu.memory_space<vmem>>, vector<16xi32>,
        %swap3A_642 = vector.shape_cast %swap3A_641 : vector<16xi32> to vector<16xi32>
        %swap3A_643 = vector.shape_cast %select_n3A_640 : vector<16xi32> to vector<16xi32>
        tpu.vector_store %arg6[%swap3A], %swap3A_643 {strides = array<i32>} : memref<1024xi32, #tpu.memory_space<vmem>>, vector<16xi32>,
        %scan3A_644 = arith.constant 0 : i32
        %scan3A_645 = arith.constant 1 : i32
        %scan3A_646 = arith.addi %scan3A_322, %scan3A_645 : i32
        %mul3A_647 = arith.constant 16 : i32
        %mul3A_648 = arith.muli %scan3A_646, %mul3A_647 : i32
        %get3A_649 = arith.constant 0 : i32
        %get3A_650 = arith.index_cast %get3A_649 : i32 to index
        %get3A_651 = arith.index_cast %mul3A_648 : i32 to index
        %get3A_652 = tpu.vector_load %arg5[%get3A_650, %get3A_651] {strides = array<i32>} : memref<32x1024xf32, #tpu.memory_space<vmem>>, vector<1x16xf32>,
        %get3A_653 = vector.shape_cast %get3A_652 : vector<1x16xf32> to vector<16xf32>
        %broadcast_in_dim3A_654 = arith.constant 0 : i32
        %broadcast_in_dim3A_655 = vector.broadcast %broadcast_in_dim3A_654 : i32 to vector<16xi32>
        %get3A_656 = arith.constant 1 : i32
        %get3A_657 = arith.index_cast %get3A_656 : i32 to index
        %get3A_658 = arith.index_cast %mul3A_648 : i32 to index
        %get3A_659 = tpu.vector_load %arg5[%get3A_657, %get3A_658] {strides = array<i32>} : memref<32x1024xf32, #tpu.memory_space<vmem>>, vector<1x16xf32>,
        %get3A_660 = vector.shape_cast %get3A_659 : vector<1x16xf32> to vector<16xf32>
        %lt3A_661 = arith.cmpf olt, %get3A_660, %get3A_653 : vector<16xf32>
        %select_n3A_662 = arith.select %lt3A_661, %get3A_660, %get3A_653 : vector<16xi1>, vector<16xf32>
        %broadcast_in_dim3A_663 = arith.constant 1 : i32
        %broadcast_in_dim3A_664 = vector.broadcast %broadcast_in_dim3A_663 : i32 to vector<16xi32>
        %select_n3A_665 = arith.select %lt3A_661, %broadcast_in_dim3A_664, %broadcast_in_dim3A_655 : vector<16xi1>, vector<16xi32>
        %get3A_666 = arith.constant 2 : i32
        %get3A_667 = arith.index_cast %get3A_666 : i32 to index
        %get3A_668 = arith.index_cast %mul3A_648 : i32 to index
        %get3A_669 = tpu.vector_load %arg5[%get3A_667, %get3A_668] {strides = array<i32>} : memref<32x1024xf32, #tpu.memory_space<vmem>>, vector<1x16xf32>,
        %get3A_670 = vector.shape_cast %get3A_669 : vector<1x16xf32> to vector<16xf32>
        %lt3A_671 = arith.cmpf olt, %get3A_670, %select_n3A_662 : vector<16xf32>
        %select_n3A_672 = arith.select %lt3A_671, %get3A_670, %select_n3A_662 : vector<16xi1>, vector<16xf32>
        %broadcast_in_dim3A_673 = arith.constant 2 : i32
        %broadcast_in_dim3A_674 = vector.broadcast %broadcast_in_dim3A_673 : i32 to vector<16xi32>
        %select_n3A_675 = arith.select %lt3A_671, %broadcast_in_dim3A_674, %select_n3A_665 : vector<16xi1>, vector<16xi32>
        %get3A_676 = arith.constant 3 : i32
        %get3A_677 = arith.index_cast %get3A_676 : i32 to index
        %get3A_678 = arith.index_cast %mul3A_648 : i32 to index
        %get3A_679 = tpu.vector_load %arg5[%get3A_677, %get3A_678] {strides = array<i32>} : memref<32x1024xf32, #tpu.memory_space<vmem>>, vector<1x16xf32>,
        %get3A_680 = vector.shape_cast %get3A_679 : vector<1x16xf32> to vector<16xf32>
        %lt3A_681 = arith.cmpf olt, %get3A_680, %select_n3A_672 : vector<16xf32>
        %select_n3A_682 = arith.select %lt3A_681, %get3A_680, %select_n3A_672 : vector<16xi1>, vector<16xf32>
        %broadcast_in_dim3A_683 = arith.constant 3 : i32
        %broadcast_in_dim3A_684 = vector.broadcast %broadcast_in_dim3A_683 : i32 to vector<16xi32>
        %select_n3A_685 = arith.select %lt3A_681, %broadcast_in_dim3A_684, %select_n3A_675 : vector<16xi1>, vector<16xi32>
        %get3A_686 = arith.constant 4 : i32
        %get3A_687 = arith.index_cast %get3A_686 : i32 to index
        %get3A_688 = arith.index_cast %mul3A_648 : i32 to index
        %get3A_689 = tpu.vector_load %arg5[%get3A_687, %get3A_688] {strides = array<i32>} : memref<32x1024xf32, #tpu.memory_space<vmem>>, vector<1x16xf32>,
        %get3A_690 = vector.shape_cast %get3A_689 : vector<1x16xf32> to vector<16xf32>
        %lt3A_691 = arith.cmpf olt, %get3A_690, %select_n3A_682 : vector<16xf32>
        %select_n3A_692 = arith.select %lt3A_691, %get3A_690, %select_n3A_682 : vector<16xi1>, vector<16xf32>
        %broadcast_in_dim3A_693 = arith.constant 4 : i32
        %broadcast_in_dim3A_694 = vector.broadcast %broadcast_in_dim3A_693 : i32 to vector<16xi32>
        %select_n3A_695 = arith.select %lt3A_691, %broadcast_in_dim3A_694, %select_n3A_685 : vector<16xi1>, vector<16xi32>
        %get3A_696 = arith.constant 5 : i32
        %get3A_697 = arith.index_cast %get3A_696 : i32 to index
        %get3A_698 = arith.index_cast %mul3A_648 : i32 to index
        %get3A_699 = tpu.vector_load %arg5[%get3A_697, %get3A_698] {strides = array<i32>} : memref<32x1024xf32, #tpu.memory_space<vmem>>, vector<1x16xf32>,
        %get3A_700 = vector.shape_cast %get3A_699 : vector<1x16xf32> to vector<16xf32>
        %lt3A_701 = arith.cmpf olt, %get3A_700, %select_n3A_692 : vector<16xf32>
        %select_n3A_702 = arith.select %lt3A_701, %get3A_700, %select_n3A_692 : vector<16xi1>, vector<16xf32>
        %broadcast_in_dim3A_703 = arith.constant 5 : i32
        %broadcast_in_dim3A_704 = vector.broadcast %broadcast_in_dim3A_703 : i32 to vector<16xi32>
        %select_n3A_705 = arith.select %lt3A_701, %broadcast_in_dim3A_704, %select_n3A_695 : vector<16xi1>, vector<16xi32>
        %get3A_706 = arith.constant 6 : i32
        %get3A_707 = arith.index_cast %get3A_706 : i32 to index
        %get3A_708 = arith.index_cast %mul3A_648 : i32 to index
        %get3A_709 = tpu.vector_load %arg5[%get3A_707, %get3A_708] {strides = array<i32>} : memref<32x1024xf32, #tpu.memory_space<vmem>>, vector<1x16xf32>,
        %get3A_710 = vector.shape_cast %get3A_709 : vector<1x16xf32> to vector<16xf32>
        %lt3A_711 = arith.cmpf olt, %get3A_710, %select_n3A_702 : vector<16xf32>
        %select_n3A_712 = arith.select %lt3A_711, %get3A_710, %select_n3A_702 : vector<16xi1>, vector<16xf32>
        %broadcast_in_dim3A_713 = arith.constant 6 : i32
        %broadcast_in_dim3A_714 = vector.broadcast %broadcast_in_dim3A_713 : i32 to vector<16xi32>
        %select_n3A_715 = arith.select %lt3A_711, %broadcast_in_dim3A_714, %select_n3A_705 : vector<16xi1>, vector<16xi32>
        %get3A_716 = arith.constant 7 : i32
        %get3A_717 = arith.index_cast %get3A_716 : i32 to index
        %get3A_718 = arith.index_cast %mul3A_648 : i32 to index
        %get3A_719 = tpu.vector_load %arg5[%get3A_717, %get3A_718] {strides = array<i32>} : memref<32x1024xf32, #tpu.memory_space<vmem>>, vector<1x16xf32>,
        %get3A_720 = vector.shape_cast %get3A_719 : vector<1x16xf32> to vector<16xf32>
        %lt3A_721 = arith.cmpf olt, %get3A_720, %select_n3A_712 : vector<16xf32>
        %select_n3A_722 = arith.select %lt3A_721, %get3A_720, %select_n3A_712 : vector<16xi1>, vector<16xf32>
        %broadcast_in_dim3A_723 = arith.constant 7 : i32
        %broadcast_in_dim3A_724 = vector.broadcast %broadcast_in_dim3A_723 : i32 to vector<16xi32>
        %select_n3A_725 = arith.select %lt3A_721, %broadcast_in_dim3A_724, %select_n3A_715 : vector<16xi1>, vector<16xi32>
        %get3A_726 = arith.constant 8 : i32
        %get3A_727 = arith.index_cast %get3A_726 : i32 to index
        %get3A_728 = arith.index_cast %mul3A_648 : i32 to index
        %get3A_729 = tpu.vector_load %arg5[%get3A_727, %get3A_728] {strides = array<i32>} : memref<32x1024xf32, #tpu.memory_space<vmem>>, vector<1x16xf32>,
        %get3A_730 = vector.shape_cast %get3A_729 : vector<1x16xf32> to vector<16xf32>
        %lt3A_731 = arith.cmpf olt, %get3A_730, %select_n3A_722 : vector<16xf32>
        %select_n3A_732 = arith.select %lt3A_731, %get3A_730, %select_n3A_722 : vector<16xi1>, vector<16xf32>
        %broadcast_in_dim3A_733 = arith.constant 8 : i32
        %broadcast_in_dim3A_734 = vector.broadcast %broadcast_in_dim3A_733 : i32 to vector<16xi32>
        %select_n3A_735 = arith.select %lt3A_731, %broadcast_in_dim3A_734, %select_n3A_725 : vector<16xi1>, vector<16xi32>
        %get3A_736 = arith.constant 9 : i32
        %get3A_737 = arith.index_cast %get3A_736 : i32 to index
        %get3A_738 = arith.index_cast %mul3A_648 : i32 to index
        %get3A_739 = tpu.vector_load %arg5[%get3A_737, %get3A_738] {strides = array<i32>} : memref<32x1024xf32, #tpu.memory_space<vmem>>, vector<1x16xf32>,
        %get3A_740 = vector.shape_cast %get3A_739 : vector<1x16xf32> to vector<16xf32>
        %lt3A_741 = arith.cmpf olt, %get3A_740, %select_n3A_732 : vector<16xf32>
        %select_n3A_742 = arith.select %lt3A_741, %get3A_740, %select_n3A_732 : vector<16xi1>, vector<16xf32>
        %broadcast_in_dim3A_743 = arith.constant 9 : i32
        %broadcast_in_dim3A_744 = vector.broadcast %broadcast_in_dim3A_743 : i32 to vector<16xi32>
        %select_n3A_745 = arith.select %lt3A_741, %broadcast_in_dim3A_744, %select_n3A_735 : vector<16xi1>, vector<16xi32>
        %get3A_746 = arith.constant 10 : i32
        %get3A_747 = arith.index_cast %get3A_746 : i32 to index
        %get3A_748 = arith.index_cast %mul3A_648 : i32 to index
        %get3A_749 = tpu.vector_load %arg5[%get3A_747, %get3A_748] {strides = array<i32>} : memref<32x1024xf32, #tpu.memory_space<vmem>>, vector<1x16xf32>,
        %get3A_750 = vector.shape_cast %get3A_749 : vector<1x16xf32> to vector<16xf32>
        %lt3A_751 = arith.cmpf olt, %get3A_750, %select_n3A_742 : vector<16xf32>
        %select_n3A_752 = arith.select %lt3A_751, %get3A_750, %select_n3A_742 : vector<16xi1>, vector<16xf32>
        %broadcast_in_dim3A_753 = arith.constant 10 : i32
        %broadcast_in_dim3A_754 = vector.broadcast %broadcast_in_dim3A_753 : i32 to vector<16xi32>
        %select_n3A_755 = arith.select %lt3A_751, %broadcast_in_dim3A_754, %select_n3A_745 : vector<16xi1>, vector<16xi32>
        %get3A_756 = arith.constant 11 : i32
        %get3A_757 = arith.index_cast %get3A_756 : i32 to index
        %get3A_758 = arith.index_cast %mul3A_648 : i32 to index
        %get3A_759 = tpu.vector_load %arg5[%get3A_757, %get3A_758] {strides = array<i32>} : memref<32x1024xf32, #tpu.memory_space<vmem>>, vector<1x16xf32>,
        %get3A_760 = vector.shape_cast %get3A_759 : vector<1x16xf32> to vector<16xf32>
        %lt3A_761 = arith.cmpf olt, %get3A_760, %select_n3A_752 : vector<16xf32>
        %select_n3A_762 = arith.select %lt3A_761, %get3A_760, %select_n3A_752 : vector<16xi1>, vector<16xf32>
        %broadcast_in_dim3A_763 = arith.constant 11 : i32
        %broadcast_in_dim3A_764 = vector.broadcast %broadcast_in_dim3A_763 : i32 to vector<16xi32>
        %select_n3A_765 = arith.select %lt3A_761, %broadcast_in_dim3A_764, %select_n3A_755 : vector<16xi1>, vector<16xi32>
        %get3A_766 = arith.constant 12 : i32
        %get3A_767 = arith.index_cast %get3A_766 : i32 to index
        %get3A_768 = arith.index_cast %mul3A_648 : i32 to index
        %get3A_769 = tpu.vector_load %arg5[%get3A_767, %get3A_768] {strides = array<i32>} : memref<32x1024xf32, #tpu.memory_space<vmem>>, vector<1x16xf32>,
        %get3A_770 = vector.shape_cast %get3A_769 : vector<1x16xf32> to vector<16xf32>
        %lt3A_771 = arith.cmpf olt, %get3A_770, %select_n3A_762 : vector<16xf32>
        %select_n3A_772 = arith.select %lt3A_771, %get3A_770, %select_n3A_762 : vector<16xi1>, vector<16xf32>
        %broadcast_in_dim3A_773 = arith.constant 12 : i32
        %broadcast_in_dim3A_774 = vector.broadcast %broadcast_in_dim3A_773 : i32 to vector<16xi32>
        %select_n3A_775 = arith.select %lt3A_771, %broadcast_in_dim3A_774, %select_n3A_765 : vector<16xi1>, vector<16xi32>
        %get3A_776 = arith.constant 13 : i32
        %get3A_777 = arith.index_cast %get3A_776 : i32 to index
        %get3A_778 = arith.index_cast %mul3A_648 : i32 to index
        %get3A_779 = tpu.vector_load %arg5[%get3A_777, %get3A_778] {strides = array<i32>} : memref<32x1024xf32, #tpu.memory_space<vmem>>, vector<1x16xf32>,
        %get3A_780 = vector.shape_cast %get3A_779 : vector<1x16xf32> to vector<16xf32>
        %lt3A_781 = arith.cmpf olt, %get3A_780, %select_n3A_772 : vector<16xf32>
        %select_n3A_782 = arith.select %lt3A_781, %get3A_780, %select_n3A_772 : vector<16xi1>, vector<16xf32>
        %broadcast_in_dim3A_783 = arith.constant 13 : i32
        %broadcast_in_dim3A_784 = vector.broadcast %broadcast_in_dim3A_783 : i32 to vector<16xi32>
        %select_n3A_785 = arith.select %lt3A_781, %broadcast_in_dim3A_784, %select_n3A_775 : vector<16xi1>, vector<16xi32>
        %get3A_786 = arith.constant 14 : i32
        %get3A_787 = arith.index_cast %get3A_786 : i32 to index
        %get3A_788 = arith.index_cast %mul3A_648 : i32 to index
        %get3A_789 = tpu.vector_load %arg5[%get3A_787, %get3A_788] {strides = array<i32>} : memref<32x1024xf32, #tpu.memory_space<vmem>>, vector<1x16xf32>,
        %get3A_790 = vector.shape_cast %get3A_789 : vector<1x16xf32> to vector<16xf32>
        %lt3A_791 = arith.cmpf olt, %get3A_790, %select_n3A_782 : vector<16xf32>
        %select_n3A_792 = arith.select %lt3A_791, %get3A_790, %select_n3A_782 : vector<16xi1>, vector<16xf32>
        %broadcast_in_dim3A_793 = arith.constant 14 : i32
        %broadcast_in_dim3A_794 = vector.broadcast %broadcast_in_dim3A_793 : i32 to vector<16xi32>
        %select_n3A_795 = arith.select %lt3A_791, %broadcast_in_dim3A_794, %select_n3A_785 : vector<16xi1>, vector<16xi32>
        %get3A_796 = arith.constant 15 : i32
        %get3A_797 = arith.index_cast %get3A_796 : i32 to index
        %get3A_798 = arith.index_cast %mul3A_648 : i32 to index
        %get3A_799 = tpu.vector_load %arg5[%get3A_797, %get3A_798] {strides = array<i32>} : memref<32x1024xf32, #tpu.memory_space<vmem>>, vector<1x16xf32>,
        %get3A_800 = vector.shape_cast %get3A_799 : vector<1x16xf32> to vector<16xf32>
        %lt3A_801 = arith.cmpf olt, %get3A_800, %select_n3A_792 : vector<16xf32>
        %select_n3A_802 = arith.select %lt3A_801, %get3A_800, %select_n3A_792 : vector<16xi1>, vector<16xf32>
        %broadcast_in_dim3A_803 = arith.constant 15 : i32
        %broadcast_in_dim3A_804 = vector.broadcast %broadcast_in_dim3A_803 : i32 to vector<16xi32>
        %select_n3A_805 = arith.select %lt3A_801, %broadcast_in_dim3A_804, %select_n3A_795 : vector<16xi1>, vector<16xi32>
        %get3A_806 = arith.constant 16 : i32
        %get3A_807 = arith.index_cast %get3A_806 : i32 to index
        %get3A_808 = arith.index_cast %mul3A_648 : i32 to index
        %get3A_809 = tpu.vector_load %arg5[%get3A_807, %get3A_808] {strides = array<i32>} : memref<32x1024xf32, #tpu.memory_space<vmem>>, vector<1x16xf32>,
        %get3A_810 = vector.shape_cast %get3A_809 : vector<1x16xf32> to vector<16xf32>
        %lt3A_811 = arith.cmpf olt, %get3A_810, %select_n3A_802 : vector<16xf32>
        %select_n3A_812 = arith.select %lt3A_811, %get3A_810, %select_n3A_802 : vector<16xi1>, vector<16xf32>
        %broadcast_in_dim3A_813 = arith.constant 16 : i32
        %broadcast_in_dim3A_814 = vector.broadcast %broadcast_in_dim3A_813 : i32 to vector<16xi32>
        %select_n3A_815 = arith.select %lt3A_811, %broadcast_in_dim3A_814, %select_n3A_805 : vector<16xi1>, vector<16xi32>
        %get3A_816 = arith.constant 17 : i32
        %get3A_817 = arith.index_cast %get3A_816 : i32 to index
        %get3A_818 = arith.index_cast %mul3A_648 : i32 to index
        %get3A_819 = tpu.vector_load %arg5[%get3A_817, %get3A_818] {strides = array<i32>} : memref<32x1024xf32, #tpu.memory_space<vmem>>, vector<1x16xf32>,
        %get3A_820 = vector.shape_cast %get3A_819 : vector<1x16xf32> to vector<16xf32>
        %lt3A_821 = arith.cmpf olt, %get3A_820, %select_n3A_812 : vector<16xf32>
        %select_n3A_822 = arith.select %lt3A_821, %get3A_820, %select_n3A_812 : vector<16xi1>, vector<16xf32>
        %broadcast_in_dim3A_823 = arith.constant 17 : i32
        %broadcast_in_dim3A_824 = vector.broadcast %broadcast_in_dim3A_823 : i32 to vector<16xi32>
        %select_n3A_825 = arith.select %lt3A_821, %broadcast_in_dim3A_824, %select_n3A_815 : vector<16xi1>, vector<16xi32>
        %get3A_826 = arith.constant 18 : i32
        %get3A_827 = arith.index_cast %get3A_826 : i32 to index
        %get3A_828 = arith.index_cast %mul3A_648 : i32 to index
        %get3A_829 = tpu.vector_load %arg5[%get3A_827, %get3A_828] {strides = array<i32>} : memref<32x1024xf32, #tpu.memory_space<vmem>>, vector<1x16xf32>,
        %get3A_830 = vector.shape_cast %get3A_829 : vector<1x16xf32> to vector<16xf32>
        %lt3A_831 = arith.cmpf olt, %get3A_830, %select_n3A_822 : vector<16xf32>
        %select_n3A_832 = arith.select %lt3A_831, %get3A_830, %select_n3A_822 : vector<16xi1>, vector<16xf32>
        %broadcast_in_dim3A_833 = arith.constant 18 : i32
        %broadcast_in_dim3A_834 = vector.broadcast %broadcast_in_dim3A_833 : i32 to vector<16xi32>
        %select_n3A_835 = arith.select %lt3A_831, %broadcast_in_dim3A_834, %select_n3A_825 : vector<16xi1>, vector<16xi32>
        %get3A_836 = arith.constant 19 : i32
        %get3A_837 = arith.index_cast %get3A_836 : i32 to index
        %get3A_838 = arith.index_cast %mul3A_648 : i32 to index
        %get3A_839 = tpu.vector_load %arg5[%get3A_837, %get3A_838] {strides = array<i32>} : memref<32x1024xf32, #tpu.memory_space<vmem>>, vector<1x16xf32>,
        %get3A_840 = vector.shape_cast %get3A_839 : vector<1x16xf32> to vector<16xf32>
        %lt3A_841 = arith.cmpf olt, %get3A_840, %select_n3A_832 : vector<16xf32>
        %select_n3A_842 = arith.select %lt3A_841, %get3A_840, %select_n3A_832 : vector<16xi1>, vector<16xf32>
        %broadcast_in_dim3A_843 = arith.constant 19 : i32
        %broadcast_in_dim3A_844 = vector.broadcast %broadcast_in_dim3A_843 : i32 to vector<16xi32>
        %select_n3A_845 = arith.select %lt3A_841, %broadcast_in_dim3A_844, %select_n3A_835 : vector<16xi1>, vector<16xi32>
        %get3A_846 = arith.constant 20 : i32
        %get3A_847 = arith.index_cast %get3A_846 : i32 to index
        %get3A_848 = arith.index_cast %mul3A_648 : i32 to index
        %get3A_849 = tpu.vector_load %arg5[%get3A_847, %get3A_848] {strides = array<i32>} : memref<32x1024xf32, #tpu.memory_space<vmem>>, vector<1x16xf32>,
        %get3A_850 = vector.shape_cast %get3A_849 : vector<1x16xf32> to vector<16xf32>
        %lt3A_851 = arith.cmpf olt, %get3A_850, %select_n3A_842 : vector<16xf32>
        %select_n3A_852 = arith.select %lt3A_851, %get3A_850, %select_n3A_842 : vector<16xi1>, vector<16xf32>
        %broadcast_in_dim3A_853 = arith.constant 20 : i32
        %broadcast_in_dim3A_854 = vector.broadcast %broadcast_in_dim3A_853 : i32 to vector<16xi32>
        %select_n3A_855 = arith.select %lt3A_851, %broadcast_in_dim3A_854, %select_n3A_845 : vector<16xi1>, vector<16xi32>
        %get3A_856 = arith.constant 21 : i32
        %get3A_857 = arith.index_cast %get3A_856 : i32 to index
        %get3A_858 = arith.index_cast %mul3A_648 : i32 to index
        %get3A_859 = tpu.vector_load %arg5[%get3A_857, %get3A_858] {strides = array<i32>} : memref<32x1024xf32, #tpu.memory_space<vmem>>, vector<1x16xf32>,
        %get3A_860 = vector.shape_cast %get3A_859 : vector<1x16xf32> to vector<16xf32>
        %lt3A_861 = arith.cmpf olt, %get3A_860, %select_n3A_852 : vector<16xf32>
        %select_n3A_862 = arith.select %lt3A_861, %get3A_860, %select_n3A_852 : vector<16xi1>, vector<16xf32>
        %broadcast_in_dim3A_863 = arith.constant 21 : i32
        %broadcast_in_dim3A_864 = vector.broadcast %broadcast_in_dim3A_863 : i32 to vector<16xi32>
        %select_n3A_865 = arith.select %lt3A_861, %broadcast_in_dim3A_864, %select_n3A_855 : vector<16xi1>, vector<16xi32>
        %get3A_866 = arith.constant 22 : i32
        %get3A_867 = arith.index_cast %get3A_866 : i32 to index
        %get3A_868 = arith.index_cast %mul3A_648 : i32 to index
        %get3A_869 = tpu.vector_load %arg5[%get3A_867, %get3A_868] {strides = array<i32>} : memref<32x1024xf32, #tpu.memory_space<vmem>>, vector<1x16xf32>,
        %get3A_870 = vector.shape_cast %get3A_869 : vector<1x16xf32> to vector<16xf32>
        %lt3A_871 = arith.cmpf olt, %get3A_870, %select_n3A_862 : vector<16xf32>
        %select_n3A_872 = arith.select %lt3A_871, %get3A_870, %select_n3A_862 : vector<16xi1>, vector<16xf32>
        %broadcast_in_dim3A_873 = arith.constant 22 : i32
        %broadcast_in_dim3A_874 = vector.broadcast %broadcast_in_dim3A_873 : i32 to vector<16xi32>
        %select_n3A_875 = arith.select %lt3A_871, %broadcast_in_dim3A_874, %select_n3A_865 : vector<16xi1>, vector<16xi32>
        %get3A_876 = arith.constant 23 : i32
        %get3A_877 = arith.index_cast %get3A_876 : i32 to index
        %get3A_878 = arith.index_cast %mul3A_648 : i32 to index
        %get3A_879 = tpu.vector_load %arg5[%get3A_877, %get3A_878] {strides = array<i32>} : memref<32x1024xf32, #tpu.memory_space<vmem>>, vector<1x16xf32>,
        %get3A_880 = vector.shape_cast %get3A_879 : vector<1x16xf32> to vector<16xf32>
        %lt3A_881 = arith.cmpf olt, %get3A_880, %select_n3A_872 : vector<16xf32>
        %select_n3A_882 = arith.select %lt3A_881, %get3A_880, %select_n3A_872 : vector<16xi1>, vector<16xf32>
        %broadcast_in_dim3A_883 = arith.constant 23 : i32
        %broadcast_in_dim3A_884 = vector.broadcast %broadcast_in_dim3A_883 : i32 to vector<16xi32>
        %select_n3A_885 = arith.select %lt3A_881, %broadcast_in_dim3A_884, %select_n3A_875 : vector<16xi1>, vector<16xi32>
        %get3A_886 = arith.constant 24 : i32
        %get3A_887 = arith.index_cast %get3A_886 : i32 to index
        %get3A_888 = arith.index_cast %mul3A_648 : i32 to index
        %get3A_889 = tpu.vector_load %arg5[%get3A_887, %get3A_888] {strides = array<i32>} : memref<32x1024xf32, #tpu.memory_space<vmem>>, vector<1x16xf32>,
        %get3A_890 = vector.shape_cast %get3A_889 : vector<1x16xf32> to vector<16xf32>
        %lt3A_891 = arith.cmpf olt, %get3A_890, %select_n3A_882 : vector<16xf32>
        %select_n3A_892 = arith.select %lt3A_891, %get3A_890, %select_n3A_882 : vector<16xi1>, vector<16xf32>
        %broadcast_in_dim3A_893 = arith.constant 24 : i32
        %broadcast_in_dim3A_894 = vector.broadcast %broadcast_in_dim3A_893 : i32 to vector<16xi32>
        %select_n3A_895 = arith.select %lt3A_891, %broadcast_in_dim3A_894, %select_n3A_885 : vector<16xi1>, vector<16xi32>
        %get3A_896 = arith.constant 25 : i32
        %get3A_897 = arith.index_cast %get3A_896 : i32 to index
        %get3A_898 = arith.index_cast %mul3A_648 : i32 to index
        %get3A_899 = tpu.vector_load %arg5[%get3A_897, %get3A_898] {strides = array<i32>} : memref<32x1024xf32, #tpu.memory_space<vmem>>, vector<1x16xf32>,
        %get3A_900 = vector.shape_cast %get3A_899 : vector<1x16xf32> to vector<16xf32>
        %lt3A_901 = arith.cmpf olt, %get3A_900, %select_n3A_892 : vector<16xf32>
        %select_n3A_902 = arith.select %lt3A_901, %get3A_900, %select_n3A_892 : vector<16xi1>, vector<16xf32>
        %broadcast_in_dim3A_903 = arith.constant 25 : i32
        %broadcast_in_dim3A_904 = vector.broadcast %broadcast_in_dim3A_903 : i32 to vector<16xi32>
        %select_n3A_905 = arith.select %lt3A_901, %broadcast_in_dim3A_904, %select_n3A_895 : vector<16xi1>, vector<16xi32>
        %get3A_906 = arith.constant 26 : i32
        %get3A_907 = arith.index_cast %get3A_906 : i32 to index
        %get3A_908 = arith.index_cast %mul3A_648 : i32 to index
        %get3A_909 = tpu.vector_load %arg5[%get3A_907, %get3A_908] {strides = array<i32>} : memref<32x1024xf32, #tpu.memory_space<vmem>>, vector<1x16xf32>,
        %get3A_910 = vector.shape_cast %get3A_909 : vector<1x16xf32> to vector<16xf32>
        %lt3A_911 = arith.cmpf olt, %get3A_910, %select_n3A_902 : vector<16xf32>
        %select_n3A_912 = arith.select %lt3A_911, %get3A_910, %select_n3A_902 : vector<16xi1>, vector<16xf32>
        %broadcast_in_dim3A_913 = arith.constant 26 : i32
        %broadcast_in_dim3A_914 = vector.broadcast %broadcast_in_dim3A_913 : i32 to vector<16xi32>
        %select_n3A_915 = arith.select %lt3A_911, %broadcast_in_dim3A_914, %select_n3A_905 : vector<16xi1>, vector<16xi32>
        %get3A_916 = arith.constant 27 : i32
        %get3A_917 = arith.index_cast %get3A_916 : i32 to index
        %get3A_918 = arith.index_cast %mul3A_648 : i32 to index
        %get3A_919 = tpu.vector_load %arg5[%get3A_917, %get3A_918] {strides = array<i32>} : memref<32x1024xf32, #tpu.memory_space<vmem>>, vector<1x16xf32>,
        %get3A_920 = vector.shape_cast %get3A_919 : vector<1x16xf32> to vector<16xf32>
        %lt3A_921 = arith.cmpf olt, %get3A_920, %select_n3A_912 : vector<16xf32>
        %select_n3A_922 = arith.select %lt3A_921, %get3A_920, %select_n3A_912 : vector<16xi1>, vector<16xf32>
        %broadcast_in_dim3A_923 = arith.constant 27 : i32
        %broadcast_in_dim3A_924 = vector.broadcast %broadcast_in_dim3A_923 : i32 to vector<16xi32>
        %select_n3A_925 = arith.select %lt3A_921, %broadcast_in_dim3A_924, %select_n3A_915 : vector<16xi1>, vector<16xi32>
        %get3A_926 = arith.constant 28 : i32
        %get3A_927 = arith.index_cast %get3A_926 : i32 to index
        %get3A_928 = arith.index_cast %mul3A_648 : i32 to index
        %get3A_929 = tpu.vector_load %arg5[%get3A_927, %get3A_928] {strides = array<i32>} : memref<32x1024xf32, #tpu.memory_space<vmem>>, vector<1x16xf32>,
        %get3A_930 = vector.shape_cast %get3A_929 : vector<1x16xf32> to vector<16xf32>
        %lt3A_931 = arith.cmpf olt, %get3A_930, %select_n3A_922 : vector<16xf32>
        %select_n3A_932 = arith.select %lt3A_931, %get3A_930, %select_n3A_922 : vector<16xi1>, vector<16xf32>
        %broadcast_in_dim3A_933 = arith.constant 28 : i32
        %broadcast_in_dim3A_934 = vector.broadcast %broadcast_in_dim3A_933 : i32 to vector<16xi32>
        %select_n3A_935 = arith.select %lt3A_931, %broadcast_in_dim3A_934, %select_n3A_925 : vector<16xi1>, vector<16xi32>
        %get3A_936 = arith.constant 29 : i32
        %get3A_937 = arith.index_cast %get3A_936 : i32 to index
        %get3A_938 = arith.index_cast %mul3A_648 : i32 to index
        %get3A_939 = tpu.vector_load %arg5[%get3A_937, %get3A_938] {strides = array<i32>} : memref<32x1024xf32, #tpu.memory_space<vmem>>, vector<1x16xf32>,
        %get3A_940 = vector.shape_cast %get3A_939 : vector<1x16xf32> to vector<16xf32>
        %lt3A_941 = arith.cmpf olt, %get3A_940, %select_n3A_932 : vector<16xf32>
        %select_n3A_942 = arith.select %lt3A_941, %get3A_940, %select_n3A_932 : vector<16xi1>, vector<16xf32>
        %broadcast_in_dim3A_943 = arith.constant 29 : i32
        %broadcast_in_dim3A_944 = vector.broadcast %broadcast_in_dim3A_943 : i32 to vector<16xi32>
        %select_n3A_945 = arith.select %lt3A_941, %broadcast_in_dim3A_944, %select_n3A_935 : vector<16xi1>, vector<16xi32>
        %get3A_946 = arith.constant 30 : i32
        %get3A_947 = arith.index_cast %get3A_946 : i32 to index
        %get3A_948 = arith.index_cast %mul3A_648 : i32 to index
        %get3A_949 = tpu.vector_load %arg5[%get3A_947, %get3A_948] {strides = array<i32>} : memref<32x1024xf32, #tpu.memory_space<vmem>>, vector<1x16xf32>,
        %get3A_950 = vector.shape_cast %get3A_949 : vector<1x16xf32> to vector<16xf32>
        %lt3A_951 = arith.cmpf olt, %get3A_950, %select_n3A_942 : vector<16xf32>
        %select_n3A_952 = arith.select %lt3A_951, %get3A_950, %select_n3A_942 : vector<16xi1>, vector<16xf32>
        %broadcast_in_dim3A_953 = arith.constant 30 : i32
        %broadcast_in_dim3A_954 = vector.broadcast %broadcast_in_dim3A_953 : i32 to vector<16xi32>
        %select_n3A_955 = arith.select %lt3A_951, %broadcast_in_dim3A_954, %select_n3A_945 : vector<16xi1>, vector<16xi32>
        %get3A_956 = arith.constant 31 : i32
        %get3A_957 = arith.index_cast %get3A_956 : i32 to index
        %get3A_958 = arith.index_cast %mul3A_648 : i32 to index
        %get3A_959 = tpu.vector_load %arg5[%get3A_957, %get3A_958] {strides = array<i32>} : memref<32x1024xf32, #tpu.memory_space<vmem>>, vector<1x16xf32>,
        %get3A_960 = vector.shape_cast %get3A_959 : vector<1x16xf32> to vector<16xf32>
        %lt3A_961 = arith.cmpf olt, %get3A_960, %select_n3A_952 : vector<16xf32>
        %select_n3A_962 = arith.select %lt3A_961, %get3A_960, %select_n3A_952 : vector<16xi1>, vector<16xf32>
        %broadcast_in_dim3A_963 = arith.constant 31 : i32
        %broadcast_in_dim3A_964 = vector.broadcast %broadcast_in_dim3A_963 : i32 to vector<16xi32>
        %select_n3A_965 = arith.select %lt3A_961, %broadcast_in_dim3A_964, %select_n3A_955 : vector<16xi1>, vector<16xi32>
        %swap3A_966 = arith.index_cast %mul3A_648 : i32 to index
        %swap3A_967 = tpu.vector_load %arg6[%swap3A_966] {strides = array<i32>} : memref<1024xi32, #tpu.memory_space<vmem>>, vector<16xi32>,
        %swap3A_968 = vector.shape_cast %swap3A_967 : vector<16xi32> to vector<16xi32>
        %swap3A_969 = vector.shape_cast %select_n3A_965 : vector<16xi32> to vector<16xi32>
        tpu.vector_store %arg6[%swap3A_966], %swap3A_969 {strides = array<i32>} : memref<1024xi32, #tpu.memory_space<vmem>>, vector<16xi32>,
        %scan3A_970 = arith.constant 0 : i32
        scf.yield %scan3A_970 : i32
      }
      %scan3A_273 = arith.constant 64 : i32
      %add3A_274 = arith.addi %mul3A_2, %add3A_215 : i32
      %jit3A_275 = arith.constant 8 : i32
      %div3A_276 = arith.divsi %add3A_274, %jit3A_275 : i32
      %sign3A_277 = arith.constant 0 : i32
      %sign3A_278 = arith.cmpi sgt, %add3A_274, %sign3A_277 : i32
      %sign3A_279 = arith.extui %sign3A_278 : i1 to i32
      %sign3A_280 = arith.constant 0 : i32
      %sign3A_281 = arith.cmpi slt, %add3A_274, %sign3A_280 : i32
      %sign3A_282 = arith.extui %sign3A_281 : i1 to i32
      %sign3A_283 = arith.subi %sign3A_279, %sign3A_282 : i32
      %sign3A_284 = arith.constant 0 : i32
      %sign3A_285 = arith.cmpi sgt, %jit3A_275, %sign3A_284 : i32
      %sign3A_286 = arith.extui %sign3A_285 : i1 to i32
      %sign3A_287 = arith.constant 0 : i32
      %sign3A_288 = arith.cmpi slt, %jit3A_275, %sign3A_287 : i32
      %sign3A_289 = arith.extui %sign3A_288 : i1 to i32
      %sign3A_290 = arith.subi %sign3A_286, %sign3A_289 : i32
      %ne3A_291 = arith.cmpi ne, %sign3A_283, %sign3A_290 : i32
      %rem3A_292 = arith.remsi %add3A_274, %jit3A_275 : i32
      %ne3A_293 = arith.constant 0 : i32
      %ne3A_294 = arith.cmpi ne, %rem3A_292, %ne3A_293 : i32
      %and3A_295 = arith.andi %ne3A_291, %ne3A_294 : i1
      %sub3A_296 = arith.constant 1 : i32
      %sub3A_297 = arith.subi %div3A_276, %sub3A_296 : i32
      %select_n3A_298 = arith.select %and3A_295, %sub3A_297, %div3A_276 : i32
      %add3A_299 = arith.constant 96 : i32
      %add3A_300 = arith.addi %add3A_299, %select_n3A_298 : i32
      %jit3A_301 = arith.constant 8 : i32
      %eq3A_302 = arith.constant 0 : i32
      %eq3A_303 = arith.cmpi eq, %jit3A_301, %eq3A_302 : i32
      %jit3A_304 = arith.constant 1 : i32
      %select_n3A_305 = arith.select %eq3A_303, %jit3A_304, %jit3A_301 : i32
      %rem3A_306 = arith.remsi %add3A_274, %select_n3A_305 : i32
      %ne3A_307 = arith.constant 0 : i32
      %ne3A_308 = arith.cmpi ne, %rem3A_306, %ne3A_307 : i32
      %lt3A_309 = arith.constant 0 : i32
      %lt3A_310 = arith.cmpi slt, %rem3A_306, %lt3A_309 : i32
      %lt3A_311 = arith.constant 0 : i32
      %lt3A_312 = arith.cmpi slt, %select_n3A_305, %lt3A_311 : i32
      %ne3A_313 = arith.xori %lt3A_310, %lt3A_312 : i1
      %and3A_314 = arith.andi %ne3A_313, %ne3A_308 : i1
      %add3A_315 = arith.addi %rem3A_306, %select_n3A_305 : i32
      %select_n3A_316 = arith.select %and3A_314, %add3A_315, %rem3A_306 : i32
      %mul3A_317 = arith.constant 1024 : i32
      %mul3A_318 = arith.muli %select_n3A_316, %mul3A_317 : i32
      %sub3A_319 = arith.constant 96 : i32
      %sub3A_320 = arith.subi %add3A_300, %sub3A_319 : i32
      "tpu.region"() ({
        %run_scoped3A = tpu.sem_alloc : memref<!tpu.dma_semaphore, #tpu.memory_space<semaphore_mem>>
        %dma_start3A_322 = tpu.memref_slice %arg3[%sub3A_320, %mul3A_318] : memref<32x8192xi32, #tpu.memory_space<hbm>> -> memref<1x1024xi32, #tpu.memory_space<hbm>>
        %dma_start3A_323 = tpu.memref_squeeze %dma_start3A_322 : memref<1x1024xi32, #tpu.memory_space<hbm>> -> memref<1024xi32, #tpu.memory_space<hbm>>
        %dma_start3A_324 = tpu.memref_slice %arg3[%sub3A_320, %mul3A_318] : memref<32x8192xi32, #tpu.memory_space<hbm>> -> memref<1x1024xi32, #tpu.memory_space<hbm>>
        %dma_start3A_325 = tpu.memref_squeeze %dma_start3A_324 : memref<1x1024xi32, #tpu.memory_space<hbm>> -> memref<1024xi32, #tpu.memory_space<hbm>>
        tpu.enqueue_dma source(%arg6 : memref<1024xi32, #tpu.memory_space<vmem>>) target(%dma_start3A_325 : memref<1024xi32, #tpu.memory_space<hbm>>) target_semaphore(%run_scoped3A : memref<!tpu.dma_semaphore, #tpu.memory_space<semaphore_mem>>)
        %dma_wait3A_326 = tpu.memref_slice %arg3[%sub3A_320, %mul3A_318] : memref<32x8192xi32, #tpu.memory_space<hbm>> -> memref<1x1024xi32, #tpu.memory_space<hbm>>
        %dma_wait3A_327 = tpu.memref_squeeze %dma_wait3A_326 : memref<1x1024xi32, #tpu.memory_space<hbm>> -> memref<1024xi32, #tpu.memory_space<hbm>>
        %dma_wait3A_328 = tpu.memref_slice %arg3[%sub3A_320, %mul3A_318] : memref<32x8192xi32, #tpu.memory_space<hbm>> -> memref<1x1024xi32, #tpu.memory_space<hbm>>
        %dma_wait3A_329 = tpu.memref_squeeze %dma_wait3A_328 : memref<1x1024xi32, #tpu.memory_space<hbm>> -> memref<1024xi32, #tpu.memory_space<hbm>>
        tpu.wait_dma2 semaphore(%run_scoped3A : memref<!tpu.dma_semaphore, #tpu.memory_space<semaphore_mem>>) src(%arg6 : memref<1024xi32, #tpu.memory_space<vmem>>) dst(%dma_wait3A_329 : memref<1024xi32, #tpu.memory_space<hbm>>)
        tpu.yield
      }) : () -> ()
      %scan3A_321 = arith.constant 0 : i32
      scf.yield %scan3A_321 : i32
    }
    %scan3A_49 = arith.constant 4 : i32
    return
  }
}

module attributes {stable_mosaic.version = 14 : i64} {
  func.func @_tc_body(%arg0: i32, %arg1: memref<8x32x8192xf32, #tpu.memory_space<vmem>>, %arg2: memref<8x8192xi32, #tpu.memory_space<vmem>>) attributes {dimension_semantics = [#tpu.dimension_semantics<arbitrary>], iteration_bounds = array<i64: 12>, scalar_prefetch = 0 : i64, scratch_operands = 0 : i64, tpu.core_type = #tpu.core_type<tc>, window_params = [{transform_indices = @transform_0, window_bounds = array<i64: 8, 32, 8192>}, {transform_indices = @transform_1, window_bounds = array<i64: 8, 8192>}]} {
    %get3A = arith.constant 0 : index
    %get3A_0 = arith.constant 0 : index
    %get3A_1 = arith.constant 0 : index
    %get3A_2 = vector.load %arg1[%get3A, %get3A_0, %get3A_1] : memref<8x32x8192xf32, #tpu.memory_space<vmem>>, vector<8x32x8192xf32>
    %iota3A = tpu.iota {dimensions = array<i32: 0>} : vector<8x8192xi32>
    %broadcast_in_dim3A = arith.constant 0 : i32
    %broadcast_in_dim3A_3 = vector.broadcast %broadcast_in_dim3A : i32 to vector<8x8192xi32>
    %slice3A = vector.extract_strided_slice %get3A_2 {offsets = [0, 0, 0], sizes = [1, 32, 8192], strides = [1, 1, 1]} : vector<8x32x8192xf32> to vector<1x32x8192xf32>
    %squeeze3A = vector.shape_cast %slice3A : vector<1x32x8192xf32> to vector<32x8192xf32>
    %slice3A_4 = vector.extract_strided_slice %squeeze3A {offsets = [0, 0], sizes = [8, 8192], strides = [1, 1]} : vector<32x8192xf32> to vector<8x8192xf32>
    %slice3A_5 = vector.extract_strided_slice %squeeze3A {offsets = [8, 0], sizes = [8, 8192], strides = [1, 1]} : vector<32x8192xf32> to vector<8x8192xf32>
    %slice3A_6 = vector.extract_strided_slice %squeeze3A {offsets = [16, 0], sizes = [8, 8192], strides = [1, 1]} : vector<32x8192xf32> to vector<8x8192xf32>
    %slice3A_7 = vector.extract_strided_slice %squeeze3A {offsets = [24, 0], sizes = [8, 8192], strides = [1, 1]} : vector<32x8192xf32> to vector<8x8192xf32>
    %min3A = arith.minimumf %slice3A_4, %slice3A_5 : vector<8x8192xf32>
    %min3A_8 = arith.minimumf %slice3A_6, %slice3A_7 : vector<8x8192xf32>
    %min3A_9 = arith.minimumf %min3A, %min3A_8 : vector<8x8192xf32>
    %roll3A = arith.constant 4 : i32
    %roll3A_10 = tpu.dynamic_rotate %min3A_9 by %roll3A dim 0 : vector<8x8192xf32>, i32 -> vector<8x8192xf32>
    %min3A_11 = arith.minimumf %min3A_9, %roll3A_10 : vector<8x8192xf32>
    %roll3A_12 = arith.constant 2 : i32
    %roll3A_13 = tpu.dynamic_rotate %min3A_11 by %roll3A_12 dim 0 : vector<8x8192xf32>, i32 -> vector<8x8192xf32>
    %min3A_14 = arith.minimumf %min3A_11, %roll3A_13 : vector<8x8192xf32>
    %roll3A_15 = arith.constant 1 : i32
    %roll3A_16 = tpu.dynamic_rotate %min3A_14 by %roll3A_15 dim 0 : vector<8x8192xf32>, i32 -> vector<8x8192xf32>
    %min3A_17 = arith.minimumf %min3A_14, %roll3A_16 : vector<8x8192xf32>
    %broadcast_in_dim3A_18 = arith.constant 64 : i32
    %broadcast_in_dim3A_19 = vector.broadcast %broadcast_in_dim3A_18 : i32 to vector<8x8192xi32>
    %eq3A = arith.cmpf oeq, %slice3A_4, %min3A_17 : vector<8x8192xf32>
    %add3A = arith.constant 0 : i32
    %add3A_20 = vector.broadcast %add3A : i32 to vector<8x8192xi32>
    %add3A_21 = arith.addi %iota3A, %add3A_20 : vector<8x8192xi32>
    %jit3A = arith.constant 64 : i32
    %broadcast_in_dim3A_22 = vector.broadcast %jit3A : i32 to vector<8x8192xi32>
    %select_n3A = arith.select %eq3A, %add3A_21, %broadcast_in_dim3A_22 : vector<8x8192xi1>, vector<8x8192xi32>
    %min3A_23 = arith.minsi %broadcast_in_dim3A_19, %select_n3A : vector<8x8192xi32>
    %eq3A_24 = arith.cmpf oeq, %slice3A_5, %min3A_17 : vector<8x8192xf32>
    %add3A_25 = arith.constant 8 : i32
    %add3A_26 = vector.broadcast %add3A_25 : i32 to vector<8x8192xi32>
    %add3A_27 = arith.addi %iota3A, %add3A_26 : vector<8x8192xi32>
    %jit3A_28 = arith.constant 64 : i32
    %broadcast_in_dim3A_29 = vector.broadcast %jit3A_28 : i32 to vector<8x8192xi32>
    %select_n3A_30 = arith.select %eq3A_24, %add3A_27, %broadcast_in_dim3A_29 : vector<8x8192xi1>, vector<8x8192xi32>
    %min3A_31 = arith.minsi %min3A_23, %select_n3A_30 : vector<8x8192xi32>
    %eq3A_32 = arith.cmpf oeq, %slice3A_6, %min3A_17 : vector<8x8192xf32>
    %add3A_33 = arith.constant 16 : i32
    %add3A_34 = vector.broadcast %add3A_33 : i32 to vector<8x8192xi32>
    %add3A_35 = arith.addi %iota3A, %add3A_34 : vector<8x8192xi32>
    %jit3A_36 = arith.constant 64 : i32
    %broadcast_in_dim3A_37 = vector.broadcast %jit3A_36 : i32 to vector<8x8192xi32>
    %select_n3A_38 = arith.select %eq3A_32, %add3A_35, %broadcast_in_dim3A_37 : vector<8x8192xi1>, vector<8x8192xi32>
    %min3A_39 = arith.minsi %min3A_31, %select_n3A_38 : vector<8x8192xi32>
    %eq3A_40 = arith.cmpf oeq, %slice3A_7, %min3A_17 : vector<8x8192xf32>
    %add3A_41 = arith.constant 24 : i32
    %add3A_42 = vector.broadcast %add3A_41 : i32 to vector<8x8192xi32>
    %add3A_43 = arith.addi %iota3A, %add3A_42 : vector<8x8192xi32>
    %jit3A_44 = arith.constant 64 : i32
    %broadcast_in_dim3A_45 = vector.broadcast %jit3A_44 : i32 to vector<8x8192xi32>
    %select_n3A_46 = arith.select %eq3A_40, %add3A_43, %broadcast_in_dim3A_45 : vector<8x8192xi1>, vector<8x8192xi32>
    %min3A_47 = arith.minsi %min3A_39, %select_n3A_46 : vector<8x8192xi32>
    %roll3A_48 = arith.constant 4 : i32
    %roll3A_49 = tpu.dynamic_rotate %min3A_47 by %roll3A_48 dim 0 : vector<8x8192xi32>, i32 -> vector<8x8192xi32>
    %min3A_50 = arith.minsi %min3A_47, %roll3A_49 : vector<8x8192xi32>
    %roll3A_51 = arith.constant 2 : i32
    %roll3A_52 = tpu.dynamic_rotate %min3A_50 by %roll3A_51 dim 0 : vector<8x8192xi32>, i32 -> vector<8x8192xi32>
    %min3A_53 = arith.minsi %min3A_50, %roll3A_52 : vector<8x8192xi32>
    %roll3A_54 = arith.constant 1 : i32
    %roll3A_55 = tpu.dynamic_rotate %min3A_53 by %roll3A_54 dim 0 : vector<8x8192xi32>, i32 -> vector<8x8192xi32>
    %min3A_56 = arith.minsi %min3A_53, %roll3A_55 : vector<8x8192xi32>
    %eq3A_57 = arith.constant 0 : i32
    %eq3A_58 = vector.broadcast %eq3A_57 : i32 to vector<8x8192xi32>
    %eq3A_59 = arith.cmpi eq, %iota3A, %eq3A_58 : vector<8x8192xi32>
    %select_n3A_60 = arith.select %eq3A_59, %min3A_56, %broadcast_in_dim3A_3 : vector<8x8192xi1>, vector<8x8192xi32>
    %slice3A_61 = vector.extract_strided_slice %get3A_2 {offsets = [1, 0, 0], sizes = [1, 32, 8192], strides = [1, 1, 1]} : vector<8x32x8192xf32> to vector<1x32x8192xf32>
    %squeeze3A_62 = vector.shape_cast %slice3A_61 : vector<1x32x8192xf32> to vector<32x8192xf32>
    %slice3A_63 = vector.extract_strided_slice %squeeze3A_62 {offsets = [0, 0], sizes = [8, 8192], strides = [1, 1]} : vector<32x8192xf32> to vector<8x8192xf32>
    %slice3A_64 = vector.extract_strided_slice %squeeze3A_62 {offsets = [8, 0], sizes = [8, 8192], strides = [1, 1]} : vector<32x8192xf32> to vector<8x8192xf32>
    %slice3A_65 = vector.extract_strided_slice %squeeze3A_62 {offsets = [16, 0], sizes = [8, 8192], strides = [1, 1]} : vector<32x8192xf32> to vector<8x8192xf32>
    %slice3A_66 = vector.extract_strided_slice %squeeze3A_62 {offsets = [24, 0], sizes = [8, 8192], strides = [1, 1]} : vector<32x8192xf32> to vector<8x8192xf32>
    %min3A_67 = arith.minimumf %slice3A_63, %slice3A_64 : vector<8x8192xf32>
    %min3A_68 = arith.minimumf %slice3A_65, %slice3A_66 : vector<8x8192xf32>
    %min3A_69 = arith.minimumf %min3A_67, %min3A_68 : vector<8x8192xf32>
    %roll3A_70 = arith.constant 4 : i32
    %roll3A_71 = tpu.dynamic_rotate %min3A_69 by %roll3A_70 dim 0 : vector<8x8192xf32>, i32 -> vector<8x8192xf32>
    %min3A_72 = arith.minimumf %min3A_69, %roll3A_71 : vector<8x8192xf32>
    %roll3A_73 = arith.constant 2 : i32
    %roll3A_74 = tpu.dynamic_rotate %min3A_72 by %roll3A_73 dim 0 : vector<8x8192xf32>, i32 -> vector<8x8192xf32>
    %min3A_75 = arith.minimumf %min3A_72, %roll3A_74 : vector<8x8192xf32>
    %roll3A_76 = arith.constant 1 : i32
    %roll3A_77 = tpu.dynamic_rotate %min3A_75 by %roll3A_76 dim 0 : vector<8x8192xf32>, i32 -> vector<8x8192xf32>
    %min3A_78 = arith.minimumf %min3A_75, %roll3A_77 : vector<8x8192xf32>
    %broadcast_in_dim3A_79 = arith.constant 64 : i32
    %broadcast_in_dim3A_80 = vector.broadcast %broadcast_in_dim3A_79 : i32 to vector<8x8192xi32>
    %eq3A_81 = arith.cmpf oeq, %slice3A_63, %min3A_78 : vector<8x8192xf32>
    %add3A_82 = arith.constant 0 : i32
    %add3A_83 = vector.broadcast %add3A_82 : i32 to vector<8x8192xi32>
    %add3A_84 = arith.addi %iota3A, %add3A_83 : vector<8x8192xi32>
    %jit3A_85 = arith.constant 64 : i32
    %broadcast_in_dim3A_86 = vector.broadcast %jit3A_85 : i32 to vector<8x8192xi32>
    %select_n3A_87 = arith.select %eq3A_81, %add3A_84, %broadcast_in_dim3A_86 : vector<8x8192xi1>, vector<8x8192xi32>
    %min3A_88 = arith.minsi %broadcast_in_dim3A_80, %select_n3A_87 : vector<8x8192xi32>
    %eq3A_89 = arith.cmpf oeq, %slice3A_64, %min3A_78 : vector<8x8192xf32>
    %add3A_90 = arith.constant 8 : i32
    %add3A_91 = vector.broadcast %add3A_90 : i32 to vector<8x8192xi32>
    %add3A_92 = arith.addi %iota3A, %add3A_91 : vector<8x8192xi32>
    %jit3A_93 = arith.constant 64 : i32
    %broadcast_in_dim3A_94 = vector.broadcast %jit3A_93 : i32 to vector<8x8192xi32>
    %select_n3A_95 = arith.select %eq3A_89, %add3A_92, %broadcast_in_dim3A_94 : vector<8x8192xi1>, vector<8x8192xi32>
    %min3A_96 = arith.minsi %min3A_88, %select_n3A_95 : vector<8x8192xi32>
    %eq3A_97 = arith.cmpf oeq, %slice3A_65, %min3A_78 : vector<8x8192xf32>
    %add3A_98 = arith.constant 16 : i32
    %add3A_99 = vector.broadcast %add3A_98 : i32 to vector<8x8192xi32>
    %add3A_100 = arith.addi %iota3A, %add3A_99 : vector<8x8192xi32>
    %jit3A_101 = arith.constant 64 : i32
    %broadcast_in_dim3A_102 = vector.broadcast %jit3A_101 : i32 to vector<8x8192xi32>
    %select_n3A_103 = arith.select %eq3A_97, %add3A_100, %broadcast_in_dim3A_102 : vector<8x8192xi1>, vector<8x8192xi32>
    %min3A_104 = arith.minsi %min3A_96, %select_n3A_103 : vector<8x8192xi32>
    %eq3A_105 = arith.cmpf oeq, %slice3A_66, %min3A_78 : vector<8x8192xf32>
    %add3A_106 = arith.constant 24 : i32
    %add3A_107 = vector.broadcast %add3A_106 : i32 to vector<8x8192xi32>
    %add3A_108 = arith.addi %iota3A, %add3A_107 : vector<8x8192xi32>
    %jit3A_109 = arith.constant 64 : i32
    %broadcast_in_dim3A_110 = vector.broadcast %jit3A_109 : i32 to vector<8x8192xi32>
    %select_n3A_111 = arith.select %eq3A_105, %add3A_108, %broadcast_in_dim3A_110 : vector<8x8192xi1>, vector<8x8192xi32>
    %min3A_112 = arith.minsi %min3A_104, %select_n3A_111 : vector<8x8192xi32>
    %roll3A_113 = arith.constant 4 : i32
    %roll3A_114 = tpu.dynamic_rotate %min3A_112 by %roll3A_113 dim 0 : vector<8x8192xi32>, i32 -> vector<8x8192xi32>
    %min3A_115 = arith.minsi %min3A_112, %roll3A_114 : vector<8x8192xi32>
    %roll3A_116 = arith.constant 2 : i32
    %roll3A_117 = tpu.dynamic_rotate %min3A_115 by %roll3A_116 dim 0 : vector<8x8192xi32>, i32 -> vector<8x8192xi32>
    %min3A_118 = arith.minsi %min3A_115, %roll3A_117 : vector<8x8192xi32>
    %roll3A_119 = arith.constant 1 : i32
    %roll3A_120 = tpu.dynamic_rotate %min3A_118 by %roll3A_119 dim 0 : vector<8x8192xi32>, i32 -> vector<8x8192xi32>
    %min3A_121 = arith.minsi %min3A_118, %roll3A_120 : vector<8x8192xi32>
    %eq3A_122 = arith.constant 1 : i32
    %eq3A_123 = vector.broadcast %eq3A_122 : i32 to vector<8x8192xi32>
    %eq3A_124 = arith.cmpi eq, %iota3A, %eq3A_123 : vector<8x8192xi32>
    %select_n3A_125 = arith.select %eq3A_124, %min3A_121, %select_n3A_60 : vector<8x8192xi1>, vector<8x8192xi32>
    %slice3A_126 = vector.extract_strided_slice %get3A_2 {offsets = [2, 0, 0], sizes = [1, 32, 8192], strides = [1, 1, 1]} : vector<8x32x8192xf32> to vector<1x32x8192xf32>
    %squeeze3A_127 = vector.shape_cast %slice3A_126 : vector<1x32x8192xf32> to vector<32x8192xf32>
    %slice3A_128 = vector.extract_strided_slice %squeeze3A_127 {offsets = [0, 0], sizes = [8, 8192], strides = [1, 1]} : vector<32x8192xf32> to vector<8x8192xf32>
    %slice3A_129 = vector.extract_strided_slice %squeeze3A_127 {offsets = [8, 0], sizes = [8, 8192], strides = [1, 1]} : vector<32x8192xf32> to vector<8x8192xf32>
    %slice3A_130 = vector.extract_strided_slice %squeeze3A_127 {offsets = [16, 0], sizes = [8, 8192], strides = [1, 1]} : vector<32x8192xf32> to vector<8x8192xf32>
    %slice3A_131 = vector.extract_strided_slice %squeeze3A_127 {offsets = [24, 0], sizes = [8, 8192], strides = [1, 1]} : vector<32x8192xf32> to vector<8x8192xf32>
    %min3A_132 = arith.minimumf %slice3A_128, %slice3A_129 : vector<8x8192xf32>
    %min3A_133 = arith.minimumf %slice3A_130, %slice3A_131 : vector<8x8192xf32>
    %min3A_134 = arith.minimumf %min3A_132, %min3A_133 : vector<8x8192xf32>
    %roll3A_135 = arith.constant 4 : i32
    %roll3A_136 = tpu.dynamic_rotate %min3A_134 by %roll3A_135 dim 0 : vector<8x8192xf32>, i32 -> vector<8x8192xf32>
    %min3A_137 = arith.minimumf %min3A_134, %roll3A_136 : vector<8x8192xf32>
    %roll3A_138 = arith.constant 2 : i32
    %roll3A_139 = tpu.dynamic_rotate %min3A_137 by %roll3A_138 dim 0 : vector<8x8192xf32>, i32 -> vector<8x8192xf32>
    %min3A_140 = arith.minimumf %min3A_137, %roll3A_139 : vector<8x8192xf32>
    %roll3A_141 = arith.constant 1 : i32
    %roll3A_142 = tpu.dynamic_rotate %min3A_140 by %roll3A_141 dim 0 : vector<8x8192xf32>, i32 -> vector<8x8192xf32>
    %min3A_143 = arith.minimumf %min3A_140, %roll3A_142 : vector<8x8192xf32>
    %broadcast_in_dim3A_144 = arith.constant 64 : i32
    %broadcast_in_dim3A_145 = vector.broadcast %broadcast_in_dim3A_144 : i32 to vector<8x8192xi32>
    %eq3A_146 = arith.cmpf oeq, %slice3A_128, %min3A_143 : vector<8x8192xf32>
    %add3A_147 = arith.constant 0 : i32
    %add3A_148 = vector.broadcast %add3A_147 : i32 to vector<8x8192xi32>
    %add3A_149 = arith.addi %iota3A, %add3A_148 : vector<8x8192xi32>
    %jit3A_150 = arith.constant 64 : i32
    %broadcast_in_dim3A_151 = vector.broadcast %jit3A_150 : i32 to vector<8x8192xi32>
    %select_n3A_152 = arith.select %eq3A_146, %add3A_149, %broadcast_in_dim3A_151 : vector<8x8192xi1>, vector<8x8192xi32>
    %min3A_153 = arith.minsi %broadcast_in_dim3A_145, %select_n3A_152 : vector<8x8192xi32>
    %eq3A_154 = arith.cmpf oeq, %slice3A_129, %min3A_143 : vector<8x8192xf32>
    %add3A_155 = arith.constant 8 : i32
    %add3A_156 = vector.broadcast %add3A_155 : i32 to vector<8x8192xi32>
    %add3A_157 = arith.addi %iota3A, %add3A_156 : vector<8x8192xi32>
    %jit3A_158 = arith.constant 64 : i32
    %broadcast_in_dim3A_159 = vector.broadcast %jit3A_158 : i32 to vector<8x8192xi32>
    %select_n3A_160 = arith.select %eq3A_154, %add3A_157, %broadcast_in_dim3A_159 : vector<8x8192xi1>, vector<8x8192xi32>
    %min3A_161 = arith.minsi %min3A_153, %select_n3A_160 : vector<8x8192xi32>
    %eq3A_162 = arith.cmpf oeq, %slice3A_130, %min3A_143 : vector<8x8192xf32>
    %add3A_163 = arith.constant 16 : i32
    %add3A_164 = vector.broadcast %add3A_163 : i32 to vector<8x8192xi32>
    %add3A_165 = arith.addi %iota3A, %add3A_164 : vector<8x8192xi32>
    %jit3A_166 = arith.constant 64 : i32
    %broadcast_in_dim3A_167 = vector.broadcast %jit3A_166 : i32 to vector<8x8192xi32>
    %select_n3A_168 = arith.select %eq3A_162, %add3A_165, %broadcast_in_dim3A_167 : vector<8x8192xi1>, vector<8x8192xi32>
    %min3A_169 = arith.minsi %min3A_161, %select_n3A_168 : vector<8x8192xi32>
    %eq3A_170 = arith.cmpf oeq, %slice3A_131, %min3A_143 : vector<8x8192xf32>
    %add3A_171 = arith.constant 24 : i32
    %add3A_172 = vector.broadcast %add3A_171 : i32 to vector<8x8192xi32>
    %add3A_173 = arith.addi %iota3A, %add3A_172 : vector<8x8192xi32>
    %jit3A_174 = arith.constant 64 : i32
    %broadcast_in_dim3A_175 = vector.broadcast %jit3A_174 : i32 to vector<8x8192xi32>
    %select_n3A_176 = arith.select %eq3A_170, %add3A_173, %broadcast_in_dim3A_175 : vector<8x8192xi1>, vector<8x8192xi32>
    %min3A_177 = arith.minsi %min3A_169, %select_n3A_176 : vector<8x8192xi32>
    %roll3A_178 = arith.constant 4 : i32
    %roll3A_179 = tpu.dynamic_rotate %min3A_177 by %roll3A_178 dim 0 : vector<8x8192xi32>, i32 -> vector<8x8192xi32>
    %min3A_180 = arith.minsi %min3A_177, %roll3A_179 : vector<8x8192xi32>
    %roll3A_181 = arith.constant 2 : i32
    %roll3A_182 = tpu.dynamic_rotate %min3A_180 by %roll3A_181 dim 0 : vector<8x8192xi32>, i32 -> vector<8x8192xi32>
    %min3A_183 = arith.minsi %min3A_180, %roll3A_182 : vector<8x8192xi32>
    %roll3A_184 = arith.constant 1 : i32
    %roll3A_185 = tpu.dynamic_rotate %min3A_183 by %roll3A_184 dim 0 : vector<8x8192xi32>, i32 -> vector<8x8192xi32>
    %min3A_186 = arith.minsi %min3A_183, %roll3A_185 : vector<8x8192xi32>
    %eq3A_187 = arith.constant 2 : i32
    %eq3A_188 = vector.broadcast %eq3A_187 : i32 to vector<8x8192xi32>
    %eq3A_189 = arith.cmpi eq, %iota3A, %eq3A_188 : vector<8x8192xi32>
    %select_n3A_190 = arith.select %eq3A_189, %min3A_186, %select_n3A_125 : vector<8x8192xi1>, vector<8x8192xi32>
    %slice3A_191 = vector.extract_strided_slice %get3A_2 {offsets = [3, 0, 0], sizes = [1, 32, 8192], strides = [1, 1, 1]} : vector<8x32x8192xf32> to vector<1x32x8192xf32>
    %squeeze3A_192 = vector.shape_cast %slice3A_191 : vector<1x32x8192xf32> to vector<32x8192xf32>
    %slice3A_193 = vector.extract_strided_slice %squeeze3A_192 {offsets = [0, 0], sizes = [8, 8192], strides = [1, 1]} : vector<32x8192xf32> to vector<8x8192xf32>
    %slice3A_194 = vector.extract_strided_slice %squeeze3A_192 {offsets = [8, 0], sizes = [8, 8192], strides = [1, 1]} : vector<32x8192xf32> to vector<8x8192xf32>
    %slice3A_195 = vector.extract_strided_slice %squeeze3A_192 {offsets = [16, 0], sizes = [8, 8192], strides = [1, 1]} : vector<32x8192xf32> to vector<8x8192xf32>
    %slice3A_196 = vector.extract_strided_slice %squeeze3A_192 {offsets = [24, 0], sizes = [8, 8192], strides = [1, 1]} : vector<32x8192xf32> to vector<8x8192xf32>
    %min3A_197 = arith.minimumf %slice3A_193, %slice3A_194 : vector<8x8192xf32>
    %min3A_198 = arith.minimumf %slice3A_195, %slice3A_196 : vector<8x8192xf32>
    %min3A_199 = arith.minimumf %min3A_197, %min3A_198 : vector<8x8192xf32>
    %roll3A_200 = arith.constant 4 : i32
    %roll3A_201 = tpu.dynamic_rotate %min3A_199 by %roll3A_200 dim 0 : vector<8x8192xf32>, i32 -> vector<8x8192xf32>
    %min3A_202 = arith.minimumf %min3A_199, %roll3A_201 : vector<8x8192xf32>
    %roll3A_203 = arith.constant 2 : i32
    %roll3A_204 = tpu.dynamic_rotate %min3A_202 by %roll3A_203 dim 0 : vector<8x8192xf32>, i32 -> vector<8x8192xf32>
    %min3A_205 = arith.minimumf %min3A_202, %roll3A_204 : vector<8x8192xf32>
    %roll3A_206 = arith.constant 1 : i32
    %roll3A_207 = tpu.dynamic_rotate %min3A_205 by %roll3A_206 dim 0 : vector<8x8192xf32>, i32 -> vector<8x8192xf32>
    %min3A_208 = arith.minimumf %min3A_205, %roll3A_207 : vector<8x8192xf32>
    %broadcast_in_dim3A_209 = arith.constant 64 : i32
    %broadcast_in_dim3A_210 = vector.broadcast %broadcast_in_dim3A_209 : i32 to vector<8x8192xi32>
    %eq3A_211 = arith.cmpf oeq, %slice3A_193, %min3A_208 : vector<8x8192xf32>
    %add3A_212 = arith.constant 0 : i32
    %add3A_213 = vector.broadcast %add3A_212 : i32 to vector<8x8192xi32>
    %add3A_214 = arith.addi %iota3A, %add3A_213 : vector<8x8192xi32>
    %jit3A_215 = arith.constant 64 : i32
    %broadcast_in_dim3A_216 = vector.broadcast %jit3A_215 : i32 to vector<8x8192xi32>
    %select_n3A_217 = arith.select %eq3A_211, %add3A_214, %broadcast_in_dim3A_216 : vector<8x8192xi1>, vector<8x8192xi32>
    %min3A_218 = arith.minsi %broadcast_in_dim3A_210, %select_n3A_217 : vector<8x8192xi32>
    %eq3A_219 = arith.cmpf oeq, %slice3A_194, %min3A_208 : vector<8x8192xf32>
    %add3A_220 = arith.constant 8 : i32
    %add3A_221 = vector.broadcast %add3A_220 : i32 to vector<8x8192xi32>
    %add3A_222 = arith.addi %iota3A, %add3A_221 : vector<8x8192xi32>
    %jit3A_223 = arith.constant 64 : i32
    %broadcast_in_dim3A_224 = vector.broadcast %jit3A_223 : i32 to vector<8x8192xi32>
    %select_n3A_225 = arith.select %eq3A_219, %add3A_222, %broadcast_in_dim3A_224 : vector<8x8192xi1>, vector<8x8192xi32>
    %min3A_226 = arith.minsi %min3A_218, %select_n3A_225 : vector<8x8192xi32>
    %eq3A_227 = arith.cmpf oeq, %slice3A_195, %min3A_208 : vector<8x8192xf32>
    %add3A_228 = arith.constant 16 : i32
    %add3A_229 = vector.broadcast %add3A_228 : i32 to vector<8x8192xi32>
    %add3A_230 = arith.addi %iota3A, %add3A_229 : vector<8x8192xi32>
    %jit3A_231 = arith.constant 64 : i32
    %broadcast_in_dim3A_232 = vector.broadcast %jit3A_231 : i32 to vector<8x8192xi32>
    %select_n3A_233 = arith.select %eq3A_227, %add3A_230, %broadcast_in_dim3A_232 : vector<8x8192xi1>, vector<8x8192xi32>
    %min3A_234 = arith.minsi %min3A_226, %select_n3A_233 : vector<8x8192xi32>
    %eq3A_235 = arith.cmpf oeq, %slice3A_196, %min3A_208 : vector<8x8192xf32>
    %add3A_236 = arith.constant 24 : i32
    %add3A_237 = vector.broadcast %add3A_236 : i32 to vector<8x8192xi32>
    %add3A_238 = arith.addi %iota3A, %add3A_237 : vector<8x8192xi32>
    %jit3A_239 = arith.constant 64 : i32
    %broadcast_in_dim3A_240 = vector.broadcast %jit3A_239 : i32 to vector<8x8192xi32>
    %select_n3A_241 = arith.select %eq3A_235, %add3A_238, %broadcast_in_dim3A_240 : vector<8x8192xi1>, vector<8x8192xi32>
    %min3A_242 = arith.minsi %min3A_234, %select_n3A_241 : vector<8x8192xi32>
    %roll3A_243 = arith.constant 4 : i32
    %roll3A_244 = tpu.dynamic_rotate %min3A_242 by %roll3A_243 dim 0 : vector<8x8192xi32>, i32 -> vector<8x8192xi32>
    %min3A_245 = arith.minsi %min3A_242, %roll3A_244 : vector<8x8192xi32>
    %roll3A_246 = arith.constant 2 : i32
    %roll3A_247 = tpu.dynamic_rotate %min3A_245 by %roll3A_246 dim 0 : vector<8x8192xi32>, i32 -> vector<8x8192xi32>
    %min3A_248 = arith.minsi %min3A_245, %roll3A_247 : vector<8x8192xi32>
    %roll3A_249 = arith.constant 1 : i32
    %roll3A_250 = tpu.dynamic_rotate %min3A_248 by %roll3A_249 dim 0 : vector<8x8192xi32>, i32 -> vector<8x8192xi32>
    %min3A_251 = arith.minsi %min3A_248, %roll3A_250 : vector<8x8192xi32>
    %eq3A_252 = arith.constant 3 : i32
    %eq3A_253 = vector.broadcast %eq3A_252 : i32 to vector<8x8192xi32>
    %eq3A_254 = arith.cmpi eq, %iota3A, %eq3A_253 : vector<8x8192xi32>
    %select_n3A_255 = arith.select %eq3A_254, %min3A_251, %select_n3A_190 : vector<8x8192xi1>, vector<8x8192xi32>
    %slice3A_256 = vector.extract_strided_slice %get3A_2 {offsets = [4, 0, 0], sizes = [1, 32, 8192], strides = [1, 1, 1]} : vector<8x32x8192xf32> to vector<1x32x8192xf32>
    %squeeze3A_257 = vector.shape_cast %slice3A_256 : vector<1x32x8192xf32> to vector<32x8192xf32>
    %slice3A_258 = vector.extract_strided_slice %squeeze3A_257 {offsets = [0, 0], sizes = [8, 8192], strides = [1, 1]} : vector<32x8192xf32> to vector<8x8192xf32>
    %slice3A_259 = vector.extract_strided_slice %squeeze3A_257 {offsets = [8, 0], sizes = [8, 8192], strides = [1, 1]} : vector<32x8192xf32> to vector<8x8192xf32>
    %slice3A_260 = vector.extract_strided_slice %squeeze3A_257 {offsets = [16, 0], sizes = [8, 8192], strides = [1, 1]} : vector<32x8192xf32> to vector<8x8192xf32>
    %slice3A_261 = vector.extract_strided_slice %squeeze3A_257 {offsets = [24, 0], sizes = [8, 8192], strides = [1, 1]} : vector<32x8192xf32> to vector<8x8192xf32>
    %min3A_262 = arith.minimumf %slice3A_258, %slice3A_259 : vector<8x8192xf32>
    %min3A_263 = arith.minimumf %slice3A_260, %slice3A_261 : vector<8x8192xf32>
    %min3A_264 = arith.minimumf %min3A_262, %min3A_263 : vector<8x8192xf32>
    %roll3A_265 = arith.constant 4 : i32
    %roll3A_266 = tpu.dynamic_rotate %min3A_264 by %roll3A_265 dim 0 : vector<8x8192xf32>, i32 -> vector<8x8192xf32>
    %min3A_267 = arith.minimumf %min3A_264, %roll3A_266 : vector<8x8192xf32>
    %roll3A_268 = arith.constant 2 : i32
    %roll3A_269 = tpu.dynamic_rotate %min3A_267 by %roll3A_268 dim 0 : vector<8x8192xf32>, i32 -> vector<8x8192xf32>
    %min3A_270 = arith.minimumf %min3A_267, %roll3A_269 : vector<8x8192xf32>
    %roll3A_271 = arith.constant 1 : i32
    %roll3A_272 = tpu.dynamic_rotate %min3A_270 by %roll3A_271 dim 0 : vector<8x8192xf32>, i32 -> vector<8x8192xf32>
    %min3A_273 = arith.minimumf %min3A_270, %roll3A_272 : vector<8x8192xf32>
    %broadcast_in_dim3A_274 = arith.constant 64 : i32
    %broadcast_in_dim3A_275 = vector.broadcast %broadcast_in_dim3A_274 : i32 to vector<8x8192xi32>
    %eq3A_276 = arith.cmpf oeq, %slice3A_258, %min3A_273 : vector<8x8192xf32>
    %add3A_277 = arith.constant 0 : i32
    %add3A_278 = vector.broadcast %add3A_277 : i32 to vector<8x8192xi32>
    %add3A_279 = arith.addi %iota3A, %add3A_278 : vector<8x8192xi32>
    %jit3A_280 = arith.constant 64 : i32
    %broadcast_in_dim3A_281 = vector.broadcast %jit3A_280 : i32 to vector<8x8192xi32>
    %select_n3A_282 = arith.select %eq3A_276, %add3A_279, %broadcast_in_dim3A_281 : vector<8x8192xi1>, vector<8x8192xi32>
    %min3A_283 = arith.minsi %broadcast_in_dim3A_275, %select_n3A_282 : vector<8x8192xi32>
    %eq3A_284 = arith.cmpf oeq, %slice3A_259, %min3A_273 : vector<8x8192xf32>
    %add3A_285 = arith.constant 8 : i32
    %add3A_286 = vector.broadcast %add3A_285 : i32 to vector<8x8192xi32>
    %add3A_287 = arith.addi %iota3A, %add3A_286 : vector<8x8192xi32>
    %jit3A_288 = arith.constant 64 : i32
    %broadcast_in_dim3A_289 = vector.broadcast %jit3A_288 : i32 to vector<8x8192xi32>
    %select_n3A_290 = arith.select %eq3A_284, %add3A_287, %broadcast_in_dim3A_289 : vector<8x8192xi1>, vector<8x8192xi32>
    %min3A_291 = arith.minsi %min3A_283, %select_n3A_290 : vector<8x8192xi32>
    %eq3A_292 = arith.cmpf oeq, %slice3A_260, %min3A_273 : vector<8x8192xf32>
    %add3A_293 = arith.constant 16 : i32
    %add3A_294 = vector.broadcast %add3A_293 : i32 to vector<8x8192xi32>
    %add3A_295 = arith.addi %iota3A, %add3A_294 : vector<8x8192xi32>
    %jit3A_296 = arith.constant 64 : i32
    %broadcast_in_dim3A_297 = vector.broadcast %jit3A_296 : i32 to vector<8x8192xi32>
    %select_n3A_298 = arith.select %eq3A_292, %add3A_295, %broadcast_in_dim3A_297 : vector<8x8192xi1>, vector<8x8192xi32>
    %min3A_299 = arith.minsi %min3A_291, %select_n3A_298 : vector<8x8192xi32>
    %eq3A_300 = arith.cmpf oeq, %slice3A_261, %min3A_273 : vector<8x8192xf32>
    %add3A_301 = arith.constant 24 : i32
    %add3A_302 = vector.broadcast %add3A_301 : i32 to vector<8x8192xi32>
    %add3A_303 = arith.addi %iota3A, %add3A_302 : vector<8x8192xi32>
    %jit3A_304 = arith.constant 64 : i32
    %broadcast_in_dim3A_305 = vector.broadcast %jit3A_304 : i32 to vector<8x8192xi32>
    %select_n3A_306 = arith.select %eq3A_300, %add3A_303, %broadcast_in_dim3A_305 : vector<8x8192xi1>, vector<8x8192xi32>
    %min3A_307 = arith.minsi %min3A_299, %select_n3A_306 : vector<8x8192xi32>
    %roll3A_308 = arith.constant 4 : i32
    %roll3A_309 = tpu.dynamic_rotate %min3A_307 by %roll3A_308 dim 0 : vector<8x8192xi32>, i32 -> vector<8x8192xi32>
    %min3A_310 = arith.minsi %min3A_307, %roll3A_309 : vector<8x8192xi32>
    %roll3A_311 = arith.constant 2 : i32
    %roll3A_312 = tpu.dynamic_rotate %min3A_310 by %roll3A_311 dim 0 : vector<8x8192xi32>, i32 -> vector<8x8192xi32>
    %min3A_313 = arith.minsi %min3A_310, %roll3A_312 : vector<8x8192xi32>
    %roll3A_314 = arith.constant 1 : i32
    %roll3A_315 = tpu.dynamic_rotate %min3A_313 by %roll3A_314 dim 0 : vector<8x8192xi32>, i32 -> vector<8x8192xi32>
    %min3A_316 = arith.minsi %min3A_313, %roll3A_315 : vector<8x8192xi32>
    %eq3A_317 = arith.constant 4 : i32
    %eq3A_318 = vector.broadcast %eq3A_317 : i32 to vector<8x8192xi32>
    %eq3A_319 = arith.cmpi eq, %iota3A, %eq3A_318 : vector<8x8192xi32>
    %select_n3A_320 = arith.select %eq3A_319, %min3A_316, %select_n3A_255 : vector<8x8192xi1>, vector<8x8192xi32>
    %slice3A_321 = vector.extract_strided_slice %get3A_2 {offsets = [5, 0, 0], sizes = [1, 32, 8192], strides = [1, 1, 1]} : vector<8x32x8192xf32> to vector<1x32x8192xf32>
    %squeeze3A_322 = vector.shape_cast %slice3A_321 : vector<1x32x8192xf32> to vector<32x8192xf32>
    %slice3A_323 = vector.extract_strided_slice %squeeze3A_322 {offsets = [0, 0], sizes = [8, 8192], strides = [1, 1]} : vector<32x8192xf32> to vector<8x8192xf32>
    %slice3A_324 = vector.extract_strided_slice %squeeze3A_322 {offsets = [8, 0], sizes = [8, 8192], strides = [1, 1]} : vector<32x8192xf32> to vector<8x8192xf32>
    %slice3A_325 = vector.extract_strided_slice %squeeze3A_322 {offsets = [16, 0], sizes = [8, 8192], strides = [1, 1]} : vector<32x8192xf32> to vector<8x8192xf32>
    %slice3A_326 = vector.extract_strided_slice %squeeze3A_322 {offsets = [24, 0], sizes = [8, 8192], strides = [1, 1]} : vector<32x8192xf32> to vector<8x8192xf32>
    %min3A_327 = arith.minimumf %slice3A_323, %slice3A_324 : vector<8x8192xf32>
    %min3A_328 = arith.minimumf %slice3A_325, %slice3A_326 : vector<8x8192xf32>
    %min3A_329 = arith.minimumf %min3A_327, %min3A_328 : vector<8x8192xf32>
    %roll3A_330 = arith.constant 4 : i32
    %roll3A_331 = tpu.dynamic_rotate %min3A_329 by %roll3A_330 dim 0 : vector<8x8192xf32>, i32 -> vector<8x8192xf32>
    %min3A_332 = arith.minimumf %min3A_329, %roll3A_331 : vector<8x8192xf32>
    %roll3A_333 = arith.constant 2 : i32
    %roll3A_334 = tpu.dynamic_rotate %min3A_332 by %roll3A_333 dim 0 : vector<8x8192xf32>, i32 -> vector<8x8192xf32>
    %min3A_335 = arith.minimumf %min3A_332, %roll3A_334 : vector<8x8192xf32>
    %roll3A_336 = arith.constant 1 : i32
    %roll3A_337 = tpu.dynamic_rotate %min3A_335 by %roll3A_336 dim 0 : vector<8x8192xf32>, i32 -> vector<8x8192xf32>
    %min3A_338 = arith.minimumf %min3A_335, %roll3A_337 : vector<8x8192xf32>
    %broadcast_in_dim3A_339 = arith.constant 64 : i32
    %broadcast_in_dim3A_340 = vector.broadcast %broadcast_in_dim3A_339 : i32 to vector<8x8192xi32>
    %eq3A_341 = arith.cmpf oeq, %slice3A_323, %min3A_338 : vector<8x8192xf32>
    %add3A_342 = arith.constant 0 : i32
    %add3A_343 = vector.broadcast %add3A_342 : i32 to vector<8x8192xi32>
    %add3A_344 = arith.addi %iota3A, %add3A_343 : vector<8x8192xi32>
    %jit3A_345 = arith.constant 64 : i32
    %broadcast_in_dim3A_346 = vector.broadcast %jit3A_345 : i32 to vector<8x8192xi32>
    %select_n3A_347 = arith.select %eq3A_341, %add3A_344, %broadcast_in_dim3A_346 : vector<8x8192xi1>, vector<8x8192xi32>
    %min3A_348 = arith.minsi %broadcast_in_dim3A_340, %select_n3A_347 : vector<8x8192xi32>
    %eq3A_349 = arith.cmpf oeq, %slice3A_324, %min3A_338 : vector<8x8192xf32>
    %add3A_350 = arith.constant 8 : i32
    %add3A_351 = vector.broadcast %add3A_350 : i32 to vector<8x8192xi32>
    %add3A_352 = arith.addi %iota3A, %add3A_351 : vector<8x8192xi32>
    %jit3A_353 = arith.constant 64 : i32
    %broadcast_in_dim3A_354 = vector.broadcast %jit3A_353 : i32 to vector<8x8192xi32>
    %select_n3A_355 = arith.select %eq3A_349, %add3A_352, %broadcast_in_dim3A_354 : vector<8x8192xi1>, vector<8x8192xi32>
    %min3A_356 = arith.minsi %min3A_348, %select_n3A_355 : vector<8x8192xi32>
    %eq3A_357 = arith.cmpf oeq, %slice3A_325, %min3A_338 : vector<8x8192xf32>
    %add3A_358 = arith.constant 16 : i32
    %add3A_359 = vector.broadcast %add3A_358 : i32 to vector<8x8192xi32>
    %add3A_360 = arith.addi %iota3A, %add3A_359 : vector<8x8192xi32>
    %jit3A_361 = arith.constant 64 : i32
    %broadcast_in_dim3A_362 = vector.broadcast %jit3A_361 : i32 to vector<8x8192xi32>
    %select_n3A_363 = arith.select %eq3A_357, %add3A_360, %broadcast_in_dim3A_362 : vector<8x8192xi1>, vector<8x8192xi32>
    %min3A_364 = arith.minsi %min3A_356, %select_n3A_363 : vector<8x8192xi32>
    %eq3A_365 = arith.cmpf oeq, %slice3A_326, %min3A_338 : vector<8x8192xf32>
    %add3A_366 = arith.constant 24 : i32
    %add3A_367 = vector.broadcast %add3A_366 : i32 to vector<8x8192xi32>
    %add3A_368 = arith.addi %iota3A, %add3A_367 : vector<8x8192xi32>
    %jit3A_369 = arith.constant 64 : i32
    %broadcast_in_dim3A_370 = vector.broadcast %jit3A_369 : i32 to vector<8x8192xi32>
    %select_n3A_371 = arith.select %eq3A_365, %add3A_368, %broadcast_in_dim3A_370 : vector<8x8192xi1>, vector<8x8192xi32>
    %min3A_372 = arith.minsi %min3A_364, %select_n3A_371 : vector<8x8192xi32>
    %roll3A_373 = arith.constant 4 : i32
    %roll3A_374 = tpu.dynamic_rotate %min3A_372 by %roll3A_373 dim 0 : vector<8x8192xi32>, i32 -> vector<8x8192xi32>
    %min3A_375 = arith.minsi %min3A_372, %roll3A_374 : vector<8x8192xi32>
    %roll3A_376 = arith.constant 2 : i32
    %roll3A_377 = tpu.dynamic_rotate %min3A_375 by %roll3A_376 dim 0 : vector<8x8192xi32>, i32 -> vector<8x8192xi32>
    %min3A_378 = arith.minsi %min3A_375, %roll3A_377 : vector<8x8192xi32>
    %roll3A_379 = arith.constant 1 : i32
    %roll3A_380 = tpu.dynamic_rotate %min3A_378 by %roll3A_379 dim 0 : vector<8x8192xi32>, i32 -> vector<8x8192xi32>
    %min3A_381 = arith.minsi %min3A_378, %roll3A_380 : vector<8x8192xi32>
    %eq3A_382 = arith.constant 5 : i32
    %eq3A_383 = vector.broadcast %eq3A_382 : i32 to vector<8x8192xi32>
    %eq3A_384 = arith.cmpi eq, %iota3A, %eq3A_383 : vector<8x8192xi32>
    %select_n3A_385 = arith.select %eq3A_384, %min3A_381, %select_n3A_320 : vector<8x8192xi1>, vector<8x8192xi32>
    %slice3A_386 = vector.extract_strided_slice %get3A_2 {offsets = [6, 0, 0], sizes = [1, 32, 8192], strides = [1, 1, 1]} : vector<8x32x8192xf32> to vector<1x32x8192xf32>
    %squeeze3A_387 = vector.shape_cast %slice3A_386 : vector<1x32x8192xf32> to vector<32x8192xf32>
    %slice3A_388 = vector.extract_strided_slice %squeeze3A_387 {offsets = [0, 0], sizes = [8, 8192], strides = [1, 1]} : vector<32x8192xf32> to vector<8x8192xf32>
    %slice3A_389 = vector.extract_strided_slice %squeeze3A_387 {offsets = [8, 0], sizes = [8, 8192], strides = [1, 1]} : vector<32x8192xf32> to vector<8x8192xf32>
    %slice3A_390 = vector.extract_strided_slice %squeeze3A_387 {offsets = [16, 0], sizes = [8, 8192], strides = [1, 1]} : vector<32x8192xf32> to vector<8x8192xf32>
    %slice3A_391 = vector.extract_strided_slice %squeeze3A_387 {offsets = [24, 0], sizes = [8, 8192], strides = [1, 1]} : vector<32x8192xf32> to vector<8x8192xf32>
    %min3A_392 = arith.minimumf %slice3A_388, %slice3A_389 : vector<8x8192xf32>
    %min3A_393 = arith.minimumf %slice3A_390, %slice3A_391 : vector<8x8192xf32>
    %min3A_394 = arith.minimumf %min3A_392, %min3A_393 : vector<8x8192xf32>
    %roll3A_395 = arith.constant 4 : i32
    %roll3A_396 = tpu.dynamic_rotate %min3A_394 by %roll3A_395 dim 0 : vector<8x8192xf32>, i32 -> vector<8x8192xf32>
    %min3A_397 = arith.minimumf %min3A_394, %roll3A_396 : vector<8x8192xf32>
    %roll3A_398 = arith.constant 2 : i32
    %roll3A_399 = tpu.dynamic_rotate %min3A_397 by %roll3A_398 dim 0 : vector<8x8192xf32>, i32 -> vector<8x8192xf32>
    %min3A_400 = arith.minimumf %min3A_397, %roll3A_399 : vector<8x8192xf32>
    %roll3A_401 = arith.constant 1 : i32
    %roll3A_402 = tpu.dynamic_rotate %min3A_400 by %roll3A_401 dim 0 : vector<8x8192xf32>, i32 -> vector<8x8192xf32>
    %min3A_403 = arith.minimumf %min3A_400, %roll3A_402 : vector<8x8192xf32>
    %broadcast_in_dim3A_404 = arith.constant 64 : i32
    %broadcast_in_dim3A_405 = vector.broadcast %broadcast_in_dim3A_404 : i32 to vector<8x8192xi32>
    %eq3A_406 = arith.cmpf oeq, %slice3A_388, %min3A_403 : vector<8x8192xf32>
    %add3A_407 = arith.constant 0 : i32
    %add3A_408 = vector.broadcast %add3A_407 : i32 to vector<8x8192xi32>
    %add3A_409 = arith.addi %iota3A, %add3A_408 : vector<8x8192xi32>
    %jit3A_410 = arith.constant 64 : i32
    %broadcast_in_dim3A_411 = vector.broadcast %jit3A_410 : i32 to vector<8x8192xi32>
    %select_n3A_412 = arith.select %eq3A_406, %add3A_409, %broadcast_in_dim3A_411 : vector<8x8192xi1>, vector<8x8192xi32>
    %min3A_413 = arith.minsi %broadcast_in_dim3A_405, %select_n3A_412 : vector<8x8192xi32>
    %eq3A_414 = arith.cmpf oeq, %slice3A_389, %min3A_403 : vector<8x8192xf32>
    %add3A_415 = arith.constant 8 : i32
    %add3A_416 = vector.broadcast %add3A_415 : i32 to vector<8x8192xi32>
    %add3A_417 = arith.addi %iota3A, %add3A_416 : vector<8x8192xi32>
    %jit3A_418 = arith.constant 64 : i32
    %broadcast_in_dim3A_419 = vector.broadcast %jit3A_418 : i32 to vector<8x8192xi32>
    %select_n3A_420 = arith.select %eq3A_414, %add3A_417, %broadcast_in_dim3A_419 : vector<8x8192xi1>, vector<8x8192xi32>
    %min3A_421 = arith.minsi %min3A_413, %select_n3A_420 : vector<8x8192xi32>
    %eq3A_422 = arith.cmpf oeq, %slice3A_390, %min3A_403 : vector<8x8192xf32>
    %add3A_423 = arith.constant 16 : i32
    %add3A_424 = vector.broadcast %add3A_423 : i32 to vector<8x8192xi32>
    %add3A_425 = arith.addi %iota3A, %add3A_424 : vector<8x8192xi32>
    %jit3A_426 = arith.constant 64 : i32
    %broadcast_in_dim3A_427 = vector.broadcast %jit3A_426 : i32 to vector<8x8192xi32>
    %select_n3A_428 = arith.select %eq3A_422, %add3A_425, %broadcast_in_dim3A_427 : vector<8x8192xi1>, vector<8x8192xi32>
    %min3A_429 = arith.minsi %min3A_421, %select_n3A_428 : vector<8x8192xi32>
    %eq3A_430 = arith.cmpf oeq, %slice3A_391, %min3A_403 : vector<8x8192xf32>
    %add3A_431 = arith.constant 24 : i32
    %add3A_432 = vector.broadcast %add3A_431 : i32 to vector<8x8192xi32>
    %add3A_433 = arith.addi %iota3A, %add3A_432 : vector<8x8192xi32>
    %jit3A_434 = arith.constant 64 : i32
    %broadcast_in_dim3A_435 = vector.broadcast %jit3A_434 : i32 to vector<8x8192xi32>
    %select_n3A_436 = arith.select %eq3A_430, %add3A_433, %broadcast_in_dim3A_435 : vector<8x8192xi1>, vector<8x8192xi32>
    %min3A_437 = arith.minsi %min3A_429, %select_n3A_436 : vector<8x8192xi32>
    %roll3A_438 = arith.constant 4 : i32
    %roll3A_439 = tpu.dynamic_rotate %min3A_437 by %roll3A_438 dim 0 : vector<8x8192xi32>, i32 -> vector<8x8192xi32>
    %min3A_440 = arith.minsi %min3A_437, %roll3A_439 : vector<8x8192xi32>
    %roll3A_441 = arith.constant 2 : i32
    %roll3A_442 = tpu.dynamic_rotate %min3A_440 by %roll3A_441 dim 0 : vector<8x8192xi32>, i32 -> vector<8x8192xi32>
    %min3A_443 = arith.minsi %min3A_440, %roll3A_442 : vector<8x8192xi32>
    %roll3A_444 = arith.constant 1 : i32
    %roll3A_445 = tpu.dynamic_rotate %min3A_443 by %roll3A_444 dim 0 : vector<8x8192xi32>, i32 -> vector<8x8192xi32>
    %min3A_446 = arith.minsi %min3A_443, %roll3A_445 : vector<8x8192xi32>
    %eq3A_447 = arith.constant 6 : i32
    %eq3A_448 = vector.broadcast %eq3A_447 : i32 to vector<8x8192xi32>
    %eq3A_449 = arith.cmpi eq, %iota3A, %eq3A_448 : vector<8x8192xi32>
    %select_n3A_450 = arith.select %eq3A_449, %min3A_446, %select_n3A_385 : vector<8x8192xi1>, vector<8x8192xi32>
    %slice3A_451 = vector.extract_strided_slice %get3A_2 {offsets = [7, 0, 0], sizes = [1, 32, 8192], strides = [1, 1, 1]} : vector<8x32x8192xf32> to vector<1x32x8192xf32>
    %squeeze3A_452 = vector.shape_cast %slice3A_451 : vector<1x32x8192xf32> to vector<32x8192xf32>
    %slice3A_453 = vector.extract_strided_slice %squeeze3A_452 {offsets = [0, 0], sizes = [8, 8192], strides = [1, 1]} : vector<32x8192xf32> to vector<8x8192xf32>
    %slice3A_454 = vector.extract_strided_slice %squeeze3A_452 {offsets = [8, 0], sizes = [8, 8192], strides = [1, 1]} : vector<32x8192xf32> to vector<8x8192xf32>
    %slice3A_455 = vector.extract_strided_slice %squeeze3A_452 {offsets = [16, 0], sizes = [8, 8192], strides = [1, 1]} : vector<32x8192xf32> to vector<8x8192xf32>
    %slice3A_456 = vector.extract_strided_slice %squeeze3A_452 {offsets = [24, 0], sizes = [8, 8192], strides = [1, 1]} : vector<32x8192xf32> to vector<8x8192xf32>
    %min3A_457 = arith.minimumf %slice3A_453, %slice3A_454 : vector<8x8192xf32>
    %min3A_458 = arith.minimumf %slice3A_455, %slice3A_456 : vector<8x8192xf32>
    %min3A_459 = arith.minimumf %min3A_457, %min3A_458 : vector<8x8192xf32>
    %roll3A_460 = arith.constant 4 : i32
    %roll3A_461 = tpu.dynamic_rotate %min3A_459 by %roll3A_460 dim 0 : vector<8x8192xf32>, i32 -> vector<8x8192xf32>
    %min3A_462 = arith.minimumf %min3A_459, %roll3A_461 : vector<8x8192xf32>
    %roll3A_463 = arith.constant 2 : i32
    %roll3A_464 = tpu.dynamic_rotate %min3A_462 by %roll3A_463 dim 0 : vector<8x8192xf32>, i32 -> vector<8x8192xf32>
    %min3A_465 = arith.minimumf %min3A_462, %roll3A_464 : vector<8x8192xf32>
    %roll3A_466 = arith.constant 1 : i32
    %roll3A_467 = tpu.dynamic_rotate %min3A_465 by %roll3A_466 dim 0 : vector<8x8192xf32>, i32 -> vector<8x8192xf32>
    %min3A_468 = arith.minimumf %min3A_465, %roll3A_467 : vector<8x8192xf32>
    %broadcast_in_dim3A_469 = arith.constant 64 : i32
    %broadcast_in_dim3A_470 = vector.broadcast %broadcast_in_dim3A_469 : i32 to vector<8x8192xi32>
    %eq3A_471 = arith.cmpf oeq, %slice3A_453, %min3A_468 : vector<8x8192xf32>
    %add3A_472 = arith.constant 0 : i32
    %add3A_473 = vector.broadcast %add3A_472 : i32 to vector<8x8192xi32>
    %add3A_474 = arith.addi %iota3A, %add3A_473 : vector<8x8192xi32>
    %jit3A_475 = arith.constant 64 : i32
    %broadcast_in_dim3A_476 = vector.broadcast %jit3A_475 : i32 to vector<8x8192xi32>
    %select_n3A_477 = arith.select %eq3A_471, %add3A_474, %broadcast_in_dim3A_476 : vector<8x8192xi1>, vector<8x8192xi32>
    %min3A_478 = arith.minsi %broadcast_in_dim3A_470, %select_n3A_477 : vector<8x8192xi32>
    %eq3A_479 = arith.cmpf oeq, %slice3A_454, %min3A_468 : vector<8x8192xf32>
    %add3A_480 = arith.constant 8 : i32
    %add3A_481 = vector.broadcast %add3A_480 : i32 to vector<8x8192xi32>
    %add3A_482 = arith.addi %iota3A, %add3A_481 : vector<8x8192xi32>
    %jit3A_483 = arith.constant 64 : i32
    %broadcast_in_dim3A_484 = vector.broadcast %jit3A_483 : i32 to vector<8x8192xi32>
    %select_n3A_485 = arith.select %eq3A_479, %add3A_482, %broadcast_in_dim3A_484 : vector<8x8192xi1>, vector<8x8192xi32>
    %min3A_486 = arith.minsi %min3A_478, %select_n3A_485 : vector<8x8192xi32>
    %eq3A_487 = arith.cmpf oeq, %slice3A_455, %min3A_468 : vector<8x8192xf32>
    %add3A_488 = arith.constant 16 : i32
    %add3A_489 = vector.broadcast %add3A_488 : i32 to vector<8x8192xi32>
    %add3A_490 = arith.addi %iota3A, %add3A_489 : vector<8x8192xi32>
    %jit3A_491 = arith.constant 64 : i32
    %broadcast_in_dim3A_492 = vector.broadcast %jit3A_491 : i32 to vector<8x8192xi32>
    %select_n3A_493 = arith.select %eq3A_487, %add3A_490, %broadcast_in_dim3A_492 : vector<8x8192xi1>, vector<8x8192xi32>
    %min3A_494 = arith.minsi %min3A_486, %select_n3A_493 : vector<8x8192xi32>
    %eq3A_495 = arith.cmpf oeq, %slice3A_456, %min3A_468 : vector<8x8192xf32>
    %add3A_496 = arith.constant 24 : i32
    %add3A_497 = vector.broadcast %add3A_496 : i32 to vector<8x8192xi32>
    %add3A_498 = arith.addi %iota3A, %add3A_497 : vector<8x8192xi32>
    %jit3A_499 = arith.constant 64 : i32
    %broadcast_in_dim3A_500 = vector.broadcast %jit3A_499 : i32 to vector<8x8192xi32>
    %select_n3A_501 = arith.select %eq3A_495, %add3A_498, %broadcast_in_dim3A_500 : vector<8x8192xi1>, vector<8x8192xi32>
    %min3A_502 = arith.minsi %min3A_494, %select_n3A_501 : vector<8x8192xi32>
    %roll3A_503 = arith.constant 4 : i32
    %roll3A_504 = tpu.dynamic_rotate %min3A_502 by %roll3A_503 dim 0 : vector<8x8192xi32>, i32 -> vector<8x8192xi32>
    %min3A_505 = arith.minsi %min3A_502, %roll3A_504 : vector<8x8192xi32>
    %roll3A_506 = arith.constant 2 : i32
    %roll3A_507 = tpu.dynamic_rotate %min3A_505 by %roll3A_506 dim 0 : vector<8x8192xi32>, i32 -> vector<8x8192xi32>
    %min3A_508 = arith.minsi %min3A_505, %roll3A_507 : vector<8x8192xi32>
    %roll3A_509 = arith.constant 1 : i32
    %roll3A_510 = tpu.dynamic_rotate %min3A_508 by %roll3A_509 dim 0 : vector<8x8192xi32>, i32 -> vector<8x8192xi32>
    %min3A_511 = arith.minsi %min3A_508, %roll3A_510 : vector<8x8192xi32>
    %eq3A_512 = arith.constant 7 : i32
    %eq3A_513 = vector.broadcast %eq3A_512 : i32 to vector<8x8192xi32>
    %eq3A_514 = arith.cmpi eq, %iota3A, %eq3A_513 : vector<8x8192xi32>
    %select_n3A_515 = arith.select %eq3A_514, %min3A_511, %select_n3A_450 : vector<8x8192xi1>, vector<8x8192xi32>
    %swap3A = arith.constant 0 : index
    %swap3A_516 = arith.constant 0 : index
    %swap3A_517 = vector.load %arg2[%swap3A, %swap3A_516] : memref<8x8192xi32, #tpu.memory_space<vmem>>, vector<8x8192xi32>
    tpu.vector_store %arg2[%swap3A, %swap3A_516], %select_n3A_515 {strides = array<i32>} : memref<8x8192xi32, #tpu.memory_space<vmem>>, vector<8x8192xi32>,
    return
  }
  func.func @transform_0(%arg0: i32) -> (i32, i32, i32) {
    %c0_i32 = arith.constant 0 : i32
    %c0_i32_0 = arith.constant 0 : i32
    %c0_i32_1 = arith.constant 0 : i32
    return %arg0, %c0_i32, %c0_i32_0 : i32, i32, i32
  }
  func.func @transform_1(%arg0: i32) -> (i32, i32) {
    %c0_i32 = arith.constant 0 : i32
    %c0_i32_0 = arith.constant 0 : i32
    return %arg0, %c0_i32 : i32, i32
  }
}

</mosaic_0001>

<sc_bundles>
// kernel: kernel.4.cloned.1.call-start
scs
__scs_entry_jumppad:
0x0: {  	(pc) =	sbr.rel $0x88, $3  }
0x1: {  	(tag) =	ssettag $0x0;
	lr =	simm.s32 $0x1  }
0x2: {  	[smem:$0x3FA0] =	sst lr;
	_ =	strace $0xD0000000  }
0x3: {  	_ = 	snop  }
0x4: {  	_ = 	snop  }
0x5: {  	_ = 	snop  }
0x6: {  	_ = 	snop  }
0x7: {  	_ = 	snop  }
__scs_overlays_trampoline_lowered:
0x8: {  	[smem:$0x3FAF] =	sst s0  }
0x9: {  	[smem:$0x3FB0] =	sst s1  }
0xa: {  	[smem:$0x3FB1] =	sst s2  }
0xb: {  	[smem:$0x3FB2] =	sst s3  }
0xc: {  	[smem:$0x3FB3] =	sst s4  }
0xd: {  	[smem:$0x3FB4] =	sst s5  }
0xe: {  	[smem:$0x3FB5] =	sst s6  }
0xf: {  	[smem:$0x3FB6] =	sst s7  }
0x10: {  	[smem:$0x3FB7] =	sst s8  }
0x11: {  	[smem:$0x3FB8] =	sst s9;
	s0 =	simm.s32 @!p0 $0x0  }
0x12: {  	s1 =	sld [smem:$0x3F9E];
	s0 =	simm.s32 @p0 $0x1  }
0x13: {  	[smem:$0x3FB9] =	sst s0;
	s0 =	simm.s32 @!p1 $0x0  }
0x14: {  	s2 =	sld [smem:$0x3F9D];
	s0 =	simm.s32 @p1 $0x1  }
0x15: {  	[smem:$0x3FBA] =	sst s0;
	s0 =	simm.s32 @!p2 $0x0  }
0x16: {  	s3 =	sld [smem:$0x3FDB];
	s0 =	simm.s32 @p2 $0x1  }
0x17: {  	s4 =	simm.s32 $0x1BF5;
	[smem:$0x3FBC] =	sst s0  }
0x18: {  	s0 =	sld [smem:$0x3F9F];
	_ =	swait.ge [sflag:s4], $0x0  }
0x19: {  	s7 =	sld [smem:$0x3FA0]  }
0x1a: {  	s8 =	sadd.s32 $0xFFFFE003, lr  }
0x1b: {  	s9 =	sadd.s32 $0xFFFFFEF7, lr;
	s5 =	simm.s32 $0xFFFFFFFF;
	p2 =	slt.u32 s8, $0xFFFFF086  }
0x1c: {  	p1 =	slt.u32 s9, $0xF7A;
	s5 =	simm.s32 @!p2 $0x0  }
0x1d: {  	s5 =	simm.s32 @p1 $0x1;
	p0 =	seq.s32 s7, s2  }
0x1e: {  	s7 =	smul.u32 @!p0 $0xF7A, s2;
	p2 =	seq.s32 @!p0 s5, $0x0  }
0x1f: {  	s9 =	smul.u32 $0xF7A, s1;
	s8 =	simm.s32 @!p0 $0x1BF5;
	p2 =	por !p2, p0  }
0x20: {  	[sflag:s8] =	ssyncset.s32 @!p0 $0xFFFFF086;
	s6 =	sadd.s32 @!p0 s3, s7;
	s7 =	simm.s32 @!p0 $0x108  }
0x21: {  	s3 =	sadd.s32 s3, s9;
	s6 =	sadd.s32 @!p0 $0x88, s6;
	s7 =	simm.s32 @p2 $0x1082  }
0x22: {  	[simem:s7], [sflag:s8] =	dma.local @!p0 [hbm:s6], $0xF7A  }
0x23: {  	s9 =	sor.u32 $0xD0000000, s2;
	s6 =	simm.s32 $0x108;
	_ =	swait.ge @!p0 [sflag:s8], $0x0  }
0x24: {  	s3 =	sadd.s32 $0x88, s3;
	s6 =	simm.s32 @!p1 $0x1082;
	[sflag:s4] =	ssyncset.s32 $0xFFFFF086  }
0x25: {  	[simem:s6], [sflag:s4] =	dma.local [hbm:s3], $0xF7A  }
0x26: {  	[smem:$0x3FA0] =	sst s1;
	(tag) =	ssettag s2;
	_ =	strace s9  }
0x27: {  	s1 =	sld [smem:$0x3FB0]  }
0x28: {  	s2 =	sld [smem:$0x3FB1]  }
0x29: {  	s4 =	sld [smem:$0x3FB3]  }
0x2a: {  	p0 =	seq.s32 s5, $0x0;
	s5 =	sld [smem:$0x3FB4]  }
0x2b: {  	s6 =	sld [smem:$0x3FB5]  }
0x2c: {  	s7 =	sld [smem:$0x3FB6]  }
0x2d: {  	s3 =	simm.s32 $0x108;
	s8 =	sld [smem:$0x3FB7]  }
0x2e: {  	s3 =	simm.s32 @!p0 $0x1082;
	s9 =	sld [smem:$0x3FB8]  }
0x2f: {  	lr =	sadd.s32 s0, s3;
	s0 =	sld [smem:$0x3FAF]  }
0x30: {  	s3 =	sld [smem:$0x3FB2]  }
0x31: {  	[smem:$0x3FBB] =	sst s10  }
0x32: {  	s10 =	sld [smem:$0x3FB9];
	_ =	sdelay $0x3  }
0x33: {  	p0 =	seq.s32 s10, $0x1;
	s10 =	sld [smem:$0x3FBB];
	_ =	sdelay $0x3  }
0x34: {  	[smem:$0x3FBB] =	sst s10  }
0x35: {  	s10 =	sld [smem:$0x3FBA];
	_ =	sdelay $0x3  }
0x36: {  	p1 =	seq.s32 s10, $0x1;
	s10 =	sld [smem:$0x3FBB];
	_ =	sdelay $0x3  }
0x37: {  	[smem:$0x3FBB] =	sst s10  }
0x38: {  	s10 =	sld [smem:$0x3FBC]  }
0x39: {  	_ = 	snop;
	(pc) =	sbr.ind lr, $3  }
0x3a: {  	_ = 	snop  }
0x3b: {  	_ = 	snop  }
0x3c: {  	p2 =	seq.s32 s10, $0x1;
	s10 =	sld [smem:$0x3FBB]  }
0x3d: {  	_ =	shalt  }
0x3e: {  	_ =	shalt  }
0x3f: {  	_ =	shalt  }
0x40: {  	_ =	shalt  }
0x41: {  	_ =	shalt  }
0x42: {  	_ =	shalt  }
0x43: {  	_ =	shalt  }
0x44: {  	_ =	shalt  }
0x45: {  	_ =	shalt  }
0x46: {  	_ =	shalt  }
0x47: {  	_ =	shalt  }
0x48: {  	_ =	shalt  }
0x49: {  	_ =	shalt  }
0x4a: {  	_ =	shalt  }
0x4b: {  	_ =	shalt  }
0x4c: {  	_ =	shalt  }
0x4d: {  	_ =	shalt  }
0x4e: {  	_ =	shalt  }
0x4f: {  	_ =	shalt  }
0x50: {  	_ =	shalt  }
0x51: {  	_ =	shalt  }
0x52: {  	_ =	shalt  }
0x53: {  	_ =	shalt  }
0x54: {  	_ =	shalt  }
0x55: {  	_ =	shalt  }
0x56: {  	_ =	shalt  }
0x57: {  	_ =	shalt  }
0x58: {  	_ =	shalt  }
0x59: {  	_ =	shalt  }
0x5a: {  	_ =	shalt  }
0x5b: {  	_ =	shalt  }
0x5c: {  	_ =	shalt  }
0x5d: {  	_ =	shalt  }
0x5e: {  	_ =	shalt  }
0x5f: {  	_ =	shalt  }
0x60: {  	_ =	shalt  }
0x61: {  	_ =	shalt  }
0x62: {  	_ =	shalt  }
0x63: {  	_ =	shalt  }
0x64: {  	_ =	shalt  }
0x65: {  	_ =	shalt  }
0x66: {  	_ =	shalt  }
0x67: {  	_ =	shalt  }
0x68: {  	_ =	shalt  }
0x69: {  	_ =	shalt  }
0x6a: {  	_ =	shalt  }
0x6b: {  	_ =	shalt  }
0x6c: {  	_ =	shalt  }
0x6d: {  	_ =	shalt  }
0x6e: {  	_ =	shalt  }
0x6f: {  	_ =	shalt  }
0x70: {  	_ =	shalt  }
0x71: {  	_ =	shalt  }
0x72: {  	_ =	shalt  }
0x73: {  	_ =	shalt  }
0x74: {  	_ =	shalt  }
0x75: {  	_ =	shalt  }
0x76: {  	_ =	shalt  }
0x77: {  	_ =	shalt  }
0x78: {  	_ =	shalt  }
0x79: {  	_ =	shalt  }
0x7a: {  	_ =	shalt  }
0x7b: {  	_ =	shalt  }
0x7c: {  	_ =	shalt  }
0x7d: {  	_ =	shalt  }
0x7e: {  	_ =	shalt  }
0x7f: {  	_ =	shalt  }
0x80: {  	_ =	shalt  }
0x81: {  	_ =	shalt  }
0x82: {  	_ =	shalt  }
0x83: {  	_ =	shalt  }
0x84: {  	_ =	shalt  }
0x85: {  	_ =	shalt  }
0x86: {  	_ =	shalt  }
0x87: {  	_ =	shalt  }
.Lfunc_end0:
.L_simem_size_0:
called_computation_lowered:
.L_overlay_start_0:
0x88: {  	s2 =	sld [smem:$0x3FD9]  }
0x89: {  	s3 =	sld [smem:$0x3FFE];
	_ =	sdelay $0x1  }
0x8a: {  	s1 =	srdreg.scid  }
0x8b: {  	s0 =	sand.u32 $0x1, s1  }
0x8c: {  	s17 =	sshll.u32 s0, $0xA;
	s2 =	sadd.s32 s3, s2  }
0x8d: {  	s2 =	sadd.s32 s2, s17  }
0x8e: {  	[smem:$0x3FC7] =	sst s2  }
0x8f: {  	_ = 	snop  }
0x90: {  	s2 =	sld [smem:$0x3FC9];
	(tm) =	ssettm $0x1  }
0x91: {  	s18 =	sld [smem:$0x3FFB];
	_ =	sdelay $0x3  }
0x92: {  	_ =	strace s18  }
0x93: {  	s3 =	sld [smem:$0x3FFC];
	_ =	sdelay $0x3  }
0x94: {  	_ =	strace s3  }
0x95: {  	s3 =	sld [smem:$0x3FFD];
	_ =	sdelay $0x3  }
0x96: {  	_ =	strace s3  }
0x97: {  	_ =	strace $0x8FFFFFFF  }
0x98: {  	s19 =	sld [smem:$0x3FDB];
	_ =	sdelay $0x1  }
0x99: {  	s4 =	simm.s32 $_scs_section_size  }
0x9a: {  	s5 =	simm.s32 $_size__tile_overlayer_lowered;
	s6 =	simm.s32 $_tile_overlayer_lowered  }
0x9b: {  	s22 =	simm.s32 $0x1BFF;
	s21 =	sshll.u32 s6, $0x1;
	s3 =	sadd.s32 s4, s19  }
0x9c: {  	s7 =	simm.s32 $0x0;
	s20 =	sshll.u32 s5, $0x1;
	s5 =	sadd.s32 s21, s3  }
0x9d: {  	[timem:s7], [sflag:s22] =	dma.local [hbm:s5], s20  }
0x9e: {  	_ =	swait.ge [sflag:s22], s20  }
0x9f: {  	s4 =	ssub.s32 $0x0, s20;
	[sflag:s22] =	ssyncset.done $0x0  }
0xa0: {  	[sflag:s22] =	ssyncadd.s32 s4;
	_ =	sdelay $0x1  }
0xa1: {  	s23 =	simm.s32 $0x1B8B  }
0xa2: {  	_ =	swait.ge [sflag:s23], $0x1  }
0xa3: {  	[sflag:s23] =	ssyncset.done $0x0  }
0xa4: {  	s25 =	simm.s32 $0x1B8E;
	s24 =	sld [smem:$0x3FFE];
	[sflag:s23] =	ssyncadd.s32 $0xFFFFFFFF  }
0xa5: {  	s26 =	simm.s32 $execute0_lowered;
	[smem:$0x3FD2] =	sst s25  }
0xa6: {  	s5 =	sshll.u32 s26, $0x1;
	_ =	strace $0x80000046;
	[dreg:$0x1] =	wrdreg $0xFFFFFFFF  }
0xa7: {  	s28 =	simm.s32 $_size_execute0_lowered;
	s3 =	sadd.s32 s3, s5;
	[dreg:$0x0] =	wrdreg $0x0  }
0xa8: {  	s5 =	sshll.u32 s28, $0x1;
	[dreg:$0x2] =	wrdreg s3  }
0xa9: {  	[dreg:$0x3] =	wrdreg s5  }
0xaa: {  	[dreg:$0x4] =	wrdreg $0xC0  }
0xab: {  	_ =	task [dreg:s7], $0x5FFFF  }
0xac: {  	[dreg:$0x1] =	wrdreg $0xFFFFFFFF  }
0xad: {  	[dreg:$0x0] =	wrdreg $0x60  }
0xae: {  	[dreg:$0x2] =	wrdreg s2  }
0xaf: {  	[dreg:$0x3] =	wrdreg s24  }
0xb0: {  	[dreg:$0x4] =	wrdreg $0x9  }
0xb1: {  	_ =	task.clear_ibuf [dreg:s7], $0x5FFFF;
	_ =	strace $0x90000046  }
0xb2: {  	s29 =	simm.s32 $0x9;
	_ =	strace $0x80000048  }
0xb3: {  	_ =	swait.ge [sflag:s29], $0x1  }
0xb4: {  	[sflag:s29] =	ssyncadd.s32 $0xFFFFFFFF  }
0xb5: {  	_ =	strace $0x90000048  }
0xb6: {  	_ =	sfence  }
0xb7: {  	s30 =	sld [smem:$0x0];
	_ =	sdelay $0x2  }
0xb8: {  	s31 =	sshll.u32 s1, $0xD;
	s1 =	sshrl.u32 s1, $0x2  }
0xb9: {  	s3 =	sand.u32 $0x4000, s31;
	s1 =	sadd.s32 s1, s30  }
0xba: {  	s0 =	sor.u32 s3, s0;
	s1 =	sshll.u32 s1, $0x11  }
0xbb: {  	s0 =	sor.u32 s1, s0  }
0xbc: {  	s0 =	sadd.s32 $0x8F2B, s0  }
0xbd: {  	[sflag:s0] =	ssyncadd.remote.s32 $0x1  }
0xbe: {  	_ =	sfence.sel $0xFFFF  }
0xbf: {  	[dreg:$0x0] =	wrdreg $0xFFFFFFFF;
	(pc) =	sbr.abs _section_cstart, $3  }
0xc0: {  	[dreg:$0x1] =	wrdreg $0xFFFFFFFF  }
0xc1: {  	_ =	task.clear_ibuf [dreg:s7], $0x2FFFF;
	_ =	strace $0x9FFFFFFF  }
0xc2: {  	(tm) =	ssettm $0x7FFFFFFF  }
0xc3: {  	_ =	shalt  }
tec
execute0_lowered:
.L_overlay_start_1:
0x0: {  	(tag) =	ssettag $0x1  }
0x1: {  	s5 =	rddreg [dreg:$0x0]  }
0x2: {  	s0 =	rddreg [dreg:$0x1];
	s2 =	simm.s32 $0x0;
	s1 =	srdreg.scid  }
0x3: {  	s6 =	stileid.u32;
	[smem:$0x7FF] =	sst s2  }
0x4: {  	s1 =	sand.u32 $0x1, s1;
	s3 =	sshll.u32 s6, $0x4;
	s0 =	sadd.s32 $0x400, s0  }
0x5: {  	s26 =	sadd.s32 $0x300000, s5;
	s28 =	sshll.u32 s6, $0xE;
	s24 =	ssub.s32 $0x2, s1  }
0x6: {  	s1 =	sshll.u32 s1, $0x3;
	_ =	strace $0x80000047;
	[smem:$0x7F6] =	sst s0  }
0x7: {  	[smem:$0x7F8] =	sst s26;
	s4 =	sshrl.u32 s24, $0x1;
	s7 =	sor.u32 s1, s3  }
0x8: {  	s25 =	ssub.s32 s24, s4;
	s29 =	sshll.u32 s7, $0xF;
	[smem:$0x7FA] =	sst s7  }
0x9: {  	s1 =	sshll.u32 s7, $0xC;
	s31 =	sshrl.u32 s7, $0x3;
	[smem:$0x7F7] =	sst s29  }
0xa: {  	s3 =	sshll.u32 s7, $0x4;
	s1 =	sadd.s32 s1, s26;
	[smem:$0x7FB] =	sst s31  }
0xb: {  	s30 =	sor.u32 s28, s3;
	s0 =	smax.u32 s25, $0x1;
	[smem:$0x7F9] =	sst s1  }
0xc: {  	s1 =	sand.u32 $0x30380, s30;
	[smem:$0x7FD] =	sst s0  }
0xd: {  	v0 =	vimm.s32 $0x0;
	[smem:$0x7FC] =	sst s1;
	s1 =	simm.s32 $0x0  }
.LBB2_1:
0xe: {  	s31 =	sld [smem:$0x7F9]  }
0xf: {  	[smem:$0x7F5] =	sst s1;
	s0 =	simm.s32 $0x0  }
0x10: {  	s2 =	simm.s32 $0x2000;
	s3 =	simm.s32 $0x10000;
	s1 =	simm.s32 $0x0  }
0x11: {  	[tilespmem:s0], [sflag:$0x1] =	stream.strided.gather [hbm4b:s31+s2], $0x8000, s3, s2, $0x38;
	[tilespmem:$0x10400] =	vst v63  }
.LBB2_2:
0x12: {  	s19 =	sld [smem:$0x7F7]  }
0x13: {  	s0 =	sshll.u32 s1, $0xE  }
0x14: {  	[smem:$0x7F2] =	sst s1;
	s1 =	sor.u32 $0x2000, s0  }
0x15: {  	[smem:$0x7F3] =	sst s0;
	s0 =	sadd.s32 s19, s1  }
0x16: {  	s20 =	rddreg [dreg:$0x0];
	s2 =	simm.s32 $0x2000;
	s0 =	sshrl.u32 s0, $0x3  }
0x17: {  	s3 =	simm.s32 $0x8000;
	s21 =	simm.s32 $0x1;
	s0 =	sor.u32 $0x300000, s0  }
0x18: {  	[smem:$0x7F4] =	sst s1;
	s1 =	sadd.s32 s20, s0;
	s0 =	simm.s32 $0x10000  }
0x19: {  	[tilespmem:s3], [sflag:$0x2] =	stream.strided.gather [hbm4b:s1+s2], $0x8000, s0, s2, $0x38;
	[tilespmem:$0x10400] =	vst v63  }
0x1a: {  	s30 =	simm.s32 $0x0;
	_ =	swait.ge [sflag:s21], $0x8000  }
0x1b: {  	s9 =	sand.u32 $0x60, s30;
	s4 =	sand.u32 $0x1C00, s30;
	[sflag:s21] =	ssyncset.done $0x0  }
0x1c: {  	s22 =	sor.u32 s9, s4;
	[sflag:s21] =	ssyncadd.s32 $0xFFFF8000  }
0x1d: {  	v1 =	vld [tilespmem:s22+$0x0]  }
0x1e: {  	v2 =	vld [tilespmem:s22+$0x80];
	_ =	sdelay $0x1  }
0x1f: {  	v3 =	vld [tilespmem:s22+$0x100];
	_ =	sdelay $0x1  }
0x20: {  	v4 =	vld [tilespmem:s22+$0x180]  }
0x21: {  	vm3 =	vlt.f32 v2, v1  }
0x22: {  	v1 =	vsel vm3, v2, v1;
	v2 =	vld [tilespmem:s22+$0x200]  }
0x23: {  	vm1 =	vlt.f32 v3, v1  }
0x24: {  	v1 =	vsel vm1, v3, v1;
	v3 =	vld [tilespmem:s22+$0x280]  }
0x25: {  	vm2 =	vlt.f32 v4, v1  }
0x26: {  	v1 =	vsel vm2, v4, v1;
	v4 =	vld [tilespmem:s22+$0x300]  }
0x27: {  	vm0 =	vlt.f32 v2, v1  }
0x28: {  	s1 =	sor.u32 $0x2000, s4;
	v1 =	vsel vm0, v2, v1;
	v2 =	vld [tilespmem:s22+$0x380]  }
0x29: {  	s23 =	sor.u32 s9, s1;
	vm4 =	vlt.f32 v3, v1  }
0x2a: {  	s2 =	sor.u32 $0x2080, s4;
	v1 =	vsel vm4, v3, v1;
	v3 =	vld [tilespmem:s23+$0x0]  }
0x2b: {  	s24 =	sor.u32 s9, s2;
	vm5 =	vlt.f32 v4, v1  }
0x2c: {  	s5 =	sor.u32 $0x2100, s4;
	v1 =	vsel vm5, v4, v1;
	v4 =	vld [tilespmem:s24+$0x0]  }
0x2d: {  	s6 =	sor.u32 s9, s5;
	vm6 =	vlt.f32 v2, v1  }
0x2e: {  	s3 =	sor.u32 $0x2180, s4;
	v1 =	vsel vm6, v2, v1;
	v2 =	vld [tilespmem:s6+$0x0]  }
0x2f: {  	s7 =	sor.u32 s9, s3;
	vm7 =	vlt.f32 v3, v1  }
0x30: {  	s6 =	sor.u32 $0x2200, s4;
	v1 =	vsel vm7, v3, v1;
	v3 =	vld [tilespmem:s7+$0x0]  }
0x31: {  	s8 =	sor.u32 s9, s6;
	vm8 =	vlt.f32 v4, v1  }
0x32: {  	s7 =	sor.u32 $0x2280, s4;
	v1 =	vsel vm8, v4, v1;
	v4 =	vld [tilespmem:s8+$0x0]  }
0x33: {  	s10 =	sor.u32 s9, s7;
	vm9 =	vlt.f32 v2, v1  }
0x34: {  	s8 =	sor.u32 $0x2300, s4;
	v1 =	vsel vm9, v2, v1;
	v2 =	vld [tilespmem:s10+$0x0]  }
0x35: {  	s11 =	sor.u32 s9, s8;
	vm10 =	vlt.f32 v3, v1  }
0x36: {  	s10 =	sor.u32 $0x2380, s4;
	v1 =	vsel vm10, v3, v1;
	v3 =	vld [tilespmem:s11+$0x0]  }
0x37: {  	s12 =	sor.u32 s9, s10;
	vm11 =	vlt.f32 v4, v1  }
0x38: {  	s11 =	sor.u32 $0x4000, s4;
	v1 =	vsel vm11, v4, v1;
	v4 =	vld [tilespmem:s12+$0x0]  }
0x39: {  	s13 =	sor.u32 s9, s11;
	vm12 =	vlt.f32 v2, v1  }
0x3a: {  	s12 =	sor.u32 $0x4080, s4;
	v1 =	vsel vm12, v2, v1;
	v2 =	vld [tilespmem:s13+$0x0]  }
0x3b: {  	s14 =	sor.u32 s9, s12;
	vm13 =	vlt.f32 v3, v1  }
0x3c: {  	s13 =	sor.u32 $0x4100, s4;
	v1 =	vsel vm13, v3, v1;
	v3 =	vld [tilespmem:s14+$0x0]  }
0x3d: {  	s25 =	sor.u32 s9, s13;
	vm14 =	vlt.f32 v4, v1  }
0x3e: {  	s15 =	sor.u32 $0x4180, s4;
	v1 =	vsel vm14, v4, v1;
	v4 =	vld [tilespmem:s25+$0x0]  }
0x3f: {  	s16 =	sor.u32 s9, s15;
	vm15 =	vlt.f32 v2, v1  }
0x40: {  	v5 =	vsel vm3, $0x1, v0;
	s14 =	sor.u32 $0x4200, s4;
	v1 =	vsel vm15, v2, v1;
	v2 =	vld [tilespmem:s16+$0x0]  }
0x41: {  	v5 =	vsel vm1, $0x2, v5;
	s17 =	sor.u32 s9, s14;
	vm1 =	vlt.f32 v3, v1  }
0x42: {  	v5 =	vsel vm2, $0x3, v5;
	s16 =	sor.u32 $0x4280, s4;
	v1 =	vsel vm1, v3, v1;
	v3 =	vld [tilespmem:s17+$0x0]  }
0x43: {  	v5 =	vsel vm0, $0x4, v5;
	s18 =	sor.u32 s9, s16;
	vm0 =	vlt.f32 v4, v1  }
0x44: {  	v5 =	vsel vm4, $0x5, v5;
	s17 =	sor.u32 $0x4300, s4;
	v1 =	vsel vm0, v4, v1;
	v4 =	vld [tilespmem:s18+$0x0]  }
0x45: {  	v5 =	vsel vm5, $0x6, v5;
	s19 =	sor.u32 s9, s17;
	vm2 =	vlt.f32 v2, v1  }
0x46: {  	v5 =	vsel vm6, $0x7, v5;
	s18 =	sor.u32 $0x4380, s4;
	v1 =	vsel vm2, v2, v1;
	v2 =	vld [tilespmem:s19+$0x0]  }
0x47: {  	v5 =	vsel vm7, $0x8, v5;
	s20 =	sor.u32 s9, s18;
	vm3 =	vlt.f32 v3, v1  }
0x48: {  	v5 =	vsel vm8, $0x9, v5;
	s19 =	sor.u32 $0x6000, s4;
	v1 =	vsel vm3, v3, v1;
	v3 =	vld [tilespmem:s20+$0x0]  }
0x49: {  	v5 =	vsel vm9, $0xA, v5;
	s26 =	sor.u32 s9, s19;
	vm4 =	vlt.f32 v4, v1  }
0x4a: {  	s21 =	sor.u32 $0x6080, s4;
	v5 =	vsel vm10, $0xB, v5;
	v1 =	vsel vm4, v4, v1;
	v4 =	vld [tilespmem:s26+$0x0]  }
0x4b: {  	s22 =	sor.u32 s9, s21;
	v5 =	vsel vm11, $0xC, v5;
	vm11 =	vlt.f32 v2, v1  }
0x4c: {  	v5 =	vsel vm12, $0xD, v5;
	s20 =	sor.u32 $0x6100, s4;
	v1 =	vsel vm11, v2, v1;
	v2 =	vld [tilespmem:s22+$0x0]  }
0x4d: {  	v5 =	vsel vm13, $0xE, v5;
	s28 =	sor.u32 s9, s20;
	vm13 =	vlt.f32 v3, v1  }
0x4e: {  	s24 =	sor.u32 $0x6180, s4;
	v5 =	vsel vm14, $0xF, v5;
	v6 =	vld [tilespmem:s28+$0x0];
	v1 =	vsel vm13, v3, v1  }
0x4f: {  	s29 =	sor.u32 s9, s24;
	v3 =	vsel vm15, $0x10, v5;
	vm9 =	vlt.f32 v4, v1  }
0x50: {  	s26 =	sor.u32 $0x6200, s4;
	v5 =	vld [tilespmem:s29+$0x0];
	v3 =	vsel vm1, $0x11, v3;
	v1 =	vsel vm9, v4, v1  }
0x51: {  	s31 =	sor.u32 s9, s26;
	v3 =	vsel vm0, $0x12, v3;
	vm0 =	vlt.f32 v2, v1  }
0x52: {  	s28 =	sor.u32 $0x6280, s4;
	v4 =	vld [tilespmem:s31+$0x0];
	v3 =	vsel vm2, $0x13, v3;
	v1 =	vsel vm0, v2, v1  }
0x53: {  	s23 =	sor.u32 s9, s28;
	v2 =	vsel vm3, $0x14, v3;
	vm1 =	vlt.f32 v6, v1  }
0x54: {  	s29 =	sor.u32 $0x6300, s4;
	v3 =	vld [tilespmem:s23+$0x0];
	v2 =	vsel vm4, $0x15, v2;
	v1 =	vsel vm1, v6, v1  }
0x55: {  	s25 =	sor.u32 s9, s29;
	v2 =	vsel vm11, $0x16, v2;
	vm2 =	vlt.f32 v5, v1  }
0x56: {  	s22 =	sor.u32 $0x6380, s4;
	v6 =	vld [tilespmem:s25+$0x0];
	v2 =	vsel vm13, $0x17, v2;
	v1 =	vsel vm2, v5, v1  }
0x57: {  	s23 =	sor.u32 s9, s22;
	v2 =	vsel vm9, $0x18, v2;
	vm3 =	vlt.f32 v4, v1  }
0x58: {  	v5 =	vld [tilespmem:s23+$0x0];
	v2 =	vsel vm0, $0x19, v2;
	v1 =	vsel vm3, v4, v1  }
0x59: {  	v2 =	vsel vm1, $0x1A, v2;
	vm0 =	vlt.f32 v3, v1  }
0x5a: {  	v2 =	vsel vm2, $0x1B, v2;
	v1 =	vsel vm0, v3, v1  }
0x5b: {  	v2 =	vsel vm3, $0x1C, v2;
	vm1 =	vlt.f32 v6, v1  }
0x5c: {  	v2 =	vsel vm0, $0x1D, v2;
	v1 =	vsel vm1, v6, v1  }
0x5d: {  	v2 =	vsel vm1, $0x1E, v2;
	vm0 =	vlt.f32 v5, v1  }
0x5e: {  	s25 =	sor.u32 $0x10, s9;
	v1 =	vsel vm0, $0x1F, v2  }
0x5f: {  	s31 =	sor.u32 s25, s4;
	[tilespmem:s0+$0x0] =	vst v1  }
0x60: {  	v1 =	vld [tilespmem:s31+$0x0]  }
0x61: {  	v2 =	vld [tilespmem:s31+$0x80];
	_ =	sdelay $0x1  }
0x62: {  	v3 =	vld [tilespmem:s31+$0x100];
	_ =	sdelay $0x1  }
0x63: {  	v4 =	vld [tilespmem:s31+$0x180]  }
0x64: {  	vm0 =	vlt.f32 v2, v1  }
0x65: {  	v5 =	vld [tilespmem:s31+$0x200];
	v1 =	vsel vm0, v2, v1  }
0x66: {  	vm1 =	vlt.f32 v3, v1  }
0x67: {  	v2 =	vld [tilespmem:s31+$0x280];
	v1 =	vsel vm1, v3, v1  }
0x68: {  	vm2 =	vlt.f32 v4, v1  }
0x69: {  	v3 =	vld [tilespmem:s31+$0x300];
	v1 =	vsel vm2, v4, v1  }
0x6a: {  	vm3 =	vlt.f32 v5, v1  }
0x6b: {  	v4 =	vld [tilespmem:s31+$0x380];
	v1 =	vsel vm3, v5, v1  }
0x6c: {  	s1 =	sor.u32 s25, s1;
	vm4 =	vlt.f32 v2, v1  }
0x6d: {  	v5 =	vld [tilespmem:s1+$0x0];
	v1 =	vsel vm4, v2, v1  }
0x6e: {  	s2 =	sor.u32 s25, s2;
	vm5 =	vlt.f32 v3, v1  }
0x6f: {  	v2 =	vld [tilespmem:s2+$0x0];
	v1 =	vsel vm5, v3, v1  }
0x70: {  	s4 =	sor.u32 s25, s5;
	vm6 =	vlt.f32 v4, v1  }
0x71: {  	v3 =	vld [tilespmem:s4+$0x0];
	v1 =	vsel vm6, v4, v1  }
0x72: {  	s5 =	sor.u32 s25, s3;
	vm7 =	vlt.f32 v5, v1  }
0x73: {  	v4 =	vld [tilespmem:s5+$0x0];
	v1 =	vsel vm7, v5, v1  }
0x74: {  	s6 =	sor.u32 s25, s6;
	vm8 =	vlt.f32 v2, v1  }
0x75: {  	v5 =	vld [tilespmem:s6+$0x0];
	v1 =	vsel vm8, v2, v1  }
0x76: {  	s7 =	sor.u32 s25, s7;
	vm9 =	vlt.f32 v3, v1  }
0x77: {  	v2 =	vld [tilespmem:s7+$0x0];
	v1 =	vsel vm9, v3, v1  }
0x78: {  	s8 =	sor.u32 s25, s8;
	vm10 =	vlt.f32 v4, v1  }
0x79: {  	v3 =	vld [tilespmem:s8+$0x0];
	v1 =	vsel vm10, v4, v1  }
0x7a: {  	s9 =	sor.u32 s25, s10;
	vm11 =	vlt.f32 v5, v1  }
0x7b: {  	v4 =	vld [tilespmem:s9+$0x0];
	v1 =	vsel vm11, v5, v1  }
0x7c: {  	s10 =	sor.u32 s25, s11;
	vm12 =	vlt.f32 v2, v1  }
0x7d: {  	v5 =	vld [tilespmem:s10+$0x0];
	v1 =	vsel vm12, v2, v1  }
0x7e: {  	s11 =	sor.u32 s25, s12;
	vm13 =	vlt.f32 v3, v1  }
0x7f: {  	v2 =	vld [tilespmem:s11+$0x0];
	v1 =	vsel vm13, v3, v1  }
0x80: {  	s12 =	sor.u32 s25, s13;
	vm14 =	vlt.f32 v4, v1  }
0x81: {  	v3 =	vld [tilespmem:s12+$0x0];
	v1 =	vsel vm14, v4, v1  }
0x82: {  	s13 =	sor.u32 s25, s15;
	v4 =	vsel vm0, $0x1, v0;
	vm0 =	vlt.f32 v5, v1  }
0x83: {  	v6 =	vld [tilespmem:s13+$0x0];
	v4 =	vsel vm1, $0x2, v4;
	v1 =	vsel vm0, v5, v1  }
0x84: {  	s15 =	sor.u32 s25, s14;
	v4 =	vsel vm2, $0x3, v4;
	vm1 =	vlt.f32 v2, v1  }
0x85: {  	v5 =	vld [tilespmem:s15+$0x0];
	v4 =	vsel vm3, $0x4, v4;
	v1 =	vsel vm1, v2, v1  }
0x86: {  	s16 =	sor.u32 s25, s16;
	v2 =	vsel vm4, $0x5, v4;
	vm2 =	vlt.f32 v3, v1  }
0x87: {  	v4 =	vld [tilespmem:s16+$0x0];
	v2 =	vsel vm5, $0x6, v2;
	v1 =	vsel vm2, v3, v1  }
0x88: {  	s17 =	sor.u32 s25, s17;
	v2 =	vsel vm6, $0x7, v2;
	vm3 =	vlt.f32 v6, v1  }
0x89: {  	v3 =	vld [tilespmem:s17+$0x0];
	v2 =	vsel vm7, $0x8, v2;
	v1 =	vsel vm3, v6, v1  }
0x8a: {  	s18 =	sor.u32 s25, s18;
	v2 =	vsel vm8, $0x9, v2;
	vm4 =	vlt.f32 v5, v1  }
0x8b: {  	v6 =	vld [tilespmem:s18+$0x0];
	v2 =	vsel vm9, $0xA, v2;
	v1 =	vsel vm4, v5, v1  }
0x8c: {  	s19 =	sor.u32 s25, s19;
	v2 =	vsel vm10, $0xB, v2;
	vm10 =	vlt.f32 v4, v1  }
0x8d: {  	v5 =	vld [tilespmem:s19+$0x0];
	v2 =	vsel vm11, $0xC, v2;
	v1 =	vsel vm10, v4, v1  }
0x8e: {  	s21 =	sor.u32 s25, s21;
	v2 =	vsel vm12, $0xD, v2;
	vm12 =	vlt.f32 v3, v1  }
0x8f: {  	v4 =	vld [tilespmem:s21+$0x0];
	v2 =	vsel vm13, $0xE, v2;
	v1 =	vsel vm12, v3, v1  }
0x90: {  	s23 =	sor.u32 s25, s20;
	v2 =	vsel vm14, $0xF, v2;
	vm15 =	vlt.f32 v6, v1  }
0x91: {  	v3 =	vld [tilespmem:s23+$0x0];
	v2 =	vsel vm0, $0x10, v2;
	v1 =	vsel vm15, v6, v1  }
0x92: {  	s24 =	sor.u32 s25, s24;
	v2 =	vsel vm1, $0x11, v2;
	vm0 =	vlt.f32 v5, v1  }
0x93: {  	v6 =	vld [tilespmem:s24+$0x0];
	v2 =	vsel vm2, $0x12, v2;
	v1 =	vsel vm0, v5, v1  }
0x94: {  	s26 =	sor.u32 s25, s26;
	v2 =	vsel vm3, $0x13, v2;
	vm1 =	vlt.f32 v4, v1  }
0x95: {  	v5 =	vld [tilespmem:s26+$0x0];
	v2 =	vsel vm4, $0x14, v2;
	v1 =	vsel vm1, v4, v1  }
0x96: {  	s28 =	sor.u32 s25, s28;
	v2 =	vsel vm10, $0x15, v2;
	vm2 =	vlt.f32 v3, v1  }
0x97: {  	v4 =	vld [tilespmem:s28+$0x0];
	v2 =	vsel vm12, $0x16, v2;
	v3 =	vsel vm2, v3, v1  }
0x98: {  	s29 =	sor.u32 s25, s29;
	v2 =	vsel vm15, $0x17, v2;
	vm3 =	vlt.f32 v6, v3  }
0x99: {  	v1 =	vld [tilespmem:s29+$0x0];
	v2 =	vsel vm0, $0x18, v2;
	v3 =	vsel vm3, v6, v3  }
0x9a: {  	v2 =	vsel vm1, $0x19, v2;
	vm0 =	vlt.f32 v5, v3  }
0x9b: {  	v2 =	vsel vm2, $0x1A, v2;
	v3 =	vsel vm0, v5, v3  }
0x9c: {  	v2 =	vsel vm3, $0x1B, v2;
	vm1 =	vlt.f32 v4, v3  }
0x9d: {  	s0 =	sand.u32 $0x380, s30;
	s31 =	sor.u32 s25, s22;
	v5 =	vsel vm0, $0x1C, v2;
	v3 =	vsel vm1, v4, v3  }
0x9e: {  	s1 =	simm.s32 $0x20;
	s2 =	simm.s32 $0x10020;
	s21 =	simm.s32 $0x0;
	v2 =	vld [tilespmem:s31+$0x0];
	v4 =	vsel vm1, $0x1D, v5;
	vm0 =	vlt.f32 v1, v3  }
.LBB2_3:
0x9f: {  	[dreg:$0x4] =	wrdreg s2  }
0xa0: {  	[dreg:$0x3] =	wrdreg s1  }
0xa1: {  	s7 =	sand.u32 $0x380, s1;
	s1 =	sadd.s32 $0x2, s21;
	s30 =	sadd.s32 $0x100, s30  }
0xa2: {  	s0 =	sor.u32 s25, s0;
	s8 =	rddreg [dreg:$0x3];
	s5 =	sand.u32 $0x1C00, s30  }
0xa3: {  	[dreg:$0x16] =	wrdreg s7;
	s21 =	sand.u32 $0x60, s8;
	s24 =	sor.u32 $0x2100, s5  }
0xa4: {  	s2 =	sor.u32 $0x2180, s5;
	s3 =	sor.u32 $0x2200, s5;
	s9 =	sor.u32 s21, s24  }
0xa5: {  	s8 =	sor.u32 $0x2280, s5;
	s10 =	sor.u32 s21, s2;
	[smem:$0x7ED] =	sst s9  }
0xa6: {  	v1 =	vsel vm0, v1, v3;
	s6 =	sor.u32 $0x2300, s5;
	s11 =	sor.u32 s21, s3;
	[smem:$0x7EE] =	sst s10  }
0xa7: {  	v3 =	vsel vm0, $0x1E, v4;
	s7 =	sor.u32 $0x2380, s5;
	s12 =	sor.u32 s21, s8;
	vm0 =	vlt.f32 v2, v1;
	[smem:$0x7EF] =	sst s11  }
0xa8: {  	s4 =	sor.u32 $0x4080, s5;
	s13 =	sor.u32 s21, s6;
	[smem:$0x7F0] =	sst s12;
	v1 =	vsel vm0, $0x1F, v3  }
0xa9: {  	s25 =	sor.u32 s21, s5;
	s14 =	sor.u32 s21, s7;
	[smem:$0x7F1] =	sst s13;
	[tilespmem:s0+$0x10000] =	vst v1  }
0xaa: {  	s16 =	sor.u32 s21, s4;
	[dreg:$0x1f] =	wrdreg s14;
	s9 =	sor.u32 $0x4000, s5;
	v1 =	vld [tilespmem:s25+$0x0]  }
0xab: {  	s10 =	sor.u32 $0x4100, s5;
	[dreg:$0x1e] =	wrdreg s16;
	s15 =	sor.u32 s21, s9;
	v2 =	vld [tilespmem:s25+$0x80]  }
0xac: {  	s11 =	sor.u32 $0x4180, s5;
	s17 =	sor.u32 s21, s10;
	[dreg:$0x1d] =	wrdreg s15  }
0xad: {  	s12 =	sor.u32 $0x4200, s5;
	s18 =	sor.u32 s21, s11;
	[dreg:$0x1c] =	wrdreg s17;
	v3 =	vld [tilespmem:s25+$0x100]  }
0xae: {  	s13 =	sor.u32 $0x4280, s5;
	s19 =	sor.u32 s21, s12;
	[dreg:$0x1b] =	wrdreg s18  }
0xaf: {  	s14 =	sor.u32 $0x4300, s5;
	s20 =	sor.u32 s21, s13;
	[dreg:$0x1a] =	wrdreg s19;
	v4 =	vld [tilespmem:s25+$0x180]  }
0xb0: {  	s16 =	sor.u32 $0x6000, s5;
	s28 =	sor.u32 s21, s14;
	[dreg:$0x19] =	wrdreg s20;
	vm0 =	vlt.f32 v2, v1  }
0xb1: {  	[dreg:$0x18] =	wrdreg s28;
	s15 =	sor.u32 $0x4380, s5;
	s17 =	sor.u32 s21, s16;
	v1 =	vsel vm0, v2, v1;
	v2 =	vld [tilespmem:s25+$0x200]  }
0xb2: {  	s29 =	sor.u32 s21, s15;
	[dreg:$0x15] =	wrdreg s17;
	s17 =	sor.u32 $0x6080, s5;
	vm1 =	vlt.f32 v3, v1  }
0xb3: {  	[dreg:$0x17] =	wrdreg s29;
	s18 =	sor.u32 s21, s17;
	s29 =	sor.u32 $0x6180, s5;
	v1 =	vsel vm1, v3, v1  }
0xb4: {  	[dreg:$0x14] =	wrdreg s18;
	s18 =	sor.u32 $0x6100, s5;
	s20 =	sor.u32 s21, s29;
	vm2 =	vlt.f32 v4, v1  }
0xb5: {  	s0 =	sor.u32 $0x6200, s5;
	s19 =	sor.u32 s21, s18;
	[dreg:$0x12] =	wrdreg s20;
	v3 =	vld [tilespmem:s25+$0x280];
	v1 =	vsel vm2, v4, v1  }
0xb6: {  	s28 =	sor.u32 $0x6280, s5;
	[dreg:$0x13] =	wrdreg s19;
	s19 =	sor.u32 s21, s0;
	v4 =	vld [tilespmem:s25+$0x300];
	vm3 =	vlt.f32 v2, v1  }
0xb7: {  	s20 =	sor.u32 $0x6300, s5;
	[dreg:$0x11] =	wrdreg s19;
	v1 =	vsel vm3, v2, v1;
	v2 =	vld [tilespmem:s25+$0x380];
	s25 =	sor.u32 s21, s28  }
0xb8: {  	s19 =	sor.u32 $0x6380, s5;
	[dreg:$0x10] =	wrdreg s25;
	s25 =	sor.u32 s21, s20  }
0xb9: {  	[dreg:$0xf] =	wrdreg s25;
	s25 =	sor.u32 s21, s19  }
0xba: {  	s26 =	sor.u32 $0x2080, s5;
	[dreg:$0xe] =	wrdreg s25;
	s25 =	sor.u32 $0x10, s21  }
0xbb: {  	s23 =	sor.u32 $0x2000, s5;
	s31 =	sor.u32 s21, s26;
	s26 =	sor.u32 s25, s26  }
0xbc: {  	s22 =	sor.u32 s21, s23;
	vm4 =	vlt.f32 v3, v1;
	[dreg:$0xd] =	wrdreg s26;
	s26 =	sor.u32 s25, s3  }
0xbd: {  	v1 =	vsel vm4, v3, v1;
	v3 =	vld [tilespmem:s22+$0x0];
	[dreg:$0xa] =	wrdreg s26  }
0xbe: {  	vm5 =	vlt.f32 v4, v1;
	s26 =	sor.u32 s25, s11;
	s11 =	sld [smem:$0x7ED]  }
0xbf: {  	v1 =	vsel vm5, v4, v1;
	v4 =	vld [tilespmem:s31+$0x0]  }
0xc0: {  	s31 =	sor.u32 s25, s10;
	s10 =	sor.u32 s25, s17;
	s17 =	sld [smem:$0x7EE];
	vm6 =	vlt.f32 v2, v1  }
0xc1: {  	s3 =	sor.u32 s25, s8;
	s8 =	sor.u32 s25, s9;
	v1 =	vsel vm6, v2, v1;
	v2 =	vld [tilespmem:s11+$0x0]  }
0xc2: {  	s9 =	sor.u32 s25, s4;
	s4 =	sor.u32 s25, s20;
	s20 =	sld [smem:$0x7EF];
	vm7 =	vlt.f32 v3, v1  }
0xc3: {  	[dreg:$0x6] =	wrdreg s8;
	v1 =	vsel vm7, v3, v1;
	v3 =	vld [tilespmem:s17+$0x0]  }
0xc4: {  	s22 =	sor.u32 s25, s24;
	s8 =	sor.u32 s25, s29;
	s29 =	sld [smem:$0x7F0];
	vm8 =	vlt.f32 v4, v1  }
0xc5: {  	[dreg:$0xc] =	wrdreg s22;
	v1 =	vsel vm8, v4, v1;
	v4 =	vld [tilespmem:s20+$0x0]  }
0xc6: {  	s22 =	sor.u32 s25, s13;
	s13 =	sor.u32 s25, s14;
	s14 =	sld [smem:$0x7F1];
	vm9 =	vlt.f32 v2, v1  }
0xc7: {  	v1 =	vsel vm9, v2, v1;
	v2 =	vld [tilespmem:s29+$0x0]  }
0xc8: {  	s24 =	sor.u32 s25, s2;
	vm10 =	vlt.f32 v3, v1  }
0xc9: {  	[dreg:$0xb] =	wrdreg s24;
	v1 =	vsel vm10, v3, v1;
	v3 =	vld [tilespmem:s14+$0x0]  }
0xca: {  	s24 =	sor.u32 s25, s12;
	s12 =	sor.u32 s25, s15;
	s15 =	rddreg [dreg:$0x1f];
	vm11 =	vlt.f32 v4, v1  }
0xcb: {  	v1 =	vsel vm11, v4, v1;
	v4 =	vld [tilespmem:s15+$0x0]  }
0xcc: {  	s6 =	sor.u32 s25, s6;
	s11 =	sor.u32 s25, s16;
	s16 =	rddreg [dreg:$0x1d];
	vm12 =	vlt.f32 v2, v1  }
0xcd: {  	[dreg:$0x8] =	wrdreg s6;
	v1 =	vsel vm12, v2, v1;
	v2 =	vld [tilespmem:s16+$0x0]  }
0xce: {  	s17 =	rddreg [dreg:$0x1e];
	vm13 =	vlt.f32 v3, v1  }
0xcf: {  	[dreg:$0x5] =	wrdreg s9;
	v1 =	vsel vm13, v3, v1;
	v3 =	vld [tilespmem:s17+$0x0]  }
0xd0: {  	s9 =	sor.u32 s25, s18;
	s18 =	rddreg [dreg:$0x1c];
	vm14 =	vlt.f32 v4, v1  }
0xd1: {  	[dreg:$0x9] =	wrdreg s3;
	v1 =	vsel vm14, v4, v1;
	v4 =	vld [tilespmem:s18+$0x0]  }
0xd2: {  	s7 =	sor.u32 s25, s7;
	s3 =	sor.u32 s25, s19;
	s19 =	rddreg [dreg:$0x1b];
	vm15 =	vlt.f32 v2, v1  }
0xd3: {  	v5 =	vsel vm0, $0x1, v0;
	[dreg:$0x7] =	wrdreg s7;
	v1 =	vsel vm15, v2, v1;
	v2 =	vld [tilespmem:s19+$0x0]  }
0xd4: {  	v5 =	vsel vm1, $0x2, v5;
	s20 =	rddreg [dreg:$0x1a];
	vm0 =	vlt.f32 v3, v1  }
0xd5: {  	v5 =	vsel vm2, $0x3, v5;
	s6 =	sor.u32 s25, s28;
	s28 =	rddreg [dreg:$0x16];
	v1 =	vsel vm0, v3, v1;
	v3 =	vld [tilespmem:s20+$0x0]  }
0xd6: {  	v5 =	vsel vm3, $0x4, v5;
	s7 =	sor.u32 s25, s0;
	s0 =	smov.u32 s28;
	s28 =	rddreg [dreg:$0x19];
	vm1 =	vlt.f32 v4, v1  }
0xd7: {  	v5 =	vsel vm4, $0x5, v5;
	v1 =	vsel vm1, v4, v1;
	v4 =	vld [tilespmem:s28+$0x0]  }
0xd8: {  	v5 =	vsel vm5, $0x6, v5;
	s29 =	rddreg [dreg:$0x18];
	vm2 =	vlt.f32 v2, v1  }
0xd9: {  	v5 =	vsel vm6, $0x7, v5;
	v1 =	vsel vm2, v2, v1;
	v2 =	vld [tilespmem:s29+$0x0]  }
0xda: {  	v5 =	vsel vm7, $0x8, v5;
	s14 =	rddreg [dreg:$0x17];
	vm3 =	vlt.f32 v3, v1  }
0xdb: {  	v5 =	vsel vm8, $0x9, v5;
	v1 =	vsel vm3, v3, v1;
	v3 =	vld [tilespmem:s14+$0x0]  }
0xdc: {  	v5 =	vsel vm9, $0xA, v5;
	s15 =	rddreg [dreg:$0x15];
	vm4 =	vlt.f32 v4, v1  }
0xdd: {  	v5 =	vsel vm10, $0xB, v5;
	v1 =	vsel vm4, v4, v1;
	v4 =	vld [tilespmem:s15+$0x0]  }
0xde: {  	v5 =	vsel vm11, $0xC, v5;
	s16 =	rddreg [dreg:$0x14];
	vm11 =	vlt.f32 v2, v1  }
0xdf: {  	v5 =	vsel vm12, $0xD, v5;
	v1 =	vsel vm11, v2, v1;
	v2 =	vld [tilespmem:s16+$0x0]  }
0xe0: {  	v5 =	vsel vm13, $0xE, v5;
	s17 =	rddreg [dreg:$0x13];
	vm13 =	vlt.f32 v3, v1  }
0xe1: {  	v5 =	vsel vm14, $0xF, v5;
	v1 =	vsel vm13, v3, v1;
	v3 =	vld [tilespmem:s17+$0x0]  }
0xe2: {  	s18 =	rddreg [dreg:$0x12];
	v5 =	vsel vm15, $0x10, v5;
	vm9 =	vlt.f32 v4, v1  }
0xe3: {  	v5 =	vsel vm0, $0x11, v5;
	v1 =	vsel vm9, v4, v1;
	v4 =	vld [tilespmem:s18+$0x0]  }
0xe4: {  	s19 =	rddreg [dreg:$0x11];
	v5 =	vsel vm1, $0x12, v5;
	vm0 =	vlt.f32 v2, v1  }
0xe5: {  	v5 =	vsel vm2, $0x13, v5;
	v1 =	vsel vm0, v2, v1;
	v2 =	vld [tilespmem:s19+$0x0]  }
0xe6: {  	s20 =	rddreg [dreg:$0x10];
	v5 =	vsel vm3, $0x14, v5;
	vm1 =	vlt.f32 v3, v1  }
0xe7: {  	v5 =	vsel vm4, $0x15, v5;
	v1 =	vsel vm1, v3, v1;
	v3 =	vld [tilespmem:s20+$0x0]  }
0xe8: {  	s28 =	rddreg [dreg:$0xf];
	v5 =	vsel vm11, $0x16, v5;
	vm2 =	vlt.f32 v4, v1  }
0xe9: {  	v5 =	vsel vm13, $0x17, v5;
	v1 =	vsel vm2, v4, v1;
	v4 =	vld [tilespmem:s28+$0x0]  }
0xea: {  	s29 =	rddreg [dreg:$0xe];
	v5 =	vsel vm9, $0x18, v5;
	vm3 =	vlt.f32 v2, v1  }
0xeb: {  	v5 =	vsel vm0, $0x19, v5;
	v1 =	vsel vm3, v2, v1;
	v2 =	vld [tilespmem:s29+$0x0]  }
0xec: {  	v5 =	vsel vm1, $0x1A, v5;
	vm0 =	vlt.f32 v3, v1  }
0xed: {  	v5 =	vsel vm2, $0x1B, v5;
	v1 =	vsel vm0, v3, v1  }
0xee: {  	v3 =	vsel vm3, $0x1C, v5;
	vm1 =	vlt.f32 v4, v1  }
0xef: {  	v3 =	vsel vm0, $0x1D, v3;
	v1 =	vsel vm1, v4, v1  }
0xf0: {  	v3 =	vsel vm1, $0x1E, v3;
	vm0 =	vlt.f32 v2, v1  }
0xf1: {  	s2 =	rddreg [dreg:$0x4];
	v1 =	vsel vm0, $0x1F, v3  }
0xf2: {  	s5 =	sor.u32 s25, s5;
	[tilespmem:s2+$0x0] =	vst v1  }
0xf3: {  	v1 =	vld [tilespmem:s5+$0x0]  }
0xf4: {  	v2 =	vld [tilespmem:s5+$0x80];
	_ =	sdelay $0x1  }
0xf5: {  	v3 =	vld [tilespmem:s5+$0x100];
	_ =	sdelay $0x1  }
0xf6: {  	v4 =	vld [tilespmem:s5+$0x180]  }
0xf7: {  	vm0 =	vlt.f32 v2, v1  }
0xf8: {  	v5 =	vld [tilespmem:s5+$0x200];
	v1 =	vsel vm0, v2, v1  }
0xf9: {  	vm1 =	vlt.f32 v3, v1  }
0xfa: {  	v2 =	vld [tilespmem:s5+$0x280];
	v1 =	vsel vm1, v3, v1  }
0xfb: {  	vm2 =	vlt.f32 v4, v1  }
0xfc: {  	v3 =	vld [tilespmem:s5+$0x300];
	v1 =	vsel vm2, v4, v1  }
0xfd: {  	vm3 =	vlt.f32 v5, v1  }
0xfe: {  	v4 =	vld [tilespmem:s5+$0x380];
	v1 =	vsel vm3, v5, v1  }
0xff: {  	s23 =	sor.u32 s25, s23;
	vm4 =	vlt.f32 v2, v1  }
0x100: {  	v5 =	vld [tilespmem:s23+$0x0];
	v1 =	vsel vm4, v2, v1  }
0x101: {  	s15 =	rddreg [dreg:$0xd];
	vm5 =	vlt.f32 v3, v1  }
0x102: {  	v2 =	vld [tilespmem:s15+$0x0];
	v1 =	vsel vm5, v3, v1  }
0x103: {  	s16 =	rddreg [dreg:$0xc];
	vm6 =	vlt.f32 v4, v1  }
0x104: {  	v3 =	vld [tilespmem:s16+$0x0];
	v1 =	vsel vm6, v4, v1  }
0x105: {  	s17 =	rddreg [dreg:$0xb];
	vm7 =	vlt.f32 v5, v1  }
0x106: {  	v4 =	vld [tilespmem:s17+$0x0];
	v1 =	vsel vm7, v5, v1  }
0x107: {  	s18 =	rddreg [dreg:$0xa];
	vm8 =	vlt.f32 v2, v1  }
0x108: {  	v5 =	vld [tilespmem:s18+$0x0];
	v1 =	vsel vm8, v2, v1  }
0x109: {  	s19 =	rddreg [dreg:$0x9];
	vm9 =	vlt.f32 v3, v1  }
0x10a: {  	v2 =	vld [tilespmem:s19+$0x0];
	v1 =	vsel vm9, v3, v1  }
0x10b: {  	s20 =	rddreg [dreg:$0x8];
	vm10 =	vlt.f32 v4, v1  }
0x10c: {  	v3 =	vld [tilespmem:s20+$0x0];
	v1 =	vsel vm10, v4, v1  }
0x10d: {  	s23 =	rddreg [dreg:$0x7];
	vm11 =	vlt.f32 v5, v1  }
0x10e: {  	v4 =	vld [tilespmem:s23+$0x0];
	v1 =	vsel vm11, v5, v1  }
0x10f: {  	s28 =	rddreg [dreg:$0x6];
	vm12 =	vlt.f32 v2, v1  }
0x110: {  	v5 =	vld [tilespmem:s28+$0x0];
	v1 =	vsel vm12, v2, v1  }
0x111: {  	s29 =	rddreg [dreg:$0x5];
	vm13 =	vlt.f32 v3, v1  }
0x112: {  	v2 =	vld [tilespmem:s29+$0x0];
	v1 =	vsel vm13, v3, v1  }
0x113: {  	vm14 =	vlt.f32 v4, v1  }
0x114: {  	v3 =	vld [tilespmem:s31+$0x0];
	v1 =	vsel vm14, v4, v1  }
0x115: {  	v4 =	vsel vm0, $0x1, v0;
	vm0 =	vlt.f32 v5, v1  }
0x116: {  	v6 =	vld [tilespmem:s26+$0x0];
	v4 =	vsel vm1, $0x2, v4;
	v1 =	vsel vm0, v5, v1  }
0x117: {  	v4 =	vsel vm2, $0x3, v4;
	vm1 =	vlt.f32 v2, v1  }
0x118: {  	v5 =	vld [tilespmem:s24+$0x0];
	v4 =	vsel vm3, $0x4, v4;
	v1 =	vsel vm1, v2, v1  }
0x119: {  	v2 =	vsel vm4, $0x5, v4;
	vm2 =	vlt.f32 v3, v1  }
0x11a: {  	v4 =	vld [tilespmem:s22+$0x0];
	v2 =	vsel vm5, $0x6, v2;
	v1 =	vsel vm2, v3, v1  }
0x11b: {  	v2 =	vsel vm6, $0x7, v2;
	vm3 =	vlt.f32 v6, v1  }
0x11c: {  	v3 =	vld [tilespmem:s13+$0x0];
	v2 =	vsel vm7, $0x8, v2;
	v1 =	vsel vm3, v6, v1  }
0x11d: {  	v2 =	vsel vm8, $0x9, v2;
	vm4 =	vlt.f32 v5, v1  }
0x11e: {  	v6 =	vld [tilespmem:s12+$0x0];
	v2 =	vsel vm9, $0xA, v2;
	v1 =	vsel vm4, v5, v1  }
0x11f: {  	v2 =	vsel vm10, $0xB, v2;
	vm10 =	vlt.f32 v4, v1  }
0x120: {  	v5 =	vld [tilespmem:s11+$0x0];
	v2 =	vsel vm11, $0xC, v2;
	v1 =	vsel vm10, v4, v1  }
0x121: {  	v2 =	vsel vm12, $0xD, v2;
	vm12 =	vlt.f32 v3, v1  }
0x122: {  	v4 =	vld [tilespmem:s10+$0x0];
	v2 =	vsel vm13, $0xE, v2;
	v1 =	vsel vm12, v3, v1  }
0x123: {  	v2 =	vsel vm14, $0xF, v2;
	vm15 =	vlt.f32 v6, v1  }
0x124: {  	v3 =	vld [tilespmem:s9+$0x0];
	v2 =	vsel vm0, $0x10, v2;
	v1 =	vsel vm15, v6, v1  }
0x125: {  	v2 =	vsel vm1, $0x11, v2;
	vm0 =	vlt.f32 v5, v1  }
0x126: {  	v6 =	vld [tilespmem:s8+$0x0];
	v2 =	vsel vm2, $0x12, v2;
	v1 =	vsel vm0, v5, v1  }
0x127: {  	v2 =	vsel vm3, $0x13, v2;
	vm1 =	vlt.f32 v4, v1  }
0x128: {  	v5 =	vld [tilespmem:s7+$0x0];
	v2 =	vsel vm4, $0x14, v2;
	v1 =	vsel vm1, v4, v1  }
0x129: {  	v2 =	vsel vm10, $0x15, v2;
	vm2 =	vlt.f32 v3, v1  }
0x12a: {  	v4 =	vld [tilespmem:s6+$0x0];
	v2 =	vsel vm12, $0x16, v2;
	v3 =	vsel vm2, v3, v1  }
0x12b: {  	v2 =	vsel vm15, $0x17, v2;
	vm3 =	vlt.f32 v6, v3  }
0x12c: {  	p0 =	slt.u32 s1, $0x3E;
	v1 =	vld [tilespmem:s4+$0x0];
	v2 =	vsel vm0, $0x18, v2;
	v3 =	vsel vm3, v6, v3  }
.Ltmp0:
0x12d: {  	v6 =	vsel vm1, $0x19, v2;
	vm0 =	vlt.f32 v5, v3;
	(pc) =	sbr.rel @p0 .LBB2_3-.Ltmp0, $4  }
0x12e: {  	v6 =	vsel vm2, $0x1A, v6;
	v3 =	vsel vm0, v5, v3  }
0x12f: {  	v5 =	vsel vm3, $0x1B, v6;
	vm1 =	vlt.f32 v4, v3  }
0x130: {  	s14 =	rddreg [dreg:$0x3];
	v5 =	vsel vm0, $0x1C, v5;
	v3 =	vsel vm1, v4, v3  }
0x131: {  	s21 =	smov.u32 s1;
	s1 =	sadd.s32 $0x20, s14;
	s2 =	sadd.s32 $0x20, s2;
	v2 =	vld [tilespmem:s3+$0x0];
	v4 =	vsel vm1, $0x1D, v5;
	vm0 =	vlt.f32 v1, v3  }
0x132: {  	s3 =	sld [smem:$0x7FA]  }
0x133: {  	s5 =	sld [smem:$0x7F2];
	_ =	sdelay $0x2  }
0x134: {  	s1 =	sor.u32 s3, s5  }
0x135: {  	p1 =	sne.s32 s5, $0x0;
	p0 =	seq.s32 s1, $0x0  }
0x136: {  	s2 =	sld [smem:$0x7FB];
	p0 =	por !p1, !p0  }
0x137: {  	s1 =	simm.s32 $0x1;
	p0 =	por !p0, !p0  }
0x138: {  	s1 =	simm.s32 @!p0 $0x0  }
0x139: {  	s1 =	ssub.s32 s2, s1  }
0x13a: {  	s23 =	sld [smem:$0x7F3];
	s2 =	sshll.u32 s1, $0xD;
	s1 =	sshll.u32 s1, $0x7  }
0x13b: {  	s2 =	sand.u32 $0xFFFF0000, s2;
	s1 =	sand.u32 $0x380, s1  }
0x13c: {  	v1 =	vsel vm0, v1, v3;
	s24 =	sld [smem:$0x7F6];
	s1 =	sor.u32 s2, s1  }
0x13d: {  	v3 =	vsel vm0, $0x1E, v4;
	s0 =	sor.u32 s25, s0;
	s25 =	simm.s32 $0x10000;
	vm0 =	vlt.f32 v2, v1;
	s1 =	sor.u32 s23, s1  }
0x13e: {  	s26 =	simm.s32 $0x80;
	s4 =	simm.s32 $0x400;
	v1 =	vsel vm0, $0x1F, v3;
	s1 =	sshrl.u32 s1, $0x3  }
0x13f: {  	s28 =	simm.s32 $0x3;
	[tilespmem:s0+$0x10000] =	vst v1;
	p0 =	seq.s32 s5, $0x3;
	s0 =	sadd.s32 s24, s1  }
0x140: {  	[hbm4b:s0+s26] =	stream.strided.scatter [tilespmem:s25], [sflag:$0x3], $0x400, s4, s26, $0x38;
	[tilespmem:$0x10400] =	vst v63  }
0x141: {  	s0 =	sshll.u32 @!p0 s5, $0x1;
	_ =	swait.ge [sflag:s28], $0x400  }
0x142: {  	s0 =	sadd.s32 @!p0 $0x2, s0;
	s2 =	sld [smem:$0x7F8]  }
0x143: {  	s1 =	sadd.s32 @!p0 s3, s0;
	s0 =	sshll.u32 @!p0 s0, $0xA;
	[sflag:s28] =	ssyncset.done $0x0  }
0x144: {  	s3 =	simm.s32 @!p0 $0x0;
	s1 =	sshll.u32 @!p0 s1, $0xC;
	s0 =	sand.u32 @!p0 $0x1800, s0  }
0x145: {  	[sflag:s28] =	ssyncadd.s32 $0xFFFFFC00;
	s1 =	sand.u32 @!p0 $0x1F8000, s1;
	s0 =	sadd.s32 @!p0 s0, s2  }
0x146: {  	s2 =	simm.s32 @!p0 $0x10000;
	s0 =	sadd.s32 @!p0 s1, s0;
	s1 =	simm.s32 @!p0 $0x2000  }
0x147: {  	[tilespmem:s3], [sflag:$0x1] =	stream.strided.gather @!p0 [hbm4b:s0+s1], $0x8000, s2, s1, $0x38;
	[tilespmem:$0x10400] =	vst v63  }
0x148: {  	s29 =	simm.s32 $0x2;
	s0 =	simm.s32 $0x0  }
0x149: {  	_ =	swait.ge [sflag:s29], $0x8000;
	s21 =	sand.u32 $0x1C00, s0  }
0x14a: {  	s4 =	sand.u32 $0x60, s0;
	[sflag:s29] =	ssyncset.done $0x0;
	s1 =	sor.u32 $0x8000, s21  }
0x14b: {  	[sflag:s29] =	ssyncadd.s32 $0xFFFF8000;
	s30 =	sor.u32 s4, s1  }
0x14c: {  	v1 =	vld [tilespmem:s30+$0x0]  }
0x14d: {  	v2 =	vld [tilespmem:s30+$0x80];
	_ =	sdelay $0x1  }
0x14e: {  	v3 =	vld [tilespmem:s30+$0x100];
	_ =	sdelay $0x1  }
0x14f: {  	v4 =	vld [tilespmem:s30+$0x180]  }
0x150: {  	vm3 =	vlt.f32 v2, v1  }
0x151: {  	v1 =	vsel vm3, v2, v1;
	v2 =	vld [tilespmem:s30+$0x200]  }
0x152: {  	vm4 =	vlt.f32 v3, v1  }
0x153: {  	v1 =	vsel vm4, v3, v1;
	v3 =	vld [tilespmem:s30+$0x280]  }
0x154: {  	vm0 =	vlt.f32 v4, v1  }
0x155: {  	v1 =	vsel vm0, v4, v1;
	v4 =	vld [tilespmem:s30+$0x300]  }
0x156: {  	vm1 =	vlt.f32 v2, v1  }
0x157: {  	s31 =	sor.u32 $0xA000, s21;
	v1 =	vsel vm1, v2, v1;
	v2 =	vld [tilespmem:s30+$0x380]  }
0x158: {  	s24 =	sor.u32 s4, s31;
	vm2 =	vlt.f32 v3, v1  }
0x159: {  	s3 =	sor.u32 $0xA080, s21;
	v1 =	vsel vm2, v3, v1;
	v3 =	vld [tilespmem:s24+$0x0]  }
0x15a: {  	s6 =	sor.u32 s4, s3;
	vm5 =	vlt.f32 v4, v1  }
0x15b: {  	s5 =	sor.u32 $0xA100, s21;
	v1 =	vsel vm5, v4, v1;
	v4 =	vld [tilespmem:s6+$0x0]  }
0x15c: {  	s7 =	sor.u32 s4, s5;
	vm6 =	vlt.f32 v2, v1  }
0x15d: {  	s6 =	sor.u32 $0xA180, s21;
	v1 =	vsel vm6, v2, v1;
	v2 =	vld [tilespmem:s7+$0x0]  }
0x15e: {  	s8 =	sor.u32 s4, s6;
	vm7 =	vlt.f32 v3, v1  }
0x15f: {  	s7 =	sor.u32 $0xA200, s21;
	v1 =	vsel vm7, v3, v1;
	v3 =	vld [tilespmem:s8+$0x0]  }
0x160: {  	s9 =	sor.u32 s4, s7;
	vm8 =	vlt.f32 v4, v1  }
0x161: {  	s8 =	sor.u32 $0xA280, s21;
	v1 =	vsel vm8, v4, v1;
	v4 =	vld [tilespmem:s9+$0x0]  }
0x162: {  	s10 =	sor.u32 s4, s8;
	vm9 =	vlt.f32 v2, v1  }
0x163: {  	s9 =	sor.u32 $0xA300, s21;
	v1 =	vsel vm9, v2, v1;
	v2 =	vld [tilespmem:s10+$0x0]  }
0x164: {  	s11 =	sor.u32 s4, s9;
	vm10 =	vlt.f32 v3, v1  }
0x165: {  	s10 =	sor.u32 $0xA380, s21;
	v1 =	vsel vm10, v3, v1;
	v3 =	vld [tilespmem:s11+$0x0]  }
0x166: {  	s12 =	sor.u32 s4, s10;
	vm11 =	vlt.f32 v4, v1  }
0x167: {  	s11 =	sor.u32 $0xC000, s21;
	v1 =	vsel vm11, v4, v1;
	v4 =	vld [tilespmem:s12+$0x0]  }
0x168: {  	s13 =	sor.u32 s4, s11;
	vm12 =	vlt.f32 v2, v1  }
0x169: {  	s12 =	sor.u32 $0xC080, s21;
	v1 =	vsel vm12, v2, v1;
	v2 =	vld [tilespmem:s13+$0x0]  }
0x16a: {  	s14 =	sor.u32 s4, s12;
	vm13 =	vlt.f32 v3, v1  }
0x16b: {  	s13 =	sor.u32 $0xC100, s21;
	v1 =	vsel vm13, v3, v1;
	v3 =	vld [tilespmem:s14+$0x0]  }
0x16c: {  	s25 =	sor.u32 s4, s13;
	vm14 =	vlt.f32 v4, v1  }
0x16d: {  	s15 =	sor.u32 $0xC180, s21;
	v1 =	vsel vm14, v4, v1;
	v4 =	vld [tilespmem:s25+$0x0]  }
0x16e: {  	s16 =	sor.u32 s4, s15;
	vm15 =	vlt.f32 v2, v1  }
0x16f: {  	v5 =	vsel vm3, $0x1, v0;
	s14 =	sor.u32 $0xC200, s21;
	v1 =	vsel vm15, v2, v1;
	v2 =	vld [tilespmem:s16+$0x0]  }
0x170: {  	v5 =	vsel vm4, $0x2, v5;
	s17 =	sor.u32 s4, s14;
	vm3 =	vlt.f32 v3, v1  }
0x171: {  	v5 =	vsel vm0, $0x3, v5;
	s16 =	sor.u32 $0xC280, s21;
	v1 =	vsel vm3, v3, v1;
	v3 =	vld [tilespmem:s17+$0x0]  }
0x172: {  	v5 =	vsel vm1, $0x4, v5;
	s18 =	sor.u32 s4, s16;
	vm0 =	vlt.f32 v4, v1  }
0x173: {  	v5 =	vsel vm2, $0x5, v5;
	s17 =	sor.u32 $0xC300, s21;
	v1 =	vsel vm0, v4, v1;
	v4 =	vld [tilespmem:s18+$0x0]  }
0x174: {  	v5 =	vsel vm5, $0x6, v5;
	s19 =	sor.u32 s4, s17;
	vm1 =	vlt.f32 v2, v1  }
0x175: {  	v5 =	vsel vm6, $0x7, v5;
	s18 =	sor.u32 $0xC380, s21;
	v1 =	vsel vm1, v2, v1;
	v2 =	vld [tilespmem:s19+$0x0]  }
0x176: {  	v5 =	vsel vm7, $0x8, v5;
	s20 =	sor.u32 s4, s18;
	vm2 =	vlt.f32 v3, v1  }
0x177: {  	v5 =	vsel vm8, $0x9, v5;
	s19 =	sor.u32 $0xE000, s21;
	v1 =	vsel vm2, v3, v1;
	v3 =	vld [tilespmem:s20+$0x0]  }
0x178: {  	v5 =	vsel vm9, $0xA, v5;
	s22 =	sor.u32 s4, s19;
	vm4 =	vlt.f32 v4, v1  }
0x179: {  	v5 =	vsel vm10, $0xB, v5;
	s20 =	sor.u32 $0xE080, s21;
	v1 =	vsel vm4, v4, v1;
	v4 =	vld [tilespmem:s22+$0x0]  }
0x17a: {  	v5 =	vsel vm11, $0xC, v5;
	s23 =	sor.u32 s4, s20;
	vm11 =	vlt.f32 v2, v1  }
0x17b: {  	v5 =	vsel vm12, $0xD, v5;
	s22 =	sor.u32 $0xE100, s21;
	v1 =	vsel vm11, v2, v1;
	v2 =	vld [tilespmem:s23+$0x0]  }
0x17c: {  	v5 =	vsel vm13, $0xE, v5;
	s24 =	sor.u32 s4, s22;
	vm13 =	vlt.f32 v3, v1  }
0x17d: {  	v5 =	vsel vm14, $0xF, v5;
	s23 =	sor.u32 $0xE180, s21;
	v1 =	vsel vm13, v3, v1;
	v3 =	vld [tilespmem:s24+$0x0]  }
0x17e: {  	v5 =	vsel vm15, $0x10, v5;
	s26 =	sor.u32 s4, s23;
	vm9 =	vlt.f32 v4, v1  }
0x17f: {  	v5 =	vsel vm3, $0x11, v5;
	s24 =	sor.u32 $0xE200, s21;
	v1 =	vsel vm9, v4, v1;
	v4 =	vld [tilespmem:s26+$0x0]  }
0x180: {  	v5 =	vsel vm0, $0x12, v5;
	s28 =	sor.u32 s4, s24;
	vm0 =	vlt.f32 v2, v1  }
0x181: {  	s25 =	sor.u32 $0xE280, s21;
	v5 =	vsel vm1, $0x13, v5;
	v6 =	vld [tilespmem:s28+$0x0];
	v1 =	vsel vm0, v2, v1  }
0x182: {  	s26 =	sor.u32 s4, s25;
	v2 =	vsel vm2, $0x14, v5;
	vm1 =	vlt.f32 v3, v1  }
0x183: {  	v5 =	vld [tilespmem:s26+$0x0];
	s26 =	sor.u32 $0xE300, s21;
	v2 =	vsel vm4, $0x15, v2;
	v1 =	vsel vm1, v3, v1  }
0x184: {  	s28 =	sor.u32 s4, s26;
	v2 =	vsel vm11, $0x16, v2;
	vm2 =	vlt.f32 v4, v1  }
0x185: {  	s21 =	sor.u32 $0xE380, s21;
	v3 =	vld [tilespmem:s28+$0x0];
	v2 =	vsel vm13, $0x17, v2;
	v1 =	vsel vm2, v4, v1  }
0x186: {  	s29 =	sor.u32 s4, s21;
	v2 =	vsel vm9, $0x18, v2;
	vm3 =	vlt.f32 v6, v1  }
0x187: {  	v4 =	vld [tilespmem:s29+$0x0];
	v2 =	vsel vm0, $0x19, v2;
	v1 =	vsel vm3, v6, v1  }
0x188: {  	v2 =	vsel vm1, $0x1A, v2;
	vm0 =	vlt.f32 v5, v1  }
0x189: {  	v2 =	vsel vm2, $0x1B, v2;
	v1 =	vsel vm0, v5, v1  }
0x18a: {  	v2 =	vsel vm3, $0x1C, v2;
	vm1 =	vlt.f32 v3, v1  }
0x18b: {  	v2 =	vsel vm0, $0x1D, v2;
	v1 =	vsel vm1, v3, v1  }
0x18c: {  	v2 =	vsel vm1, $0x1E, v2;
	vm0 =	vlt.f32 v4, v1  }
0x18d: {  	s30 =	simm.s32 $0x10000;
	s4 =	sor.u32 $0x10, s4;
	v1 =	vsel vm0, $0x1F, v2  }
0x18e: {  	s1 =	sor.u32 s4, s1;
	[tilespmem:s30+$0x0] =	vst v1  }
0x18f: {  	v1 =	vld [tilespmem:s1+$0x0]  }
0x190: {  	v2 =	vld [tilespmem:s1+$0x80];
	_ =	sdelay $0x1  }
0x191: {  	v3 =	vld [tilespmem:s1+$0x100];
	_ =	sdelay $0x1  }
0x192: {  	v4 =	vld [tilespmem:s1+$0x180]  }
0x193: {  	vm0 =	vlt.f32 v2, v1  }
0x194: {  	v5 =	vld [tilespmem:s1+$0x200];
	v1 =	vsel vm0, v2, v1  }
0x195: {  	vm1 =	vlt.f32 v3, v1  }
0x196: {  	v2 =	vld [tilespmem:s1+$0x280];
	v1 =	vsel vm1, v3, v1  }
0x197: {  	vm2 =	vlt.f32 v4, v1  }
0x198: {  	v3 =	vld [tilespmem:s1+$0x300];
	v1 =	vsel vm2, v4, v1  }
0x199: {  	vm3 =	vlt.f32 v5, v1  }
0x19a: {  	v4 =	vld [tilespmem:s1+$0x380];
	v1 =	vsel vm3, v5, v1  }
0x19b: {  	s31 =	sor.u32 s4, s31;
	vm4 =	vlt.f32 v2, v1  }
0x19c: {  	v5 =	vld [tilespmem:s31+$0x0];
	v1 =	vsel vm4, v2, v1  }
0x19d: {  	s2 =	sor.u32 s4, s3;
	vm5 =	vlt.f32 v3, v1  }
0x19e: {  	v2 =	vld [tilespmem:s2+$0x0];
	v1 =	vsel vm5, v3, v1  }
0x19f: {  	s3 =	sor.u32 s4, s5;
	vm6 =	vlt.f32 v4, v1  }
0x1a0: {  	v3 =	vld [tilespmem:s3+$0x0];
	v1 =	vsel vm6, v4, v1  }
0x1a1: {  	s5 =	sor.u32 s4, s6;
	vm7 =	vlt.f32 v5, v1  }
0x1a2: {  	v4 =	vld [tilespmem:s5+$0x0];
	v1 =	vsel vm7, v5, v1  }
0x1a3: {  	s6 =	sor.u32 s4, s7;
	vm8 =	vlt.f32 v2, v1  }
0x1a4: {  	v5 =	vld [tilespmem:s6+$0x0];
	v1 =	vsel vm8, v2, v1  }
0x1a5: {  	s7 =	sor.u32 s4, s8;
	vm9 =	vlt.f32 v3, v1  }
0x1a6: {  	v2 =	vld [tilespmem:s7+$0x0];
	v1 =	vsel vm9, v3, v1  }
0x1a7: {  	s8 =	sor.u32 s4, s9;
	vm10 =	vlt.f32 v4, v1  }
0x1a8: {  	v3 =	vld [tilespmem:s8+$0x0];
	v1 =	vsel vm10, v4, v1  }
0x1a9: {  	s9 =	sor.u32 s4, s10;
	vm11 =	vlt.f32 v5, v1  }
0x1aa: {  	v4 =	vld [tilespmem:s9+$0x0];
	v1 =	vsel vm11, v5, v1  }
0x1ab: {  	s10 =	sor.u32 s4, s11;
	vm12 =	vlt.f32 v2, v1  }
0x1ac: {  	v5 =	vld [tilespmem:s10+$0x0];
	v1 =	vsel vm12, v2, v1  }
0x1ad: {  	s11 =	sor.u32 s4, s12;
	vm13 =	vlt.f32 v3, v1  }
0x1ae: {  	v2 =	vld [tilespmem:s11+$0x0];
	v1 =	vsel vm13, v3, v1  }
0x1af: {  	vm14 =	vlt.f32 v4, v1  }
0x1b0: {  	s12 =	sor.u32 s4, s13;
	v1 =	vsel vm14, v4, v1;
	v4 =	vsel vm0, $0x1, v0  }
0x1b1: {  	v3 =	vld [tilespmem:s12+$0x0];
	vm0 =	vlt.f32 v5, v1;
	v4 =	vsel vm1, $0x2, v4  }
0x1b2: {  	s13 =	sor.u32 s4, s15;
	v1 =	vsel vm0, v5, v1;
	v4 =	vsel vm2, $0x3, v4  }
0x1b3: {  	v6 =	vld [tilespmem:s13+$0x0];
	vm1 =	vlt.f32 v2, v1;
	v4 =	vsel vm3, $0x4, v4  }
0x1b4: {  	s15 =	sor.u32 s4, s14;
	v1 =	vsel vm1, v2, v1;
	v2 =	vsel vm4, $0x5, v4  }
0x1b5: {  	v5 =	vld [tilespmem:s15+$0x0];
	v2 =	vsel vm5, $0x6, v2  }
0x1b6: {  	s16 =	sor.u32 s4, s16;
	vm2 =	vlt.f32 v3, v1;
	v2 =	vsel vm6, $0x7, v2  }
0x1b7: {  	v4 =	vld [tilespmem:s16+$0x0];
	v1 =	vsel vm2, v3, v1;
	v2 =	vsel vm7, $0x8, v2  }
0x1b8: {  	s17 =	sor.u32 s4, s17;
	vm3 =	vlt.f32 v6, v1;
	v2 =	vsel vm8, $0x9, v2  }
0x1b9: {  	v3 =	vld [tilespmem:s17+$0x0];
	v1 =	vsel vm3, v6, v1;
	v2 =	vsel vm9, $0xA, v2  }
0x1ba: {  	s18 =	sor.u32 s4, s18;
	vm4 =	vlt.f32 v5, v1;
	v2 =	vsel vm10, $0xB, v2  }
0x1bb: {  	v6 =	vld [tilespmem:s18+$0x0];
	v1 =	vsel vm4, v5, v1;
	v2 =	vsel vm11, $0xC, v2  }
0x1bc: {  	s19 =	sor.u32 s4, s19;
	vm10 =	vlt.f32 v4, v1;
	v2 =	vsel vm12, $0xD, v2  }
0x1bd: {  	v5 =	vld [tilespmem:s19+$0x0];
	v1 =	vsel vm10, v4, v1;
	v2 =	vsel vm13, $0xE, v2  }
0x1be: {  	s20 =	sor.u32 s4, s20;
	vm12 =	vlt.f32 v3, v1;
	v2 =	vsel vm14, $0xF, v2  }
0x1bf: {  	v4 =	vld [tilespmem:s20+$0x0];
	v1 =	vsel vm12, v3, v1;
	v2 =	vsel vm0, $0x10, v2  }
0x1c0: {  	s22 =	sor.u32 s4, s22;
	vm15 =	vlt.f32 v6, v1;
	v2 =	vsel vm1, $0x11, v2  }
0x1c1: {  	v3 =	vld [tilespmem:s22+$0x0];
	v1 =	vsel vm15, v6, v1;
	v2 =	vsel vm2, $0x12, v2  }
0x1c2: {  	s23 =	sor.u32 s4, s23;
	vm0 =	vlt.f32 v5, v1;
	v2 =	vsel vm3, $0x13, v2  }
0x1c3: {  	v6 =	vld [tilespmem:s23+$0x0];
	v1 =	vsel vm0, v5, v1;
	v2 =	vsel vm4, $0x14, v2  }
0x1c4: {  	s28 =	sor.u32 s4, s24;
	vm1 =	vlt.f32 v4, v1;
	v2 =	vsel vm10, $0x15, v2  }
0x1c5: {  	v5 =	vld [tilespmem:s28+$0x0];
	v1 =	vsel vm1, v4, v1;
	v2 =	vsel vm12, $0x16, v2  }
0x1c6: {  	s29 =	sor.u32 s4, s25;
	vm2 =	vlt.f32 v3, v1;
	v2 =	vsel vm15, $0x17, v2  }
0x1c7: {  	v4 =	vld [tilespmem:s29+$0x0];
	v3 =	vsel vm2, v3, v1;
	v2 =	vsel vm0, $0x18, v2  }
0x1c8: {  	s30 =	sor.u32 s4, s26;
	vm3 =	vlt.f32 v6, v3;
	v2 =	vsel vm1, $0x19, v2  }
0x1c9: {  	v1 =	vld [tilespmem:s30+$0x0];
	v3 =	vsel vm3, v6, v3;
	v2 =	vsel vm2, $0x1A, v2  }
0x1ca: {  	s31 =	sor.u32 s4, s21;
	vm0 =	vlt.f32 v5, v3;
	v2 =	vsel vm3, $0x1B, v2  }
0x1cb: {  	v3 =	vsel vm0, v5, v3;
	v5 =	vsel vm0, $0x1C, v2;
	v2 =	vld [tilespmem:s31+$0x0]  }
0x1cc: {  	vm1 =	vlt.f32 v4, v3  }
0x1cd: {  	s0 =	sand.u32 $0x380, s0;
	s24 =	simm.s32 $0x10020;
	s25 =	simm.s32 $0x2;
	v3 =	vsel vm1, v4, v3  }
0x1ce: {  	s26 =	simm.s32 $0x100;
	s2 =	sor.u32 s4, s0;
	s23 =	simm.s32 $0x20;
	v4 =	vsel vm1, $0x1D, v5;
	vm0 =	vlt.f32 v1, v3  }
.LBB2_5:
0x1cf: {  	s25 =	sadd.s32 $0x2, s25;
	s18 =	sand.u32 $0x60, s23;
	s21 =	sand.u32 $0x1C00, s26;
	v1 =	vsel vm0, v1, v3;
	v3 =	vsel vm0, $0x1E, v4  }
0x1d0: {  	s22 =	sor.u32 $0x8000, s21;
	s4 =	sor.u32 $0xA000, s21;
	s5 =	sor.u32 $0xA080, s21;
	vm0 =	vlt.f32 v2, v1  }
0x1d1: {  	s19 =	sor.u32 $0xA100, s21;
	s15 =	sor.u32 $0xA180, s21;
	s28 =	sor.u32 s18, s22;
	v1 =	vsel vm0, $0x1F, v3  }
0x1d2: {  	s13 =	sor.u32 $0xA200, s21;
	s17 =	sor.u32 $0xA280, s21;
	s16 =	sor.u32 $0xA300, s21;
	[tilespmem:s2+$0x10000] =	vst v1  }
0x1d3: {  	s10 =	sor.u32 $0xA380, s21;
	s9 =	sor.u32 $0xC000, s21;
	s7 =	sor.u32 $0xC080, s21;
	v1 =	vld [tilespmem:s28+$0x0]  }
0x1d4: {  	s6 =	sor.u32 $0xC100, s21;
	s12 =	sor.u32 $0xC180, s21;
	s14 =	sor.u32 $0xC200, s21;
	v2 =	vld [tilespmem:s28+$0x80]  }
0x1d5: {  	s1 =	sor.u32 $0xC280, s21;
	s20 =	sor.u32 $0xC300, s21;
	s11 =	sor.u32 $0xC380, s21  }
0x1d6: {  	s8 =	sor.u32 $0xE000, s21;
	s3 =	sor.u32 $0xE080, s21;
	s2 =	sor.u32 $0xE100, s21;
	v3 =	vld [tilespmem:s28+$0x100]  }
0x1d7: {  	s0 =	sor.u32 $0xE180, s21;
	s31 =	sor.u32 $0xE200, s21;
	s30 =	sor.u32 $0xE280, s21  }
0x1d8: {  	p0 =	slt.u32 s25, $0x3E;
	s29 =	sor.u32 $0xE300, s21;
	s21 =	sor.u32 $0xE380, s21;
	v4 =	vld [tilespmem:s28+$0x180]  }
0x1d9: {  	vm0 =	vlt.f32 v2, v1  }
0x1da: {  	v1 =	vsel vm0, v2, v1;
	v2 =	vld [tilespmem:s28+$0x200]  }
0x1db: {  	vm1 =	vlt.f32 v3, v1  }
0x1dc: {  	v1 =	vsel vm1, v3, v1;
	v3 =	vld [tilespmem:s28+$0x280]  }
0x1dd: {  	vm2 =	vlt.f32 v4, v1  }
0x1de: {  	v1 =	vsel vm2, v4, v1;
	v4 =	vld [tilespmem:s28+$0x300]  }
0x1df: {  	vm3 =	vlt.f32 v2, v1  }
0x1e0: {  	v1 =	vsel vm3, v2, v1;
	v2 =	vld [tilespmem:s28+$0x380]  }
0x1e1: {  	s28 =	sor.u32 s18, s4;
	vm4 =	vlt.f32 v3, v1  }
0x1e2: {  	v1 =	vsel vm4, v3, v1;
	v3 =	vld [tilespmem:s28+$0x0]  }
0x1e3: {  	s28 =	sor.u32 s18, s5;
	vm5 =	vlt.f32 v4, v1  }
0x1e4: {  	v1 =	vsel vm5, v4, v1;
	v4 =	vld [tilespmem:s28+$0x0]  }
0x1e5: {  	s28 =	sor.u32 s18, s19;
	vm6 =	vlt.f32 v2, v1  }
0x1e6: {  	v1 =	vsel vm6, v2, v1;
	v2 =	vld [tilespmem:s28+$0x0]  }
0x1e7: {  	s28 =	sor.u32 s18, s15;
	vm7 =	vlt.f32 v3, v1  }
0x1e8: {  	v1 =	vsel vm7, v3, v1;
	v3 =	vld [tilespmem:s28+$0x0]  }
0x1e9: {  	s28 =	sor.u32 s18, s13;
	vm8 =	vlt.f32 v4, v1  }
0x1ea: {  	v1 =	vsel vm8, v4, v1;
	v4 =	vld [tilespmem:s28+$0x0]  }
0x1eb: {  	s28 =	sor.u32 s18, s17;
	vm9 =	vlt.f32 v2, v1  }
0x1ec: {  	v1 =	vsel vm9, v2, v1;
	v2 =	vld [tilespmem:s28+$0x0]  }
0x1ed: {  	s28 =	sor.u32 s18, s16;
	vm10 =	vlt.f32 v3, v1  }
0x1ee: {  	v1 =	vsel vm10, v3, v1;
	v3 =	vld [tilespmem:s28+$0x0]  }
0x1ef: {  	s28 =	sor.u32 s18, s10;
	vm11 =	vlt.f32 v4, v1  }
0x1f0: {  	v1 =	vsel vm11, v4, v1;
	v4 =	vld [tilespmem:s28+$0x0]  }
0x1f1: {  	s28 =	sor.u32 s18, s9;
	vm12 =	vlt.f32 v2, v1  }
0x1f2: {  	v1 =	vsel vm12, v2, v1;
	v2 =	vld [tilespmem:s28+$0x0]  }
0x1f3: {  	s28 =	sor.u32 s18, s7;
	vm13 =	vlt.f32 v3, v1  }
0x1f4: {  	v1 =	vsel vm13, v3, v1;
	v3 =	vld [tilespmem:s28+$0x0]  }
0x1f5: {  	s28 =	sor.u32 s18, s6;
	vm14 =	vlt.f32 v4, v1  }
0x1f6: {  	v1 =	vsel vm14, v4, v1;
	v4 =	vld [tilespmem:s28+$0x0]  }
0x1f7: {  	s28 =	sor.u32 s18, s12;
	vm15 =	vlt.f32 v2, v1  }
0x1f8: {  	v5 =	vsel vm0, $0x1, v0;
	v1 =	vsel vm15, v2, v1;
	v2 =	vld [tilespmem:s28+$0x0]  }
0x1f9: {  	v5 =	vsel vm1, $0x2, v5;
	s28 =	sor.u32 s18, s14;
	vm0 =	vlt.f32 v3, v1  }
0x1fa: {  	v5 =	vsel vm2, $0x3, v5;
	v1 =	vsel vm0, v3, v1;
	v3 =	vld [tilespmem:s28+$0x0]  }
0x1fb: {  	v5 =	vsel vm3, $0x4, v5;
	s28 =	sor.u32 s18, s1;
	vm1 =	vlt.f32 v4, v1  }
0x1fc: {  	v5 =	vsel vm4, $0x5, v5;
	v1 =	vsel vm1, v4, v1;
	v4 =	vld [tilespmem:s28+$0x0]  }
0x1fd: {  	v5 =	vsel vm5, $0x6, v5;
	s28 =	sor.u32 s18, s20;
	vm2 =	vlt.f32 v2, v1  }
0x1fe: {  	v5 =	vsel vm6, $0x7, v5;
	v1 =	vsel vm2, v2, v1;
	v2 =	vld [tilespmem:s28+$0x0]  }
0x1ff: {  	v5 =	vsel vm7, $0x8, v5;
	s28 =	sor.u32 s18, s11;
	vm3 =	vlt.f32 v3, v1  }
0x200: {  	v5 =	vsel vm8, $0x9, v5;
	v1 =	vsel vm3, v3, v1;
	v3 =	vld [tilespmem:s28+$0x0]  }
0x201: {  	v5 =	vsel vm9, $0xA, v5;
	s28 =	sor.u32 s18, s8;
	vm4 =	vlt.f32 v4, v1  }
0x202: {  	v5 =	vsel vm10, $0xB, v5;
	v1 =	vsel vm4, v4, v1;
	v4 =	vld [tilespmem:s28+$0x0]  }
0x203: {  	v5 =	vsel vm11, $0xC, v5;
	s28 =	sor.u32 s18, s3;
	vm5 =	vlt.f32 v2, v1  }
0x204: {  	v5 =	vsel vm12, $0xD, v5;
	v1 =	vsel vm5, v2, v1;
	v2 =	vld [tilespmem:s28+$0x0]  }
0x205: {  	v5 =	vsel vm13, $0xE, v5;
	s28 =	sor.u32 s18, s2;
	vm6 =	vlt.f32 v3, v1  }
0x206: {  	v5 =	vsel vm14, $0xF, v5;
	v1 =	vsel vm6, v3, v1;
	v3 =	vld [tilespmem:s28+$0x0]  }
0x207: {  	v5 =	vsel vm15, $0x10, v5;
	s28 =	sor.u32 s18, s0;
	vm7 =	vlt.f32 v4, v1  }
0x208: {  	v5 =	vsel vm0, $0x11, v5;
	v1 =	vsel vm7, v4, v1;
	v4 =	vld [tilespmem:s28+$0x0]  }
0x209: {  	v5 =	vsel vm1, $0x12, v5;
	s28 =	sor.u32 s18, s31;
	vm0 =	vlt.f32 v2, v1  }
0x20a: {  	v5 =	vsel vm2, $0x13, v5;
	v1 =	vsel vm0, v2, v1;
	v2 =	vld [tilespmem:s28+$0x0]  }
0x20b: {  	v5 =	vsel vm3, $0x14, v5;
	s28 =	sor.u32 s18, s30;
	vm1 =	vlt.f32 v3, v1  }
0x20c: {  	v5 =	vsel vm4, $0x15, v5;
	v1 =	vsel vm1, v3, v1;
	v3 =	vld [tilespmem:s28+$0x0]  }
0x20d: {  	v5 =	vsel vm5, $0x16, v5;
	s28 =	sor.u32 s18, s29;
	vm2 =	vlt.f32 v4, v1  }
0x20e: {  	v5 =	vsel vm6, $0x17, v5;
	v1 =	vsel vm2, v4, v1;
	v4 =	vld [tilespmem:s28+$0x0]  }
0x20f: {  	v5 =	vsel vm7, $0x18, v5;
	s28 =	sor.u32 s18, s21;
	vm3 =	vlt.f32 v2, v1  }
0x210: {  	v5 =	vsel vm0, $0x19, v5;
	v1 =	vsel vm3, v2, v1;
	v2 =	vld [tilespmem:s28+$0x0]  }
0x211: {  	v5 =	vsel vm1, $0x1A, v5;
	vm0 =	vlt.f32 v3, v1  }
0x212: {  	v5 =	vsel vm2, $0x1B, v5;
	v1 =	vsel vm0, v3, v1  }
0x213: {  	v3 =	vsel vm3, $0x1C, v5;
	vm1 =	vlt.f32 v4, v1  }
0x214: {  	v3 =	vsel vm0, $0x1D, v3;
	v1 =	vsel vm1, v4, v1  }
0x215: {  	v3 =	vsel vm1, $0x1E, v3;
	vm0 =	vlt.f32 v2, v1  }
0x216: {  	s18 =	sor.u32 $0x10, s18;
	v1 =	vsel vm0, $0x1F, v3  }
0x217: {  	s22 =	sor.u32 s18, s22;
	[tilespmem:s24+$0x0] =	vst v1  }
0x218: {  	v1 =	vld [tilespmem:s22+$0x0]  }
0x219: {  	v2 =	vld [tilespmem:s22+$0x80];
	_ =	sdelay $0x1  }
0x21a: {  	v3 =	vld [tilespmem:s22+$0x100]  }
0x21b: {  	v4 =	vld [tilespmem:s22+$0x180];
	_ =	sdelay $0x1  }
0x21c: {  	vm0 =	vlt.f32 v2, v1;
	v5 =	vld [tilespmem:s22+$0x200]  }
0x21d: {  	v1 =	vsel vm0, v2, v1  }
0x21e: {  	vm1 =	vlt.f32 v3, v1;
	v2 =	vld [tilespmem:s22+$0x280]  }
0x21f: {  	v1 =	vsel vm1, v3, v1  }
0x220: {  	vm2 =	vlt.f32 v4, v1;
	v3 =	vld [tilespmem:s22+$0x300]  }
0x221: {  	v1 =	vsel vm2, v4, v1  }
0x222: {  	vm3 =	vlt.f32 v5, v1;
	v4 =	vld [tilespmem:s22+$0x380]  }
0x223: {  	s4 =	sor.u32 s18, s4;
	v1 =	vsel vm3, v5, v1  }
0x224: {  	vm4 =	vlt.f32 v2, v1;
	v5 =	vld [tilespmem:s4+$0x0]  }
0x225: {  	s4 =	sor.u32 s18, s5;
	v1 =	vsel vm4, v2, v1  }
0x226: {  	vm5 =	vlt.f32 v3, v1;
	v2 =	vld [tilespmem:s4+$0x0]  }
0x227: {  	s4 =	sor.u32 s18, s19;
	v1 =	vsel vm5, v3, v1  }
0x228: {  	vm6 =	vlt.f32 v4, v1;
	v3 =	vld [tilespmem:s4+$0x0]  }
0x229: {  	s4 =	sor.u32 s18, s15;
	v1 =	vsel vm6, v4, v1  }
0x22a: {  	vm7 =	vlt.f32 v5, v1;
	v4 =	vld [tilespmem:s4+$0x0]  }
0x22b: {  	s4 =	sor.u32 s18, s13;
	v1 =	vsel vm7, v5, v1  }
0x22c: {  	vm8 =	vlt.f32 v2, v1;
	v5 =	vld [tilespmem:s4+$0x0]  }
0x22d: {  	s4 =	sor.u32 s18, s17;
	v1 =	vsel vm8, v2, v1  }
0x22e: {  	vm9 =	vlt.f32 v3, v1;
	v2 =	vld [tilespmem:s4+$0x0]  }
0x22f: {  	s4 =	sor.u32 s18, s16;
	v1 =	vsel vm9, v3, v1  }
0x230: {  	vm10 =	vlt.f32 v4, v1;
	v3 =	vld [tilespmem:s4+$0x0]  }
0x231: {  	s4 =	sor.u32 s18, s10;
	v1 =	vsel vm10, v4, v1  }
0x232: {  	vm11 =	vlt.f32 v5, v1;
	v4 =	vld [tilespmem:s4+$0x0]  }
0x233: {  	s4 =	sor.u32 s18, s9;
	v1 =	vsel vm11, v5, v1  }
0x234: {  	vm12 =	vlt.f32 v2, v1;
	v5 =	vld [tilespmem:s4+$0x0]  }
0x235: {  	s4 =	sor.u32 s18, s7;
	v1 =	vsel vm12, v2, v1  }
0x236: {  	vm13 =	vlt.f32 v3, v1;
	v2 =	vld [tilespmem:s4+$0x0]  }
0x237: {  	s4 =	sor.u32 s18, s6;
	v1 =	vsel vm13, v3, v1  }
0x238: {  	vm14 =	vlt.f32 v4, v1;
	v3 =	vld [tilespmem:s4+$0x0]  }
0x239: {  	s4 =	sor.u32 s18, s12;
	v1 =	vsel vm14, v4, v1  }
0x23a: {  	v4 =	vsel vm0, $0x1, v0;
	vm0 =	vlt.f32 v5, v1;
	v6 =	vld [tilespmem:s4+$0x0]  }
0x23b: {  	v4 =	vsel vm1, $0x2, v4;
	s4 =	sor.u32 s18, s14;
	v1 =	vsel vm0, v5, v1  }
0x23c: {  	v4 =	vsel vm2, $0x3, v4;
	vm1 =	vlt.f32 v2, v1;
	v5 =	vld [tilespmem:s4+$0x0]  }
0x23d: {  	s1 =	sor.u32 s18, s1;
	v4 =	vsel vm3, $0x4, v4;
	v1 =	vsel vm1, v2, v1  }
0x23e: {  	v2 =	vsel vm4, $0x5, v4;
	vm2 =	vlt.f32 v3, v1;
	v4 =	vld [tilespmem:s1+$0x0]  }
0x23f: {  	v2 =	vsel vm5, $0x6, v2;
	s1 =	sor.u32 s18, s20;
	v1 =	vsel vm2, v3, v1  }
0x240: {  	v2 =	vsel vm6, $0x7, v2;
	vm3 =	vlt.f32 v6, v1;
	v3 =	vld [tilespmem:s1+$0x0]  }
0x241: {  	v2 =	vsel vm7, $0x8, v2;
	s1 =	sor.u32 s18, s11;
	v1 =	vsel vm3, v6, v1  }
0x242: {  	v2 =	vsel vm8, $0x9, v2;
	vm4 =	vlt.f32 v5, v1;
	v6 =	vld [tilespmem:s1+$0x0]  }
0x243: {  	v2 =	vsel vm9, $0xA, v2;
	s1 =	sor.u32 s18, s8;
	v1 =	vsel vm4, v5, v1  }
0x244: {  	v2 =	vsel vm10, $0xB, v2;
	vm5 =	vlt.f32 v4, v1;
	v5 =	vld [tilespmem:s1+$0x0]  }
0x245: {  	v2 =	vsel vm11, $0xC, v2;
	s1 =	sor.u32 s18, s3;
	v1 =	vsel vm5, v4, v1  }
0x246: {  	v2 =	vsel vm12, $0xD, v2;
	vm6 =	vlt.f32 v3, v1;
	v4 =	vld [tilespmem:s1+$0x0]  }
0x247: {  	v2 =	vsel vm13, $0xE, v2;
	s1 =	sor.u32 s18, s2;
	v1 =	vsel vm6, v3, v1  }
0x248: {  	v2 =	vsel vm14, $0xF, v2;
	vm7 =	vlt.f32 v6, v1;
	v3 =	vld [tilespmem:s1+$0x0]  }
0x249: {  	s0 =	sor.u32 s18, s0;
	v2 =	vsel vm0, $0x10, v2;
	v1 =	vsel vm7, v6, v1  }
0x24a: {  	v2 =	vsel vm1, $0x11, v2;
	vm0 =	vlt.f32 v5, v1;
	v6 =	vld [tilespmem:s0+$0x0]  }
0x24b: {  	v2 =	vsel vm2, $0x12, v2;
	s0 =	sor.u32 s18, s31;
	v1 =	vsel vm0, v5, v1  }
0x24c: {  	v2 =	vsel vm3, $0x13, v2;
	vm1 =	vlt.f32 v4, v1;
	v5 =	vld [tilespmem:s0+$0x0]  }
0x24d: {  	v2 =	vsel vm4, $0x14, v2;
	s0 =	sor.u32 s18, s30;
	v1 =	vsel vm1, v4, v1  }
0x24e: {  	v2 =	vsel vm5, $0x15, v2;
	vm2 =	vlt.f32 v3, v1;
	v4 =	vld [tilespmem:s0+$0x0]  }
0x24f: {  	v2 =	vsel vm6, $0x16, v2;
	s0 =	sor.u32 s18, s29;
	v3 =	vsel vm2, v3, v1  }
0x250: {  	v2 =	vsel vm7, $0x17, v2;
	vm3 =	vlt.f32 v6, v3;
	v1 =	vld [tilespmem:s0+$0x0]  }
0x251: {  	v2 =	vsel vm0, $0x18, v2;
	s0 =	sor.u32 s18, s21;
	v3 =	vsel vm3, v6, v3  }
.Ltmp1:
0x252: {  	v6 =	vsel vm1, $0x19, v2;
	vm0 =	vlt.f32 v5, v3;
	v2 =	vld [tilespmem:s0+$0x0];
	(pc) =	sbr.rel @p0 .LBB2_5-.Ltmp1, $4  }
0x253: {  	v6 =	vsel vm2, $0x1A, v6;
	v3 =	vsel vm0, v5, v3  }
0x254: {  	v5 =	vsel vm3, $0x1B, v6;
	vm1 =	vlt.f32 v4, v3  }
0x255: {  	s24 =	sadd.s32 $0x20, s24;
	s0 =	sand.u32 $0x380, s23;
	v5 =	vsel vm0, $0x1C, v5;
	v3 =	vsel vm1, v4, v3  }
0x256: {  	s26 =	sadd.s32 $0x100, s26;
	s23 =	sadd.s32 $0x20, s23;
	s2 =	sor.u32 s18, s0;
	v4 =	vsel vm1, $0x1D, v5;
	vm0 =	vlt.f32 v1, v3  }
0x257: {  	v1 =	vsel vm0, v1, v3  }
0x258: {  	s21 =	sand.u32 $0x1C00, s26;
	v3 =	vsel vm0, $0x1E, v4;
	vm8 =	vlt.f32 v2, v1  }
0x259: {  	s1 =	sand.u32 $0x60, s23;
	s0 =	sor.u32 $0x8000, s21;
	v1 =	vsel vm8, $0x1F, v3  }
0x25a: {  	s3 =	sor.u32 s1, s0;
	[tilespmem:s2+$0x10000] =	vst v1  }
0x25b: {  	v1 =	vld [tilespmem:s3+$0x0]  }
0x25c: {  	v2 =	vld [tilespmem:s3+$0x80];
	_ =	sdelay $0x1  }
0x25d: {  	v3 =	vld [tilespmem:s3+$0x100];
	_ =	sdelay $0x1  }
0x25e: {  	v32 =	vld [tilespmem:s3+$0x180]  }
0x25f: {  	vm3 =	vlt.f32 v2, v1  }
0x260: {  	v1 =	vsel vm3, v2, v1;
	v2 =	vld [tilespmem:s3+$0x200]  }
0x261: {  	vm4 =	vlt.f32 v3, v1  }
0x262: {  	v1 =	vsel vm4, v3, v1;
	v3 =	vld [tilespmem:s3+$0x280]  }
0x263: {  	vm0 =	vlt.f32 v32, v1  }
0x264: {  	v33 =	vld [tilespmem:s3+$0x300];
	v1 =	vsel vm0, v32, v1  }
0x265: {  	vm1 =	vlt.f32 v2, v1  }
0x266: {  	s2 =	sor.u32 $0xA000, s21;
	v1 =	vsel vm1, v2, v1;
	v2 =	vld [tilespmem:s3+$0x380]  }
0x267: {  	s4 =	sor.u32 s1, s2;
	vm2 =	vlt.f32 v3, v1  }
0x268: {  	s3 =	sor.u32 $0xA080, s21;
	v1 =	vsel vm2, v3, v1;
	v3 =	vld [tilespmem:s4+$0x0]  }
0x269: {  	s5 =	sor.u32 s1, s3;
	vm5 =	vlt.f32 v33, v1  }
0x26a: {  	s4 =	sor.u32 $0xA100, s21;
	v34 =	vld [tilespmem:s5+$0x0];
	v1 =	vsel vm5, v33, v1  }
0x26b: {  	s6 =	sor.u32 s1, s4;
	vm6 =	vlt.f32 v2, v1  }
0x26c: {  	s5 =	sor.u32 $0xA180, s21;
	v1 =	vsel vm6, v2, v1;
	v2 =	vld [tilespmem:s6+$0x0]  }
0x26d: {  	s7 =	sor.u32 s1, s5;
	vm7 =	vlt.f32 v3, v1  }
0x26e: {  	s6 =	sor.u32 $0xA200, s21;
	v1 =	vsel vm7, v3, v1;
	v3 =	vld [tilespmem:s7+$0x0]  }
0x26f: {  	s8 =	sor.u32 s1, s6;
	vm8 =	vlt.f32 v34, v1  }
0x270: {  	s7 =	sor.u32 $0xA280, s21;
	v35 =	vld [tilespmem:s8+$0x0];
	v1 =	vsel vm8, v34, v1  }
0x271: {  	s9 =	sor.u32 s1, s7;
	vm9 =	vlt.f32 v2, v1  }
0x272: {  	s8 =	sor.u32 $0xA300, s21;
	v1 =	vsel vm9, v2, v1;
	v2 =	vld [tilespmem:s9+$0x0]  }
0x273: {  	s10 =	sor.u32 s1, s8;
	vm10 =	vlt.f32 v3, v1  }
0x274: {  	s9 =	sor.u32 $0xA380, s21;
	v1 =	vsel vm10, v3, v1;
	v3 =	vld [tilespmem:s10+$0x0]  }
0x275: {  	s11 =	sor.u32 s1, s9;
	vm11 =	vlt.f32 v35, v1  }
0x276: {  	s10 =	sor.u32 $0xC000, s21;
	v36 =	vld [tilespmem:s11+$0x0];
	v1 =	vsel vm11, v35, v1  }
0x277: {  	s12 =	sor.u32 s1, s10;
	vm12 =	vlt.f32 v2, v1  }
0x278: {  	s11 =	sor.u32 $0xC080, s21;
	v1 =	vsel vm12, v2, v1;
	v2 =	vld [tilespmem:s12+$0x0]  }
0x279: {  	s13 =	sor.u32 s1, s11;
	vm13 =	vlt.f32 v3, v1  }
0x27a: {  	s12 =	sor.u32 $0xC100, s21;
	v1 =	vsel vm13, v3, v1;
	v3 =	vld [tilespmem:s13+$0x0]  }
0x27b: {  	s28 =	sor.u32 s1, s12;
	vm14 =	vlt.f32 v36, v1  }
0x27c: {  	s14 =	sor.u32 $0xC180, s21;
	v37 =	vld [tilespmem:s28+$0x0];
	v1 =	vsel vm14, v36, v1  }
0x27d: {  	s15 =	sor.u32 s1, s14;
	vm15 =	vlt.f32 v2, v1  }
0x27e: {  	v5 =	vsel vm3, $0x1, v0;
	s13 =	sor.u32 $0xC200, s21;
	v1 =	vsel vm15, v2, v1;
	v2 =	vld [tilespmem:s15+$0x0]  }
0x27f: {  	v5 =	vsel vm4, $0x2, v5;
	s16 =	sor.u32 s1, s13;
	vm3 =	vlt.f32 v3, v1  }
0x280: {  	v5 =	vsel vm0, $0x3, v5;
	s15 =	sor.u32 $0xC280, s21;
	v1 =	vsel vm3, v3, v1;
	v3 =	vld [tilespmem:s16+$0x0]  }
0x281: {  	v5 =	vsel vm1, $0x4, v5;
	s17 =	sor.u32 s1, s15;
	vm0 =	vlt.f32 v37, v1  }
0x282: {  	v5 =	vsel vm2, $0x5, v5;
	s16 =	sor.u32 $0xC300, s21;
	v38 =	vld [tilespmem:s17+$0x0];
	v1 =	vsel vm0, v37, v1  }
0x283: {  	v5 =	vsel vm5, $0x6, v5;
	s18 =	sor.u32 s1, s16;
	vm1 =	vlt.f32 v2, v1  }
0x284: {  	v5 =	vsel vm6, $0x7, v5;
	s17 =	sor.u32 $0xC380, s21;
	v1 =	vsel vm1, v2, v1;
	v2 =	vld [tilespmem:s18+$0x0]  }
0x285: {  	v5 =	vsel vm7, $0x8, v5;
	s19 =	sor.u32 s1, s17;
	vm2 =	vlt.f32 v3, v1  }
0x286: {  	v5 =	vsel vm8, $0x9, v5;
	s18 =	sor.u32 $0xE000, s21;
	v1 =	vsel vm2, v3, v1;
	v3 =	vld [tilespmem:s19+$0x0]  }
0x287: {  	v5 =	vsel vm9, $0xA, v5;
	s20 =	sor.u32 s1, s18;
	vm9 =	vlt.f32 v38, v1  }
0x288: {  	v5 =	vsel vm10, $0xB, v5;
	s19 =	sor.u32 $0xE080, s21;
	v39 =	vld [tilespmem:s20+$0x0];
	v1 =	vsel vm9, v38, v1  }
0x289: {  	v5 =	vsel vm11, $0xC, v5;
	s22 =	sor.u32 s1, s19;
	vm10 =	vlt.f32 v2, v1  }
0x28a: {  	v5 =	vsel vm12, $0xD, v5;
	s20 =	sor.u32 $0xE100, s21;
	v1 =	vsel vm10, v2, v1;
	v2 =	vld [tilespmem:s22+$0x0]  }
0x28b: {  	v5 =	vsel vm13, $0xE, v5;
	s29 =	sor.u32 s1, s20;
	vm11 =	vlt.f32 v3, v1  }
0x28c: {  	v5 =	vsel vm14, $0xF, v5;
	v6 =	vld [tilespmem:s29+$0x0];
	s22 =	sor.u32 $0xE180, s21;
	v1 =	vsel vm11, v3, v1  }
0x28d: {  	s25 =	sor.u32 s1, s22;
	v3 =	vsel vm15, $0x10, v5;
	vm12 =	vlt.f32 v39, v1  }
0x28e: {  	v40 =	vld [tilespmem:s25+$0x0];
	s25 =	sor.u32 $0xE200, s21;
	v3 =	vsel vm3, $0x11, v3;
	v1 =	vsel vm12, v39, v1  }
0x28f: {  	s30 =	sor.u32 s1, s25;
	v3 =	vsel vm0, $0x12, v3;
	vm13 =	vlt.f32 v2, v1  }
0x290: {  	s26 =	sor.u32 $0xE280, s21;
	v41 =	vld [tilespmem:s30+$0x0];
	v3 =	vsel vm1, $0x13, v3;
	v1 =	vsel vm13, v2, v1  }
0x291: {  	s28 =	sor.u32 s1, s26;
	v2 =	vsel vm2, $0x14, v3;
	vm14 =	vlt.f32 v6, v1  }
0x292: {  	v3 =	vld [tilespmem:s28+$0x0];
	s28 =	sor.u32 $0xE300, s21;
	v2 =	vsel vm9, $0x15, v2;
	v1 =	vsel vm14, v6, v1  }
0x293: {  	s29 =	sor.u32 s1, s28;
	v2 =	vsel vm10, $0x16, v2;
	vm15 =	vlt.f32 v40, v1  }
0x294: {  	s21 =	sor.u32 $0xE380, s21;
	v42 =	vld [tilespmem:s29+$0x0];
	v2 =	vsel vm11, $0x17, v2;
	v1 =	vsel vm15, v40, v1  }
0x295: {  	s31 =	sor.u32 s1, s21;
	v2 =	vsel vm12, $0x18, v2;
	vm7 =	vlt.f32 v41, v1  }
0x296: {  	v43 =	vld [tilespmem:s31+$0x0];
	v2 =	vsel vm13, $0x19, v2;
	v1 =	vsel vm7, v41, v1  }
0x297: {  	v2 =	vsel vm14, $0x1A, v2;
	vm8 =	vlt.f32 v3, v1  }
0x298: {  	v2 =	vsel vm15, $0x1B, v2;
	v1 =	vsel vm8, v3, v1  }
0x299: {  	v2 =	vsel vm7, $0x1C, v2;
	vm9 =	vlt.f32 v42, v1  }
0x29a: {  	v2 =	vsel vm8, $0x1D, v2;
	v1 =	vsel vm9, v42, v1  }
0x29b: {  	v2 =	vsel vm9, $0x1E, v2;
	vm10 =	vlt.f32 v43, v1  }
0x29c: {  	s1 =	sor.u32 $0x10, s1;
	v1 =	vsel vm10, $0x1F, v2  }
0x29d: {  	s0 =	sor.u32 s1, s0;
	[tilespmem:s24+$0x0] =	vst v1  }
0x29e: {  	v1 =	vld [tilespmem:s0+$0x0]  }
0x29f: {  	v2 =	vld [tilespmem:s0+$0x80];
	_ =	sdelay $0x1  }
0x2a0: {  	v3 =	vld [tilespmem:s0+$0x100];
	_ =	sdelay $0x1  }
0x2a1: {  	v44 =	vld [tilespmem:s0+$0x180]  }
0x2a2: {  	vm0 =	vlt.f32 v2, v1  }
0x2a3: {  	v45 =	vld [tilespmem:s0+$0x200];
	v1 =	vsel vm0, v2, v1  }
0x2a4: {  	vm2 =	vlt.f32 v3, v1  }
0x2a5: {  	v2 =	vld [tilespmem:s0+$0x280];
	v1 =	vsel vm2, v3, v1  }
0x2a6: {  	vm1 =	vlt.f32 v44, v1  }
0x2a7: {  	v3 =	vld [tilespmem:s0+$0x300];
	v1 =	vsel vm1, v44, v1  }
0x2a8: {  	vm3 =	vlt.f32 v45, v1  }
0x2a9: {  	v46 =	vld [tilespmem:s0+$0x380];
	v1 =	vsel vm3, v45, v1  }
0x2aa: {  	s2 =	sor.u32 s1, s2;
	vm4 =	vlt.f32 v2, v1  }
0x2ab: {  	v47 =	vld [tilespmem:s2+$0x0];
	v1 =	vsel vm4, v2, v1  }
0x2ac: {  	s24 =	sor.u32 s1, s3;
	vm5 =	vlt.f32 v3, v1  }
0x2ad: {  	v2 =	vld [tilespmem:s24+$0x0];
	v1 =	vsel vm5, v3, v1  }
0x2ae: {  	s29 =	sor.u32 s1, s4;
	vm6 =	vlt.f32 v46, v1  }
0x2af: {  	v3 =	vld [tilespmem:s29+$0x0];
	v1 =	vsel vm6, v46, v1  }
0x2b0: {  	s30 =	sor.u32 s1, s5;
	vm7 =	vlt.f32 v47, v1  }
0x2b1: {  	v48 =	vld [tilespmem:s30+$0x0];
	v1 =	vsel vm7, v47, v1  }
0x2b2: {  	s31 =	sor.u32 s1, s6;
	vm8 =	vlt.f32 v2, v1  }
0x2b3: {  	v49 =	vld [tilespmem:s31+$0x0];
	v1 =	vsel vm8, v2, v1  }
0x2b4: {  	s2 =	sor.u32 s1, s7;
	vm9 =	vlt.f32 v3, v1  }
0x2b5: {  	v2 =	vld [tilespmem:s2+$0x0];
	v1 =	vsel vm9, v3, v1  }
0x2b6: {  	s3 =	sor.u32 s1, s8;
	vm10 =	vlt.f32 v48, v1  }
0x2b7: {  	v3 =	vld [tilespmem:s3+$0x0];
	v1 =	vsel vm10, v48, v1  }
0x2b8: {  	s4 =	sor.u32 s1, s9;
	vm11 =	vlt.f32 v49, v1  }
0x2b9: {  	v50 =	vld [tilespmem:s4+$0x0];
	v1 =	vsel vm11, v49, v1  }
0x2ba: {  	s5 =	sor.u32 s1, s10;
	vm12 =	vlt.f32 v2, v1  }
0x2bb: {  	v51 =	vld [tilespmem:s5+$0x0];
	v1 =	vsel vm12, v2, v1  }
0x2bc: {  	s6 =	sor.u32 s1, s11;
	vm13 =	vlt.f32 v3, v1  }
0x2bd: {  	v2 =	vld [tilespmem:s6+$0x0];
	v1 =	vsel vm13, v3, v1  }
0x2be: {  	s7 =	sor.u32 s1, s12;
	vm14 =	vlt.f32 v50, v1  }
0x2bf: {  	v3 =	vld [tilespmem:s7+$0x0];
	v1 =	vsel vm14, v50, v1  }
0x2c0: {  	s8 =	sor.u32 s1, s14;
	vm15 =	vlt.f32 v51, v1  }
0x2c1: {  	v52 =	vld [tilespmem:s8+$0x0];
	v53 =	vsel vm0, $0x1, v0;
	v1 =	vsel vm15, v51, v1  }
0x2c2: {  	s9 =	sor.u32 s1, s13;
	v54 =	vsel vm2, $0x2, v53;
	vm0 =	vlt.f32 v2, v1  }
0x2c3: {  	v55 =	vld [tilespmem:s9+$0x0];
	v5 =	vsel vm1, $0x3, v54;
	v1 =	vsel vm0, v2, v1  }
0x2c4: {  	s10 =	sor.u32 s1, s15;
	v2 =	vsel vm3, $0x4, v5;
	vm1 =	vlt.f32 v3, v1  }
0x2c5: {  	v56 =	vld [tilespmem:s10+$0x0];
	v2 =	vsel vm4, $0x5, v2;
	v1 =	vsel vm1, v3, v1  }
0x2c6: {  	s11 =	sor.u32 s1, s16;
	v2 =	vsel vm5, $0x6, v2;
	vm2 =	vlt.f32 v52, v1  }
0x2c7: {  	v3 =	vld [tilespmem:s11+$0x0];
	v2 =	vsel vm6, $0x7, v2;
	v1 =	vsel vm2, v52, v1  }
0x2c8: {  	s12 =	sor.u32 s1, s17;
	v2 =	vsel vm7, $0x8, v2;
	vm3 =	vlt.f32 v55, v1  }
0x2c9: {  	v57 =	vld [tilespmem:s12+$0x0];
	v2 =	vsel vm8, $0x9, v2;
	v1 =	vsel vm3, v55, v1  }
0x2ca: {  	s13 =	sor.u32 s1, s18;
	v2 =	vsel vm9, $0xA, v2;
	vm4 =	vlt.f32 v56, v1  }
0x2cb: {  	v58 =	vld [tilespmem:s13+$0x0];
	v2 =	vsel vm10, $0xB, v2;
	v1 =	vsel vm4, v56, v1  }
0x2cc: {  	s14 =	sor.u32 s1, s19;
	v2 =	vsel vm11, $0xC, v2;
	vm11 =	vlt.f32 v3, v1  }
0x2cd: {  	v59 =	vld [tilespmem:s14+$0x0];
	v2 =	vsel vm12, $0xD, v2;
	v1 =	vsel vm11, v3, v1  }
0x2ce: {  	s15 =	sor.u32 s1, s20;
	v2 =	vsel vm13, $0xE, v2;
	vm13 =	vlt.f32 v57, v1  }
0x2cf: {  	v3 =	vld [tilespmem:s15+$0x0];
	v2 =	vsel vm14, $0xF, v2;
	v1 =	vsel vm13, v57, v1  }
0x2d0: {  	s16 =	sor.u32 s1, s22;
	v2 =	vsel vm15, $0x10, v2;
	vm15 =	vlt.f32 v58, v1  }
0x2d1: {  	v60 =	vld [tilespmem:s16+$0x0];
	v2 =	vsel vm0, $0x11, v2;
	v1 =	vsel vm15, v58, v1  }
0x2d2: {  	s17 =	sor.u32 s1, s25;
	v2 =	vsel vm1, $0x12, v2;
	vm9 =	vlt.f32 v59, v1  }
0x2d3: {  	v61 =	vld [tilespmem:s17+$0x0];
	v2 =	vsel vm2, $0x13, v2;
	v1 =	vsel vm9, v59, v1  }
0x2d4: {  	s18 =	sor.u32 s1, s26;
	v2 =	vsel vm3, $0x14, v2;
	vm10 =	vlt.f32 v3, v1  }
0x2d5: {  	v62 =	vld [tilespmem:s18+$0x0];
	v2 =	vsel vm4, $0x15, v2;
	v1 =	vsel vm10, v3, v1  }
0x2d6: {  	s19 =	sor.u32 s1, s28;
	v2 =	vsel vm11, $0x16, v2;
	vm11 =	vlt.f32 v60, v1  }
0x2d7: {  	v3 =	vld [tilespmem:s19+$0x0];
	v2 =	vsel vm13, $0x17, v2;
	v1 =	vsel vm11, v60, v1  }
0x2d8: {  	s20 =	sor.u32 s1, s21;
	v2 =	vsel vm15, $0x18, v2;
	vm12 =	vlt.f32 v61, v1  }
0x2d9: {  	v63 =	vld [tilespmem:s20+$0x0];
	v2 =	vsel vm9, $0x19, v2;
	v1 =	vsel vm12, v61, v1  }
0x2da: {  	s22 =	sld [smem:$0x7FC];
	v2 =	vsel vm10, $0x1A, v2;
	vm13 =	vlt.f32 v62, v1  }
0x2db: {  	s21 =	sand.u32 $0x380, s23;
	s23 =	sld [smem:$0x7F4];
	v2 =	vsel vm11, $0x1B, v2;
	v1 =	vsel vm13, v62, v1  }
0x2dc: {  	v2 =	vsel vm12, $0x1C, v2;
	vm14 =	vlt.f32 v3, v1  }
0x2dd: {  	s25 =	sld [smem:$0x7F6];
	v2 =	vsel vm13, $0x1D, v2;
	v1 =	vsel vm14, v3, v1  }
0x2de: {  	s26 =	simm.s32 $0x10000;
	s2 =	sor.u32 s23, s22;
	v2 =	vsel vm14, $0x1E, v2;
	vm15 =	vlt.f32 v63, v1  }
0x2df: {  	s28 =	simm.s32 $0x80;
	s0 =	sor.u32 s1, s21;
	s24 =	sshrl.u32 s2, $0x3;
	v1 =	vsel vm15, $0x1F, v2  }
0x2e0: {  	s30 =	simm.s32 $0x3;
	s29 =	simm.s32 $0x400;
	[tilespmem:s0+$0x10000] =	vst v1;
	s0 =	sadd.s32 s25, s24  }
0x2e1: {  	[hbm4b:s0+s28] =	stream.strided.scatter [tilespmem:s26], [sflag:$0x3], $0x400, s29, s28, $0x38;
	[tilespmem:$0x10400] =	vst v63  }
0x2e2: {  	_ =	swait.ge [sflag:s30], $0x400  }
0x2e3: {  	s31 =	sld [smem:$0x7F2];
	_ =	sdelay $0x2  }
0x2e4: {  	s1 =	sadd.s32 $0x1, s31  }
0x2e5: {  	p0 =	sne.s32 s1, $0x4  }
.Ltmp2:
0x2e6: {  	_ = 	snop;
	(pc) =	sbr.rel @p0 .LBB2_2-.Ltmp2, $3  }
0x2e7: {  	_ =	sdelay $0x1  }
0x2e8: {  	[sflag:s30] =	ssyncset.done $0x0  }
0x2e9: {  	[sflag:s30] =	ssyncadd.s32 $0xFFFFFC00  }
0x2ea: {  	s1 =	sld [smem:$0x7F5]  }
0x2eb: {  	s0 =	sld [smem:$0x7FD];
	_ =	sdelay $0x1  }
0x2ec: {  	s1 =	sadd.s32 $0x1, s1  }
0x2ed: {  	p0 =	sne.s32 s1, s0  }
.Ltmp3:
0x2ee: {  	_ = 	snop;
	(pc) =	sbr.rel @p0 .LBB2_1-.Ltmp3, $1  }
0x2ef: {  	_ =	sdelay $0x3  }
0x2f0: {  	_ =	sfence.sel $0x180000  }
0x2f1: {  	[bflag:$0x0] =	sbarrier.arrive $0xFFFF  }
0x2f2: {  	_ =	strace $0x90000047  }
0x2f3: {  	s0 =	stileid.u32;
	[bflag:$0x2] =	sbarrier.arrive $0xFFFF  }
0x2f4: {  	p0 =	sne.s32 s0, $0x0;
	s0 =	rddreg [dreg:$0x2]  }
0x2f5: {  	s0 =	sadd.s32 @!p0 $0x100000, s0  }
0x2f6: {  	[sflag:s0] =	ssyncadd.tile.s32 @!p0 $0x1;
	_ =	shalt  }
.Lfunc_end2:
_tile_overlayer_lowered:
.L_overlay_start_2:
0x2f7: {  	(tag) =	ssettag $0x2  }
0x2f8: {  	s0 =	rddreg [dreg:$0x0];
	s2 =	stileid.u32  }
0x2f9: {  	s1 =	rddreg [dreg:$0x1];
	p0 =	sne.s32 s2, $0x0  }
0x2fa: {  	s3 =	rddreg [dreg:$0x2];
	[bflag:$0x3] =	sbarrier.arrive $0xFFFF;
	s2 =	simm.s32 @!p0 $0x1C03  }
0x2fb: {  	[timem:s3], [sflag:s2] =	dma.local @!p0 [hbm:s0], s1  }
0x2fc: {  	s0 =	simm.s32 @!p0 $0x3  }
0x2fd: {  	_ =	swait.ge @!p0 [sflag:s0], s1  }
0x2fe: {  	s1 =	ssub.s32 @!p0 $0x0, s1;
	[sflag:s0] =	ssyncset.done @!p0 $0x0  }
0x2ff: {  	[sflag:s0] =	ssyncadd.s32 @!p0 s1  }
0x300: {  	[bflag:$0x3] =	sbarrier.arrive $0xFFFF  }
0x301: {  	_ =	shalt  }

</sc_bundles>
